<compile_context>
chip_gen: v7x
topology: tpu7x:2x2x1
jax: 0.10.2.dev20260603
libtpu: 0.0.44.dev20260713+nightly
codegen_flags: <defaults>
</compile_context>

<pallas_src>
import functools
import jax
import jax.numpy as jnp
from jax import lax
from jax.experimental import pallas as pl
from jax.experimental.pallas import tpu as pltpu, tpu_sc as plsc

N = 10752
E = 903168
G = 128
NPAD = 10880
NBLK = 8
BLKROWS = NPAD // NBLK
W = 128

NC, NS = 2, 16
NW = NC * NS
ET = E + N
EPT = ET // NW
C1 = 112
C2 = 80
NCH1 = EPT // C1
NCH2 = EPT // C2

ROWS_PT = NPAD // NS
AW = 128


def _zero_acc(outb, acc_sh, s):
    rows = outb.shape[0]

    @pl.loop(0, rows)
    def _rows(i):
        for j in range(AW // 16):
            outb[i, pl.ds(16 * j, 16)] = jnp.zeros((16,), jnp.float32)
    done = 0
    while done < ROWS_PT:
        r = min(rows, ROWS_PT - done)
        pltpu.sync_copy(outb.at[pl.ds(0, r)],
                        acc_sh.at[pl.ds(s * ROWS_PT + done, r)])
        done += r
    plsc.subcore_barrier()


def _writeback(acc_sh, out_hbm, c, s):
    plsc.subcore_barrier()
    pltpu.sync_copy(acc_sh.at[pl.ds(s * ROWS_PT, ROWS_PT)],
                    out_hbm.at[c, pl.ds(s * ROWS_PT, ROWS_PT)])


IDXB = 3


def _edge_pass(t_hbm, src_hbm, dst_hbm, out_hbm,
               idxs_big, idxd_big, idx_d, inb, dnb, outb, acc_sh, sem0, sem1,
               *, body):
    c = lax.axis_index("c")
    s = lax.axis_index("s")
    _zero_acc(outb, acc_sh, s)
    base_e = (c * NS + s) * EPT

    @pl.loop(0, NCH1 // IDXB)
    def _outer(gg):
        gbase = base_e + gg * (IDXB * C1)
        pltpu.sync_copy(src_hbm.at[pl.ds(gbase, IDXB * C1)], idxs_big)
        pltpu.sync_copy(dst_hbm.at[pl.ds(gbase, IDXB * C1)], idxd_big)
        for u in range(IDXB):
            for v in range(C1 // 16):
                idx_d[pl.ds(v * 16, 16)] = idxd_big[pl.ds(u * C1 + v * 16, 16)]
            cp0 = pltpu.async_copy(
                t_hbm.at[idxs_big.at[pl.ds(u * C1, C1)]], inb, sem0)
            cp1 = pltpu.async_copy(
                t_hbm.at[idxd_big.at[pl.ds(u * C1, C1)]], dnb, sem1)
            cp0.wait()
            cp1.wait()

            @pl.loop(0, C1)
            def _edges(e):
                body(e, inb, dnb, outb)

            pltpu.sync_copy(outb, acc_sh.at[idx_d], add=True)

    _writeback(acc_sh, out_hbm, c, s)


def _edge_body1(e, inb, dnb, outb):
    as0 = inb[e, pl.ds(64, 16)]
    as1 = inb[e, pl.ds(80, 16)]
    ad0 = dnb[e, pl.ds(96, 16)]
    ad1 = dnb[e, pl.ds(112, 16)]
    t0 = as0 + ad0
    t1 = as1 + ad1
    s0 = jnp.exp(jnp.maximum(t0, t0 * 0.2))
    s1 = jnp.exp(jnp.maximum(t1, t1 * 0.2))
    outb[e, pl.ds(0, 16)] = inb[e, pl.ds(0, 16)] * s0
    outb[e, pl.ds(16, 16)] = inb[e, pl.ds(16, 16)] * s1
    outb[e, pl.ds(32, 16)] = inb[e, pl.ds(32, 16)] * s0
    outb[e, pl.ds(48, 16)] = inb[e, pl.ds(48, 16)] * s1
    outb[e, pl.ds(64, 16)] = s0
    outb[e, pl.ds(80, 16)] = s1


def _edge_body2(e, inb, dnb, outb):
    t = inb[e, pl.ds(64, 16)] + dnb[e, pl.ds(80, 16)]
    s = jnp.exp(jnp.maximum(t, t * 0.2))
    for k in range(4):
        outb[e, pl.ds(16 * k, 16)] = inb[e, pl.ds(16 * k, 16)] * s
    outb[e, pl.ds(64, 16)] = s


def _make_edge_kernel(body):
    mesh = plsc.VectorSubcoreMesh(core_axis_name="c", subcore_axis_name="s",
                                  num_cores=NC, num_subcores=NS)
    return pl.kernel(
        functools.partial(_edge_pass, body=body),
        out_type=jax.ShapeDtypeStruct((NC, NPAD, AW), jnp.float32),
        mesh=mesh,
        scratch_types=[
            pltpu.VMEM((IDXB * C1,), jnp.int32),
            pltpu.VMEM((IDXB * C1,), jnp.int32),
            pltpu.VMEM((C1,), jnp.int32),
            pltpu.VMEM((C1, W), jnp.float32),
            pltpu.VMEM((C1, W), jnp.float32),
            pltpu.VMEM((C1, AW), jnp.float32),
            pltpu.VMEM_SHARED((NPAD, AW), jnp.float32),
            pltpu.SemaphoreType.DMA,
            pltpu.SemaphoreType.DMA,
        ],
    )



def _prep1_body(x_ref, w_ref, asrc_ref, adst_ref, t1_ref):
    h = jnp.dot(x_ref[...], w_ref[...], preferred_element_type=jnp.float32)
    ha = h * asrc_ref[...]
    as_ = ha[:, :32] + ha[:, 32:]
    hd = h * adst_ref[...]
    ad_ = hd[:, :32] + hd[:, 32:]
    t1_ref[...] = jnp.concatenate([h, as_, ad_], axis=1)


def _comb1_body(acc_ref, w2_ref, b1_ref, asrc_ref, adst_ref, t2_ref):
    num = acc_ref[0, :, :64] + acc_ref[1, :, :64]
    den = acc_ref[0, :, 64:96] + acc_ref[1, :, 64:96]
    den64 = jnp.concatenate([den, den], axis=1)
    h1 = num / (den64 + 1e-16) + b1_ref[...]
    h1 = jnp.where(h1 > 0, h1, jnp.exp(jnp.minimum(h1, 0.0)) - 1.0)
    h2 = jnp.dot(h1, w2_ref[...], preferred_element_type=jnp.float32)
    a_s = jnp.sum(h2 * asrc_ref[...], axis=1, keepdims=True)
    a_d = jnp.sum(h2 * adst_ref[...], axis=1, keepdims=True)
    n = h2.shape[0]
    t2_ref[...] = jnp.concatenate(
        [h2, jnp.broadcast_to(a_s, (n, 16)), jnp.broadcast_to(a_d, (n, 16)),
         jnp.zeros((n, 32), jnp.float32)], axis=1)


def _pool_body(acc_ref, batch_ref, b2_ref, fcw_ref, fcb_ref, out_ref, s_ref):
    i = pl.program_id(0)

    @pl.when(i == 0)
    def _():
        s_ref[...] = jnp.zeros_like(s_ref)

    num = acc_ref[0, :, :64] + acc_ref[1, :, :64]
    den = acc_ref[0, :, 64:65] + acc_ref[1, :, 64:65]
    h2 = num / (den + 1e-16) + b2_ref[...]
    h2 = jnp.where(h2 > 0, h2, jnp.exp(jnp.minimum(h2, 0.0)) - 1.0)
    hw = jnp.concatenate([h2, jnp.ones((h2.shape[0], 1), jnp.float32)], axis=1)
    b = batch_ref[0]
    iota = lax.broadcasted_iota(jnp.int32, (G, h2.shape[0]), 0)
    oh = (b == iota).astype(jnp.float32)
    s_ref[...] += jnp.dot(oh, hw, preferred_element_type=jnp.float32)

    @pl.when(i == pl.num_programs(0) - 1)
    def _():
        pooled = s_ref[:, :64] / jnp.maximum(s_ref[:, 64:65], 1.0)
        out_ref[...] = jnp.dot(pooled, fcw_ref[...],
                               preferred_element_type=jnp.float32) + fcb_ref[...]


def kernel(x, edge_index, batch, W1, att_src1, att_dst1, b1,
           W2, att_src2, att_dst2, b2, fcW, fcb):
    f32 = jnp.float32
    W1p = W1.reshape(84, 32, 2).transpose(0, 2, 1).reshape(84, 64)
    W1pp = jnp.pad(W1p, ((0, 44), (0, 0)))
    A1s = att_src1.T.reshape(1, 64)
    A1d = att_dst1.T.reshape(1, 64)
    b1p = b1.reshape(32, 2).T.reshape(1, 64)
    W2p = W2.reshape(32, 2, 64).transpose(1, 0, 2).reshape(64, 64)
    A2s = att_src2.reshape(1, 64)
    A2d = att_dst2.reshape(1, 64)
    b2r = b2.reshape(1, 64)

    x_pad = jnp.pad(x, ((0, NPAD - N), (0, 128 - x.shape[1])))

    loop = jnp.arange(N, dtype=jnp.int32)
    src = jnp.concatenate([edge_index[0].astype(jnp.int32), loop])
    dst = jnp.concatenate([edge_index[1].astype(jnp.int32), loop])
    batch_pad = jnp.concatenate(
        [batch.astype(jnp.int32), jnp.full((NPAD - N,), G, jnp.int32)]
    ).reshape(NBLK, 1, BLKROWS)

    t1 = pl.pallas_call(
        _prep1_body,
        grid=(NBLK,),
        in_specs=[
            pl.BlockSpec((BLKROWS, 128), lambda i: (i, 0)),
            pl.BlockSpec((128, 64), lambda i: (0, 0)),
            pl.BlockSpec((1, 64), lambda i: (0, 0)),
            pl.BlockSpec((1, 64), lambda i: (0, 0)),
        ],
        out_specs=pl.BlockSpec((BLKROWS, W), lambda i: (i, 0)),
        out_shape=jax.ShapeDtypeStruct((NPAD, W), f32),
    )(x_pad, W1pp, A1s, A1d)

    acc1 = _make_edge_kernel(_edge_body1)(t1, src, dst)

    t2 = pl.pallas_call(
        _comb1_body,
        grid=(NBLK,),
        in_specs=[
            pl.BlockSpec((2, BLKROWS, AW), lambda i: (0, i, 0)),
            pl.BlockSpec((64, 64), lambda i: (0, 0)),
            pl.BlockSpec((1, 64), lambda i: (0, 0)),
            pl.BlockSpec((1, 64), lambda i: (0, 0)),
            pl.BlockSpec((1, 64), lambda i: (0, 0)),
        ],
        out_specs=pl.BlockSpec((BLKROWS, W), lambda i: (i, 0)),
        out_shape=jax.ShapeDtypeStruct((NPAD, W), f32),
    )(acc1, W2p, b1p, A2s, A2d)

    acc2 = _make_edge_kernel(_edge_body2)(t2, src, dst)

    out = pl.pallas_call(
        _pool_body,
        grid=(NBLK,),
        in_specs=[
            pl.BlockSpec((2, BLKROWS, AW), lambda i: (0, i, 0)),
            pl.BlockSpec((1, 1, BLKROWS), lambda i: (i, 0, 0)),
            pl.BlockSpec((1, 64), lambda i: (0, 0)),
            pl.BlockSpec((64, 1), lambda i: (0, 0)),
            pl.BlockSpec((1, 1), lambda i: (0, 0)),
        ],
        out_specs=pl.BlockSpec((G, 1), lambda i: (0, 0)),
        out_shape=jax.ShapeDtypeStruct((G, 1), f32),
        scratch_shapes=[pltpu.VMEM((G, 65), f32)],
    )(acc2, batch_pad, b2r, fcW, fcb.reshape(1, 1))

    z = jnp.zeros((1,), f32)
    return (out, z, z, z, z, z, z)

# --- scband reference (transcript-rebuilt; emitter-appended) ---
"""Pipeline reference for scband-gatnet-orig-26336739459199 (READ-ONLY COPY).

The authoritative reference and input builder live on the scoring server;
editing this copy changes nothing except your own understanding.
"""

import jax, jax.numpy as jnp
import numpy as np

N = 10752
E = 903168
G = 128


def setup_inputs(seed: int = 0) -> dict:
    key = jax.random.key(seed)
    ks = jax.random.split(key, 12)
    x = jax.random.normal(ks[0], (N, 84), dtype=jnp.float32)
    edge_index = jax.random.randint(ks[1], (2, E), 0, N, dtype=jnp.int64)
    batch = jnp.sort(jax.random.randint(ks[2], (N,), 0, G, dtype=jnp.int64))
    # GATConv1: in=84, heads=32, out_per_head=2 (concat -> 64)
    W1 = jax.random.normal(ks[3], (84, 64), dtype=jnp.float32) * 0.1
    att_src1 = jax.random.normal(ks[4], (32, 2), dtype=jnp.float32) * 0.1
    att_dst1 = jax.random.normal(ks[5], (32, 2), dtype=jnp.float32) * 0.1
    b1 = jnp.zeros((64,), dtype=jnp.float32)
    # GATConv2: in=64, heads=1, out=64
    W2 = jax.random.normal(ks[6], (64, 64), dtype=jnp.float32) * 0.1
    att_src2 = jax.random.normal(ks[7], (1, 64), dtype=jnp.float32) * 0.1
    att_dst2 = jax.random.normal(ks[8], (1, 64), dtype=jnp.float32) * 0.1
    b2 = jnp.zeros((64,), dtype=jnp.float32)
    fcW = jax.random.normal(ks[9], (64, 1), dtype=jnp.float32) * 0.1
    fcb = jnp.zeros((1,), dtype=jnp.float32)
    return {"x": x, "edge_index": edge_index, "batch": batch,
            "W1": W1, "att_src1": att_src1, "att_dst1": att_dst1, "b1": b1,
            "W2": W2, "att_src2": att_src2, "att_dst2": att_dst2, "b2": b2,
            "fcW": fcW, "fcb": fcb}


def _gat_conv(x, src, dst, W, a_src, a_dst, b, heads, d):
    n = x.shape[0]
    h = (x @ W).reshape(n, heads, d)
    as_ = (h * a_src[None, :, :]).sum(-1)  # [n, heads]
    ad_ = (h * a_dst[None, :, :]).sum(-1)
    e = jax.nn.leaky_relu(as_[src] + ad_[dst], 0.2)  # [E, heads]
    emax = jax.ops.segment_max(e, dst, num_segments=n)
    ee = jnp.exp(e - emax[dst])
    denom = jax.ops.segment_sum(ee, dst, num_segments=n)
    alpha = ee / (denom[dst] + 1e-16)
    out = jax.ops.segment_sum(h[src] * alpha[:, :, None], dst, num_segments=n)
    return out.reshape(n, heads * d) + b[None, :]


def reference(x, edge_index, batch, W1, att_src1, att_dst1, b1, W2, att_src2, att_dst2, b2, fcW, fcb):
    n = x.shape[0]
    loop = jnp.arange(n, dtype=edge_index.dtype)
    src = jnp.concatenate([edge_index[0], loop])
    dst = jnp.concatenate([edge_index[1], loop])
    h1 = jax.nn.elu(_gat_conv(x, src, dst, W1, att_src1, att_dst1, b1, 32, 2))
    h2 = jax.nn.elu(_gat_conv(h1, src, dst, W2, att_src2, att_dst2, b2, 1, 64))
    sums = jax.ops.segment_sum(h2, batch, num_segments=G)
    counts = jax.ops.segment_sum(jnp.ones((n,), dtype=h2.dtype), batch, num_segments=G)
    pooled = sums / jnp.clip(counts, 1.0)[:, None]
    out = pooled @ fcW + fcb[None, :]
    z = jnp.zeros((1,), dtype=jnp.float32)
    return (out, z, z, z, z, z, z)

if __name__ == "__main__":
    import jax
    _d = setup_inputs()
    print(jax.jit(kernel)(*tuple(_d.values())))

</pallas_src>

<mosaic_0001>
#map = affine_map<(d0, d1) -> (0, 0)>
#map1 = affine_map<(d0, d1) -> (0)>
#map2 = affine_map<(d0, d1) -> (0, 0, 0)>
module attributes {stable_mosaic.version = 14 : i64} {
  func.func @_edge_pass(%arg0: i32, %arg1: i32, %arg2: memref<10880x128xf32, #tpu.memory_space<hbm>>, %arg3: memref<913920xi32, #tpu.memory_space<hbm>>, %arg4: memref<913920xi32, #tpu.memory_space<hbm>>, %arg5: memref<2x10880x128xf32, #tpu.memory_space<hbm>>, %arg6: memref<336xi32, #tpu.memory_space<vmem>>, %arg7: memref<336xi32, #tpu.memory_space<vmem>>, %arg8: memref<112xi32, #tpu.memory_space<vmem>>, %arg9: memref<112x128xf32, #tpu.memory_space<vmem>>, %arg10: memref<112x128xf32, #tpu.memory_space<vmem>>, %arg11: memref<112x128xf32, #tpu.memory_space<vmem>>, %arg12: memref<10880x128xf32, #tpu.memory_space<vmem_shared>>, %arg13: memref<!tpu.dma_semaphore, #tpu.memory_space<semaphore_mem>>, %arg14: memref<!tpu.dma_semaphore, #tpu.memory_space<semaphore_mem>>) attributes {dimension_semantics = [#tpu.dimension_semantics<core_parallel>, #tpu.dimension_semantics<subcore_parallel>], iteration_bounds = array<i64: 2, 16>, scalar_prefetch = 0 : i64, scratch_operands = 9 : i64, tpu.core_type = #tpu.core_type<sc_vector_subcore>, window_params = [{transform_indices = #map}, {transform_indices = #map1}, {transform_indices = #map1}, {transform_indices = #map2}]} {
    %scan3A = arith.constant 0 : i32
    %scan3A_0 = arith.constant 112 : i32
    %scan3A_1 = arith.addi %scan3A, %scan3A_0 : i32
    %scan3A_2 = arith.constant 1 : i32
    scf.for %scan3A_45 = %scan3A to %scan3A_1 step %scan3A_2  : i32 {
      %mul3A_46 = arith.constant 1 : i32
      %mul3A_47 = arith.muli %scan3A_45, %mul3A_46 : i32
      %add3A_48 = arith.constant 0 : i32
      %add3A_49 = arith.addi %add3A_48, %mul3A_47 : i32
      %broadcast_in_dim3A = arith.constant 0.000000e+00 : f32
      %broadcast_in_dim3A_50 = vector.broadcast %broadcast_in_dim3A : f32 to vector<16xf32>
      %swap3A = arith.index_cast %add3A_49 : i32 to index
      %swap3A_51 = arith.constant 0 : index
      %swap3A_52 = tpu.vector_load %arg11[%swap3A, %swap3A_51] {strides = array<i32>} : memref<112x128xf32, #tpu.memory_space<vmem>>, vector<1x16xf32>,
      %swap3A_53 = vector.shape_cast %swap3A_52 : vector<1x16xf32> to vector<16xf32>
      %swap3A_54 = vector.shape_cast %broadcast_in_dim3A_50 : vector<16xf32> to vector<1x16xf32>
      tpu.vector_store %arg11[%swap3A, %swap3A_51], %swap3A_54 {strides = array<i32>} : memref<112x128xf32, #tpu.memory_space<vmem>>, vector<1x16xf32>,
      %broadcast_in_dim3A_55 = arith.constant 0.000000e+00 : f32
      %broadcast_in_dim3A_56 = vector.broadcast %broadcast_in_dim3A_55 : f32 to vector<16xf32>
      %swap3A_57 = arith.index_cast %add3A_49 : i32 to index
      %swap3A_58 = arith.constant 16 : index
      %swap3A_59 = tpu.vector_load %arg11[%swap3A_57, %swap3A_58] {strides = array<i32>} : memref<112x128xf32, #tpu.memory_space<vmem>>, vector<1x16xf32>,
      %swap3A_60 = vector.shape_cast %swap3A_59 : vector<1x16xf32> to vector<16xf32>
      %swap3A_61 = vector.shape_cast %broadcast_in_dim3A_56 : vector<16xf32> to vector<1x16xf32>
      tpu.vector_store %arg11[%swap3A_57, %swap3A_58], %swap3A_61 {strides = array<i32>} : memref<112x128xf32, #tpu.memory_space<vmem>>, vector<1x16xf32>,
      %broadcast_in_dim3A_62 = arith.constant 0.000000e+00 : f32
      %broadcast_in_dim3A_63 = vector.broadcast %broadcast_in_dim3A_62 : f32 to vector<16xf32>
      %swap3A_64 = arith.index_cast %add3A_49 : i32 to index
      %swap3A_65 = arith.constant 32 : index
      %swap3A_66 = tpu.vector_load %arg11[%swap3A_64, %swap3A_65] {strides = array<i32>} : memref<112x128xf32, #tpu.memory_space<vmem>>, vector<1x16xf32>,
      %swap3A_67 = vector.shape_cast %swap3A_66 : vector<1x16xf32> to vector<16xf32>
      %swap3A_68 = vector.shape_cast %broadcast_in_dim3A_63 : vector<16xf32> to vector<1x16xf32>
      tpu.vector_store %arg11[%swap3A_64, %swap3A_65], %swap3A_68 {strides = array<i32>} : memref<112x128xf32, #tpu.memory_space<vmem>>, vector<1x16xf32>,
      %broadcast_in_dim3A_69 = arith.constant 0.000000e+00 : f32
      %broadcast_in_dim3A_70 = vector.broadcast %broadcast_in_dim3A_69 : f32 to vector<16xf32>
      %swap3A_71 = arith.index_cast %add3A_49 : i32 to index
      %swap3A_72 = arith.constant 48 : index
      %swap3A_73 = tpu.vector_load %arg11[%swap3A_71, %swap3A_72] {strides = array<i32>} : memref<112x128xf32, #tpu.memory_space<vmem>>, vector<1x16xf32>,
      %swap3A_74 = vector.shape_cast %swap3A_73 : vector<1x16xf32> to vector<16xf32>
      %swap3A_75 = vector.shape_cast %broadcast_in_dim3A_70 : vector<16xf32> to vector<1x16xf32>
      tpu.vector_store %arg11[%swap3A_71, %swap3A_72], %swap3A_75 {strides = array<i32>} : memref<112x128xf32, #tpu.memory_space<vmem>>, vector<1x16xf32>,
      %broadcast_in_dim3A_76 = arith.constant 0.000000e+00 : f32
      %broadcast_in_dim3A_77 = vector.broadcast %broadcast_in_dim3A_76 : f32 to vector<16xf32>
      %swap3A_78 = arith.index_cast %add3A_49 : i32 to index
      %swap3A_79 = arith.constant 64 : index
      %swap3A_80 = tpu.vector_load %arg11[%swap3A_78, %swap3A_79] {strides = array<i32>} : memref<112x128xf32, #tpu.memory_space<vmem>>, vector<1x16xf32>,
      %swap3A_81 = vector.shape_cast %swap3A_80 : vector<1x16xf32> to vector<16xf32>
      %swap3A_82 = vector.shape_cast %broadcast_in_dim3A_77 : vector<16xf32> to vector<1x16xf32>
      tpu.vector_store %arg11[%swap3A_78, %swap3A_79], %swap3A_82 {strides = array<i32>} : memref<112x128xf32, #tpu.memory_space<vmem>>, vector<1x16xf32>,
      %broadcast_in_dim3A_83 = arith.constant 0.000000e+00 : f32
      %broadcast_in_dim3A_84 = vector.broadcast %broadcast_in_dim3A_83 : f32 to vector<16xf32>
      %swap3A_85 = arith.index_cast %add3A_49 : i32 to index
      %swap3A_86 = arith.constant 80 : index
      %swap3A_87 = tpu.vector_load %arg11[%swap3A_85, %swap3A_86] {strides = array<i32>} : memref<112x128xf32, #tpu.memory_space<vmem>>, vector<1x16xf32>,
      %swap3A_88 = vector.shape_cast %swap3A_87 : vector<1x16xf32> to vector<16xf32>
      %swap3A_89 = vector.shape_cast %broadcast_in_dim3A_84 : vector<16xf32> to vector<1x16xf32>
      tpu.vector_store %arg11[%swap3A_85, %swap3A_86], %swap3A_89 {strides = array<i32>} : memref<112x128xf32, #tpu.memory_space<vmem>>, vector<1x16xf32>,
      %broadcast_in_dim3A_90 = arith.constant 0.000000e+00 : f32
      %broadcast_in_dim3A_91 = vector.broadcast %broadcast_in_dim3A_90 : f32 to vector<16xf32>
      %swap3A_92 = arith.index_cast %add3A_49 : i32 to index
      %swap3A_93 = arith.constant 96 : index
      %swap3A_94 = tpu.vector_load %arg11[%swap3A_92, %swap3A_93] {strides = array<i32>} : memref<112x128xf32, #tpu.memory_space<vmem>>, vector<1x16xf32>,
      %swap3A_95 = vector.shape_cast %swap3A_94 : vector<1x16xf32> to vector<16xf32>
      %swap3A_96 = vector.shape_cast %broadcast_in_dim3A_91 : vector<16xf32> to vector<1x16xf32>
      tpu.vector_store %arg11[%swap3A_92, %swap3A_93], %swap3A_96 {strides = array<i32>} : memref<112x128xf32, #tpu.memory_space<vmem>>, vector<1x16xf32>,
      %broadcast_in_dim3A_97 = arith.constant 0.000000e+00 : f32
      %broadcast_in_dim3A_98 = vector.broadcast %broadcast_in_dim3A_97 : f32 to vector<16xf32>
      %swap3A_99 = arith.index_cast %add3A_49 : i32 to index
      %swap3A_100 = arith.constant 112 : index
      %swap3A_101 = tpu.vector_load %arg11[%swap3A_99, %swap3A_100] {strides = array<i32>} : memref<112x128xf32, #tpu.memory_space<vmem>>, vector<1x16xf32>,
      %swap3A_102 = vector.shape_cast %swap3A_101 : vector<1x16xf32> to vector<16xf32>
      %swap3A_103 = vector.shape_cast %broadcast_in_dim3A_98 : vector<16xf32> to vector<1x16xf32>
      tpu.vector_store %arg11[%swap3A_99, %swap3A_100], %swap3A_103 {strides = array<i32>} : memref<112x128xf32, #tpu.memory_space<vmem>>, vector<1x16xf32>,
    }
    %scan3A_3 = arith.constant 112 : i32
    %mul3A = arith.constant 680 : i32
    %mul3A_4 = arith.muli %arg1, %mul3A : i32
    %add3A = arith.constant 0 : i32
    %add3A_5 = arith.addi %mul3A_4, %add3A : i32
    "tpu.region"() ({
      %run_scoped3A = tpu.sem_alloc : memref<!tpu.dma_semaphore, #tpu.memory_space<semaphore_mem>>
      %dma_start3A = arith.constant 0 : i32
      %dma_start3A_45 = arith.constant 0 : i32
      %dma_start3A_46 = tpu.memref_slice %arg11[%dma_start3A, %dma_start3A_45] : memref<112x128xf32, #tpu.memory_space<vmem>> -> memref<112x128xf32, #tpu.memory_space<vmem>>
      %dma_start3A_47 = arith.constant 0 : i32
      %dma_start3A_48 = tpu.memref_slice %arg12[%add3A_5, %dma_start3A_47] : memref<10880x128xf32, #tpu.memory_space<vmem_shared>> -> memref<112x128xf32, #tpu.memory_space<vmem_shared>>
      %dma_start3A_49 = arith.constant 0 : i32
      %dma_start3A_50 = tpu.memref_slice %arg12[%add3A_5, %dma_start3A_49] : memref<10880x128xf32, #tpu.memory_space<vmem_shared>> -> memref<112x128xf32, #tpu.memory_space<vmem_shared>>
      %dma_start3A_51 = arith.constant 0 : i32
      %dma_start3A_52 = arith.constant 0 : i32
      %dma_start3A_53 = tpu.memref_slice %arg11[%dma_start3A_51, %dma_start3A_52] : memref<112x128xf32, #tpu.memory_space<vmem>> -> memref<112x128xf32, #tpu.memory_space<vmem>>
      tpu.enqueue_dma source(%dma_start3A_53 : memref<112x128xf32, #tpu.memory_space<vmem>>) target(%dma_start3A_50 : memref<112x128xf32, #tpu.memory_space<vmem_shared>>) target_semaphore(%run_scoped3A : memref<!tpu.dma_semaphore, #tpu.memory_space<semaphore_mem>>)
      %dma_wait3A = arith.constant 0 : i32
      %dma_wait3A_54 = arith.constant 0 : i32
      %dma_wait3A_55 = tpu.memref_slice %arg11[%dma_wait3A, %dma_wait3A_54] : memref<112x128xf32, #tpu.memory_space<vmem>> -> memref<112x128xf32, #tpu.memory_space<vmem>>
      %dma_wait3A_56 = arith.constant 0 : i32
      %dma_wait3A_57 = tpu.memref_slice %arg12[%add3A_5, %dma_wait3A_56] : memref<10880x128xf32, #tpu.memory_space<vmem_shared>> -> memref<112x128xf32, #tpu.memory_space<vmem_shared>>
      %dma_wait3A_58 = arith.constant 0 : i32
      %dma_wait3A_59 = tpu.memref_slice %arg12[%add3A_5, %dma_wait3A_58] : memref<10880x128xf32, #tpu.memory_space<vmem_shared>> -> memref<112x128xf32, #tpu.memory_space<vmem_shared>>
      %dma_wait3A_60 = arith.constant 0 : i32
      %dma_wait3A_61 = arith.constant 0 : i32
      %dma_wait3A_62 = tpu.memref_slice %arg11[%dma_wait3A_60, %dma_wait3A_61] : memref<112x128xf32, #tpu.memory_space<vmem>> -> memref<112x128xf32, #tpu.memory_space<vmem>>
      tpu.wait_dma2 semaphore(%run_scoped3A : memref<!tpu.dma_semaphore, #tpu.memory_space<semaphore_mem>>) src(%dma_wait3A_62 : memref<112x128xf32, #tpu.memory_space<vmem>>) dst(%dma_wait3A_59 : memref<112x128xf32, #tpu.memory_space<vmem_shared>>)
      tpu.yield
    }) : () -> ()
    %mul3A_6 = arith.constant 680 : i32
    %mul3A_7 = arith.muli %arg1, %mul3A_6 : i32
    %add3A_8 = arith.constant 112 : i32
    %add3A_9 = arith.addi %mul3A_7, %add3A_8 : i32
    "tpu.region"() ({
      %run_scoped3A = tpu.sem_alloc : memref<!tpu.dma_semaphore, #tpu.memory_space<semaphore_mem>>
      %dma_start3A = arith.constant 0 : i32
      %dma_start3A_45 = arith.constant 0 : i32
      %dma_start3A_46 = tpu.memref_slice %arg11[%dma_start3A, %dma_start3A_45] : memref<112x128xf32, #tpu.memory_space<vmem>> -> memref<112x128xf32, #tpu.memory_space<vmem>>
      %dma_start3A_47 = arith.constant 0 : i32
      %dma_start3A_48 = tpu.memref_slice %arg12[%add3A_9, %dma_start3A_47] : memref<10880x128xf32, #tpu.memory_space<vmem_shared>> -> memref<112x128xf32, #tpu.memory_space<vmem_shared>>
      %dma_start3A_49 = arith.constant 0 : i32
      %dma_start3A_50 = tpu.memref_slice %arg12[%add3A_9, %dma_start3A_49] : memref<10880x128xf32, #tpu.memory_space<vmem_shared>> -> memref<112x128xf32, #tpu.memory_space<vmem_shared>>
      %dma_start3A_51 = arith.constant 0 : i32
      %dma_start3A_52 = arith.constant 0 : i32
      %dma_start3A_53 = tpu.memref_slice %arg11[%dma_start3A_51, %dma_start3A_52] : memref<112x128xf32, #tpu.memory_space<vmem>> -> memref<112x128xf32, #tpu.memory_space<vmem>>
      tpu.enqueue_dma source(%dma_start3A_53 : memref<112x128xf32, #tpu.memory_space<vmem>>) target(%dma_start3A_50 : memref<112x128xf32, #tpu.memory_space<vmem_shared>>) target_semaphore(%run_scoped3A : memref<!tpu.dma_semaphore, #tpu.memory_space<semaphore_mem>>)
      %dma_wait3A = arith.constant 0 : i32
      %dma_wait3A_54 = arith.constant 0 : i32
      %dma_wait3A_55 = tpu.memref_slice %arg11[%dma_wait3A, %dma_wait3A_54] : memref<112x128xf32, #tpu.memory_space<vmem>> -> memref<112x128xf32, #tpu.memory_space<vmem>>
      %dma_wait3A_56 = arith.constant 0 : i32
      %dma_wait3A_57 = tpu.memref_slice %arg12[%add3A_9, %dma_wait3A_56] : memref<10880x128xf32, #tpu.memory_space<vmem_shared>> -> memref<112x128xf32, #tpu.memory_space<vmem_shared>>
      %dma_wait3A_58 = arith.constant 0 : i32
      %dma_wait3A_59 = tpu.memref_slice %arg12[%add3A_9, %dma_wait3A_58] : memref<10880x128xf32, #tpu.memory_space<vmem_shared>> -> memref<112x128xf32, #tpu.memory_space<vmem_shared>>
      %dma_wait3A_60 = arith.constant 0 : i32
      %dma_wait3A_61 = arith.constant 0 : i32
      %dma_wait3A_62 = tpu.memref_slice %arg11[%dma_wait3A_60, %dma_wait3A_61] : memref<112x128xf32, #tpu.memory_space<vmem>> -> memref<112x128xf32, #tpu.memory_space<vmem>>
      tpu.wait_dma2 semaphore(%run_scoped3A : memref<!tpu.dma_semaphore, #tpu.memory_space<semaphore_mem>>) src(%dma_wait3A_62 : memref<112x128xf32, #tpu.memory_space<vmem>>) dst(%dma_wait3A_59 : memref<112x128xf32, #tpu.memory_space<vmem_shared>>)
      tpu.yield
    }) : () -> ()
    %mul3A_10 = arith.constant 680 : i32
    %mul3A_11 = arith.muli %arg1, %mul3A_10 : i32
    %add3A_12 = arith.constant 224 : i32
    %add3A_13 = arith.addi %mul3A_11, %add3A_12 : i32
    "tpu.region"() ({
      %run_scoped3A = tpu.sem_alloc : memref<!tpu.dma_semaphore, #tpu.memory_space<semaphore_mem>>
      %dma_start3A = arith.constant 0 : i32
      %dma_start3A_45 = arith.constant 0 : i32
      %dma_start3A_46 = tpu.memref_slice %arg11[%dma_start3A, %dma_start3A_45] : memref<112x128xf32, #tpu.memory_space<vmem>> -> memref<112x128xf32, #tpu.memory_space<vmem>>
      %dma_start3A_47 = arith.constant 0 : i32
      %dma_start3A_48 = tpu.memref_slice %arg12[%add3A_13, %dma_start3A_47] : memref<10880x128xf32, #tpu.memory_space<vmem_shared>> -> memref<112x128xf32, #tpu.memory_space<vmem_shared>>
      %dma_start3A_49 = arith.constant 0 : i32
      %dma_start3A_50 = tpu.memref_slice %arg12[%add3A_13, %dma_start3A_49] : memref<10880x128xf32, #tpu.memory_space<vmem_shared>> -> memref<112x128xf32, #tpu.memory_space<vmem_shared>>
      %dma_start3A_51 = arith.constant 0 : i32
      %dma_start3A_52 = arith.constant 0 : i32
      %dma_start3A_53 = tpu.memref_slice %arg11[%dma_start3A_51, %dma_start3A_52] : memref<112x128xf32, #tpu.memory_space<vmem>> -> memref<112x128xf32, #tpu.memory_space<vmem>>
      tpu.enqueue_dma source(%dma_start3A_53 : memref<112x128xf32, #tpu.memory_space<vmem>>) target(%dma_start3A_50 : memref<112x128xf32, #tpu.memory_space<vmem_shared>>) target_semaphore(%run_scoped3A : memref<!tpu.dma_semaphore, #tpu.memory_space<semaphore_mem>>)
      %dma_wait3A = arith.constant 0 : i32
      %dma_wait3A_54 = arith.constant 0 : i32
      %dma_wait3A_55 = tpu.memref_slice %arg11[%dma_wait3A, %dma_wait3A_54] : memref<112x128xf32, #tpu.memory_space<vmem>> -> memref<112x128xf32, #tpu.memory_space<vmem>>
      %dma_wait3A_56 = arith.constant 0 : i32
      %dma_wait3A_57 = tpu.memref_slice %arg12[%add3A_13, %dma_wait3A_56] : memref<10880x128xf32, #tpu.memory_space<vmem_shared>> -> memref<112x128xf32, #tpu.memory_space<vmem_shared>>
      %dma_wait3A_58 = arith.constant 0 : i32
      %dma_wait3A_59 = tpu.memref_slice %arg12[%add3A_13, %dma_wait3A_58] : memref<10880x128xf32, #tpu.memory_space<vmem_shared>> -> memref<112x128xf32, #tpu.memory_space<vmem_shared>>
      %dma_wait3A_60 = arith.constant 0 : i32
      %dma_wait3A_61 = arith.constant 0 : i32
      %dma_wait3A_62 = tpu.memref_slice %arg11[%dma_wait3A_60, %dma_wait3A_61] : memref<112x128xf32, #tpu.memory_space<vmem>> -> memref<112x128xf32, #tpu.memory_space<vmem>>
      tpu.wait_dma2 semaphore(%run_scoped3A : memref<!tpu.dma_semaphore, #tpu.memory_space<semaphore_mem>>) src(%dma_wait3A_62 : memref<112x128xf32, #tpu.memory_space<vmem>>) dst(%dma_wait3A_59 : memref<112x128xf32, #tpu.memory_space<vmem_shared>>)
      tpu.yield
    }) : () -> ()
    %mul3A_14 = arith.constant 680 : i32
    %mul3A_15 = arith.muli %arg1, %mul3A_14 : i32
    %add3A_16 = arith.constant 336 : i32
    %add3A_17 = arith.addi %mul3A_15, %add3A_16 : i32
    "tpu.region"() ({
      %run_scoped3A = tpu.sem_alloc : memref<!tpu.dma_semaphore, #tpu.memory_space<semaphore_mem>>
      %dma_start3A = arith.constant 0 : i32
      %dma_start3A_45 = arith.constant 0 : i32
      %dma_start3A_46 = tpu.memref_slice %arg11[%dma_start3A, %dma_start3A_45] : memref<112x128xf32, #tpu.memory_space<vmem>> -> memref<112x128xf32, #tpu.memory_space<vmem>>
      %dma_start3A_47 = arith.constant 0 : i32
      %dma_start3A_48 = tpu.memref_slice %arg12[%add3A_17, %dma_start3A_47] : memref<10880x128xf32, #tpu.memory_space<vmem_shared>> -> memref<112x128xf32, #tpu.memory_space<vmem_shared>>
      %dma_start3A_49 = arith.constant 0 : i32
      %dma_start3A_50 = tpu.memref_slice %arg12[%add3A_17, %dma_start3A_49] : memref<10880x128xf32, #tpu.memory_space<vmem_shared>> -> memref<112x128xf32, #tpu.memory_space<vmem_shared>>
      %dma_start3A_51 = arith.constant 0 : i32
      %dma_start3A_52 = arith.constant 0 : i32
      %dma_start3A_53 = tpu.memref_slice %arg11[%dma_start3A_51, %dma_start3A_52] : memref<112x128xf32, #tpu.memory_space<vmem>> -> memref<112x128xf32, #tpu.memory_space<vmem>>
      tpu.enqueue_dma source(%dma_start3A_53 : memref<112x128xf32, #tpu.memory_space<vmem>>) target(%dma_start3A_50 : memref<112x128xf32, #tpu.memory_space<vmem_shared>>) target_semaphore(%run_scoped3A : memref<!tpu.dma_semaphore, #tpu.memory_space<semaphore_mem>>)
      %dma_wait3A = arith.constant 0 : i32
      %dma_wait3A_54 = arith.constant 0 : i32
      %dma_wait3A_55 = tpu.memref_slice %arg11[%dma_wait3A, %dma_wait3A_54] : memref<112x128xf32, #tpu.memory_space<vmem>> -> memref<112x128xf32, #tpu.memory_space<vmem>>
      %dma_wait3A_56 = arith.constant 0 : i32
      %dma_wait3A_57 = tpu.memref_slice %arg12[%add3A_17, %dma_wait3A_56] : memref<10880x128xf32, #tpu.memory_space<vmem_shared>> -> memref<112x128xf32, #tpu.memory_space<vmem_shared>>
      %dma_wait3A_58 = arith.constant 0 : i32
      %dma_wait3A_59 = tpu.memref_slice %arg12[%add3A_17, %dma_wait3A_58] : memref<10880x128xf32, #tpu.memory_space<vmem_shared>> -> memref<112x128xf32, #tpu.memory_space<vmem_shared>>
      %dma_wait3A_60 = arith.constant 0 : i32
      %dma_wait3A_61 = arith.constant 0 : i32
      %dma_wait3A_62 = tpu.memref_slice %arg11[%dma_wait3A_60, %dma_wait3A_61] : memref<112x128xf32, #tpu.memory_space<vmem>> -> memref<112x128xf32, #tpu.memory_space<vmem>>
      tpu.wait_dma2 semaphore(%run_scoped3A : memref<!tpu.dma_semaphore, #tpu.memory_space<semaphore_mem>>) src(%dma_wait3A_62 : memref<112x128xf32, #tpu.memory_space<vmem>>) dst(%dma_wait3A_59 : memref<112x128xf32, #tpu.memory_space<vmem_shared>>)
      tpu.yield
    }) : () -> ()
    %mul3A_18 = arith.constant 680 : i32
    %mul3A_19 = arith.muli %arg1, %mul3A_18 : i32
    %add3A_20 = arith.constant 448 : i32
    %add3A_21 = arith.addi %mul3A_19, %add3A_20 : i32
    "tpu.region"() ({
      %run_scoped3A = tpu.sem_alloc : memref<!tpu.dma_semaphore, #tpu.memory_space<semaphore_mem>>
      %dma_start3A = arith.constant 0 : i32
      %dma_start3A_45 = arith.constant 0 : i32
      %dma_start3A_46 = tpu.memref_slice %arg11[%dma_start3A, %dma_start3A_45] : memref<112x128xf32, #tpu.memory_space<vmem>> -> memref<112x128xf32, #tpu.memory_space<vmem>>
      %dma_start3A_47 = arith.constant 0 : i32
      %dma_start3A_48 = tpu.memref_slice %arg12[%add3A_21, %dma_start3A_47] : memref<10880x128xf32, #tpu.memory_space<vmem_shared>> -> memref<112x128xf32, #tpu.memory_space<vmem_shared>>
      %dma_start3A_49 = arith.constant 0 : i32
      %dma_start3A_50 = tpu.memref_slice %arg12[%add3A_21, %dma_start3A_49] : memref<10880x128xf32, #tpu.memory_space<vmem_shared>> -> memref<112x128xf32, #tpu.memory_space<vmem_shared>>
      %dma_start3A_51 = arith.constant 0 : i32
      %dma_start3A_52 = arith.constant 0 : i32
      %dma_start3A_53 = tpu.memref_slice %arg11[%dma_start3A_51, %dma_start3A_52] : memref<112x128xf32, #tpu.memory_space<vmem>> -> memref<112x128xf32, #tpu.memory_space<vmem>>
      tpu.enqueue_dma source(%dma_start3A_53 : memref<112x128xf32, #tpu.memory_space<vmem>>) target(%dma_start3A_50 : memref<112x128xf32, #tpu.memory_space<vmem_shared>>) target_semaphore(%run_scoped3A : memref<!tpu.dma_semaphore, #tpu.memory_space<semaphore_mem>>)
      %dma_wait3A = arith.constant 0 : i32
      %dma_wait3A_54 = arith.constant 0 : i32
      %dma_wait3A_55 = tpu.memref_slice %arg11[%dma_wait3A, %dma_wait3A_54] : memref<112x128xf32, #tpu.memory_space<vmem>> -> memref<112x128xf32, #tpu.memory_space<vmem>>
      %dma_wait3A_56 = arith.constant 0 : i32
      %dma_wait3A_57 = tpu.memref_slice %arg12[%add3A_21, %dma_wait3A_56] : memref<10880x128xf32, #tpu.memory_space<vmem_shared>> -> memref<112x128xf32, #tpu.memory_space<vmem_shared>>
      %dma_wait3A_58 = arith.constant 0 : i32
      %dma_wait3A_59 = tpu.memref_slice %arg12[%add3A_21, %dma_wait3A_58] : memref<10880x128xf32, #tpu.memory_space<vmem_shared>> -> memref<112x128xf32, #tpu.memory_space<vmem_shared>>
      %dma_wait3A_60 = arith.constant 0 : i32
      %dma_wait3A_61 = arith.constant 0 : i32
      %dma_wait3A_62 = tpu.memref_slice %arg11[%dma_wait3A_60, %dma_wait3A_61] : memref<112x128xf32, #tpu.memory_space<vmem>> -> memref<112x128xf32, #tpu.memory_space<vmem>>
      tpu.wait_dma2 semaphore(%run_scoped3A : memref<!tpu.dma_semaphore, #tpu.memory_space<semaphore_mem>>) src(%dma_wait3A_62 : memref<112x128xf32, #tpu.memory_space<vmem>>) dst(%dma_wait3A_59 : memref<112x128xf32, #tpu.memory_space<vmem_shared>>)
      tpu.yield
    }) : () -> ()
    %mul3A_22 = arith.constant 680 : i32
    %mul3A_23 = arith.muli %arg1, %mul3A_22 : i32
    %add3A_24 = arith.constant 560 : i32
    %add3A_25 = arith.addi %mul3A_23, %add3A_24 : i32
    "tpu.region"() ({
      %run_scoped3A = tpu.sem_alloc : memref<!tpu.dma_semaphore, #tpu.memory_space<semaphore_mem>>
      %dma_start3A = arith.constant 0 : i32
      %dma_start3A_45 = arith.constant 0 : i32
      %dma_start3A_46 = tpu.memref_slice %arg11[%dma_start3A, %dma_start3A_45] : memref<112x128xf32, #tpu.memory_space<vmem>> -> memref<112x128xf32, #tpu.memory_space<vmem>>
      %dma_start3A_47 = arith.constant 0 : i32
      %dma_start3A_48 = tpu.memref_slice %arg12[%add3A_25, %dma_start3A_47] : memref<10880x128xf32, #tpu.memory_space<vmem_shared>> -> memref<112x128xf32, #tpu.memory_space<vmem_shared>>
      %dma_start3A_49 = arith.constant 0 : i32
      %dma_start3A_50 = tpu.memref_slice %arg12[%add3A_25, %dma_start3A_49] : memref<10880x128xf32, #tpu.memory_space<vmem_shared>> -> memref<112x128xf32, #tpu.memory_space<vmem_shared>>
      %dma_start3A_51 = arith.constant 0 : i32
      %dma_start3A_52 = arith.constant 0 : i32
      %dma_start3A_53 = tpu.memref_slice %arg11[%dma_start3A_51, %dma_start3A_52] : memref<112x128xf32, #tpu.memory_space<vmem>> -> memref<112x128xf32, #tpu.memory_space<vmem>>
      tpu.enqueue_dma source(%dma_start3A_53 : memref<112x128xf32, #tpu.memory_space<vmem>>) target(%dma_start3A_50 : memref<112x128xf32, #tpu.memory_space<vmem_shared>>) target_semaphore(%run_scoped3A : memref<!tpu.dma_semaphore, #tpu.memory_space<semaphore_mem>>)
      %dma_wait3A = arith.constant 0 : i32
      %dma_wait3A_54 = arith.constant 0 : i32
      %dma_wait3A_55 = tpu.memref_slice %arg11[%dma_wait3A, %dma_wait3A_54] : memref<112x128xf32, #tpu.memory_space<vmem>> -> memref<112x128xf32, #tpu.memory_space<vmem>>
      %dma_wait3A_56 = arith.constant 0 : i32
      %dma_wait3A_57 = tpu.memref_slice %arg12[%add3A_25, %dma_wait3A_56] : memref<10880x128xf32, #tpu.memory_space<vmem_shared>> -> memref<112x128xf32, #tpu.memory_space<vmem_shared>>
      %dma_wait3A_58 = arith.constant 0 : i32
      %dma_wait3A_59 = tpu.memref_slice %arg12[%add3A_25, %dma_wait3A_58] : memref<10880x128xf32, #tpu.memory_space<vmem_shared>> -> memref<112x128xf32, #tpu.memory_space<vmem_shared>>
      %dma_wait3A_60 = arith.constant 0 : i32
      %dma_wait3A_61 = arith.constant 0 : i32
      %dma_wait3A_62 = tpu.memref_slice %arg11[%dma_wait3A_60, %dma_wait3A_61] : memref<112x128xf32, #tpu.memory_space<vmem>> -> memref<112x128xf32, #tpu.memory_space<vmem>>
      tpu.wait_dma2 semaphore(%run_scoped3A : memref<!tpu.dma_semaphore, #tpu.memory_space<semaphore_mem>>) src(%dma_wait3A_62 : memref<112x128xf32, #tpu.memory_space<vmem>>) dst(%dma_wait3A_59 : memref<112x128xf32, #tpu.memory_space<vmem_shared>>)
      tpu.yield
    }) : () -> ()
    %mul3A_26 = arith.constant 680 : i32
    %mul3A_27 = arith.muli %arg1, %mul3A_26 : i32
    %add3A_28 = arith.constant 672 : i32
    %add3A_29 = arith.addi %mul3A_27, %add3A_28 : i32
    "tpu.region"() ({
      %run_scoped3A = tpu.sem_alloc : memref<!tpu.dma_semaphore, #tpu.memory_space<semaphore_mem>>
      %dma_start3A = arith.constant 0 : i32
      %dma_start3A_45 = arith.constant 0 : i32
      %dma_start3A_46 = tpu.memref_slice %arg11[%dma_start3A, %dma_start3A_45] : memref<112x128xf32, #tpu.memory_space<vmem>> -> memref<8x128xf32, #tpu.memory_space<vmem>>
      %dma_start3A_47 = arith.constant 0 : i32
      %dma_start3A_48 = tpu.memref_slice %arg12[%add3A_29, %dma_start3A_47] : memref<10880x128xf32, #tpu.memory_space<vmem_shared>> -> memref<8x128xf32, #tpu.memory_space<vmem_shared>>
      %dma_start3A_49 = arith.constant 0 : i32
      %dma_start3A_50 = tpu.memref_slice %arg12[%add3A_29, %dma_start3A_49] : memref<10880x128xf32, #tpu.memory_space<vmem_shared>> -> memref<8x128xf32, #tpu.memory_space<vmem_shared>>
      %dma_start3A_51 = arith.constant 0 : i32
      %dma_start3A_52 = arith.constant 0 : i32
      %dma_start3A_53 = tpu.memref_slice %arg11[%dma_start3A_51, %dma_start3A_52] : memref<112x128xf32, #tpu.memory_space<vmem>> -> memref<8x128xf32, #tpu.memory_space<vmem>>
      tpu.enqueue_dma source(%dma_start3A_53 : memref<8x128xf32, #tpu.memory_space<vmem>>) target(%dma_start3A_50 : memref<8x128xf32, #tpu.memory_space<vmem_shared>>) target_semaphore(%run_scoped3A : memref<!tpu.dma_semaphore, #tpu.memory_space<semaphore_mem>>)
      %dma_wait3A = arith.constant 0 : i32
      %dma_wait3A_54 = arith.constant 0 : i32
      %dma_wait3A_55 = tpu.memref_slice %arg11[%dma_wait3A, %dma_wait3A_54] : memref<112x128xf32, #tpu.memory_space<vmem>> -> memref<8x128xf32, #tpu.memory_space<vmem>>
      %dma_wait3A_56 = arith.constant 0 : i32
      %dma_wait3A_57 = tpu.memref_slice %arg12[%add3A_29, %dma_wait3A_56] : memref<10880x128xf32, #tpu.memory_space<vmem_shared>> -> memref<8x128xf32, #tpu.memory_space<vmem_shared>>
      %dma_wait3A_58 = arith.constant 0 : i32
      %dma_wait3A_59 = tpu.memref_slice %arg12[%add3A_29, %dma_wait3A_58] : memref<10880x128xf32, #tpu.memory_space<vmem_shared>> -> memref<8x128xf32, #tpu.memory_space<vmem_shared>>
      %dma_wait3A_60 = arith.constant 0 : i32
      %dma_wait3A_61 = arith.constant 0 : i32
      %dma_wait3A_62 = tpu.memref_slice %arg11[%dma_wait3A_60, %dma_wait3A_61] : memref<112x128xf32, #tpu.memory_space<vmem>> -> memref<8x128xf32, #tpu.memory_space<vmem>>
      tpu.wait_dma2 semaphore(%run_scoped3A : memref<!tpu.dma_semaphore, #tpu.memory_space<semaphore_mem>>) src(%dma_wait3A_62 : memref<8x128xf32, #tpu.memory_space<vmem>>) dst(%dma_wait3A_59 : memref<8x128xf32, #tpu.memory_space<vmem_shared>>)
      tpu.yield
    }) : () -> ()
    %barrier3A = arith.constant 0 : index
    tpu.barrier barrier_id(%barrier3A)
    %mul3A_30 = arith.constant 16 : i32
    %mul3A_31 = arith.muli %arg0, %mul3A_30 : i32
    %add3A_32 = arith.addi %mul3A_31, %arg1 : i32
    %mul3A_33 = arith.constant 28560 : i32
    %mul3A_34 = arith.muli %add3A_32, %mul3A_33 : i32
    %scan3A_35 = arith.constant 0 : i32
    %scan3A_36 = arith.constant 85 : i32
    %scan3A_37 = arith.addi %scan3A_35, %scan3A_36 : i32
    %scan3A_38 = arith.constant 1 : i32
    scf.for %scan3A_45 = %scan3A_35 to %scan3A_37 step %scan3A_38  : i32 {
      %mul3A_46 = arith.constant 1 : i32
      %mul3A_47 = arith.muli %scan3A_45, %mul3A_46 : i32
      %add3A_48 = arith.constant 0 : i32
      %add3A_49 = arith.addi %add3A_48, %mul3A_47 : i32
      %mul3A_50 = arith.constant 336 : i32
      %mul3A_51 = arith.muli %add3A_49, %mul3A_50 : i32
      %add3A_52 = arith.addi %mul3A_34, %mul3A_51 : i32
      "tpu.region"() ({
        %run_scoped3A = tpu.sem_alloc : memref<!tpu.dma_semaphore, #tpu.memory_space<semaphore_mem>>
        %dma_start3A_271 = tpu.memref_slice %arg3[%add3A_52] : memref<913920xi32, #tpu.memory_space<hbm>> -> memref<336xi32, #tpu.memory_space<hbm>>
        %dma_start3A_272 = tpu.memref_slice %arg3[%add3A_52] : memref<913920xi32, #tpu.memory_space<hbm>> -> memref<336xi32, #tpu.memory_space<hbm>>
        tpu.enqueue_dma source(%dma_start3A_272 : memref<336xi32, #tpu.memory_space<hbm>>) target(%arg6 : memref<336xi32, #tpu.memory_space<vmem>>) target_semaphore(%run_scoped3A : memref<!tpu.dma_semaphore, #tpu.memory_space<semaphore_mem>>)
        %dma_wait3A_273 = tpu.memref_slice %arg3[%add3A_52] : memref<913920xi32, #tpu.memory_space<hbm>> -> memref<336xi32, #tpu.memory_space<hbm>>
        %dma_wait3A_274 = tpu.memref_slice %arg3[%add3A_52] : memref<913920xi32, #tpu.memory_space<hbm>> -> memref<336xi32, #tpu.memory_space<hbm>>
        tpu.wait_dma2 semaphore(%run_scoped3A : memref<!tpu.dma_semaphore, #tpu.memory_space<semaphore_mem>>) src(%dma_wait3A_274 : memref<336xi32, #tpu.memory_space<hbm>>) dst(%arg6 : memref<336xi32, #tpu.memory_space<vmem>>)
        tpu.yield
      }) : () -> ()
      "tpu.region"() ({
        %run_scoped3A = tpu.sem_alloc : memref<!tpu.dma_semaphore, #tpu.memory_space<semaphore_mem>>
        %dma_start3A_271 = tpu.memref_slice %arg4[%add3A_52] : memref<913920xi32, #tpu.memory_space<hbm>> -> memref<336xi32, #tpu.memory_space<hbm>>
        %dma_start3A_272 = tpu.memref_slice %arg4[%add3A_52] : memref<913920xi32, #tpu.memory_space<hbm>> -> memref<336xi32, #tpu.memory_space<hbm>>
        tpu.enqueue_dma source(%dma_start3A_272 : memref<336xi32, #tpu.memory_space<hbm>>) target(%arg7 : memref<336xi32, #tpu.memory_space<vmem>>) target_semaphore(%run_scoped3A : memref<!tpu.dma_semaphore, #tpu.memory_space<semaphore_mem>>)
        %dma_wait3A_273 = tpu.memref_slice %arg4[%add3A_52] : memref<913920xi32, #tpu.memory_space<hbm>> -> memref<336xi32, #tpu.memory_space<hbm>>
        %dma_wait3A_274 = tpu.memref_slice %arg4[%add3A_52] : memref<913920xi32, #tpu.memory_space<hbm>> -> memref<336xi32, #tpu.memory_space<hbm>>
        tpu.wait_dma2 semaphore(%run_scoped3A : memref<!tpu.dma_semaphore, #tpu.memory_space<semaphore_mem>>) src(%dma_wait3A_274 : memref<336xi32, #tpu.memory_space<hbm>>) dst(%arg7 : memref<336xi32, #tpu.memory_space<vmem>>)
        tpu.yield
      }) : () -> ()
      %get3A = arith.constant 0 : index
      %get3A_53 = tpu.vector_load %arg7[%get3A] {strides = array<i32>} : memref<336xi32, #tpu.memory_space<vmem>>, vector<16xi32>,
      %get3A_54 = vector.shape_cast %get3A_53 : vector<16xi32> to vector<16xi32>
      %swap3A = arith.constant 0 : index
      %swap3A_55 = tpu.vector_load %arg8[%swap3A] {strides = array<i32>} : memref<112xi32, #tpu.memory_space<vmem>>, vector<16xi32>,
      %swap3A_56 = vector.shape_cast %swap3A_55 : vector<16xi32> to vector<16xi32>
      %swap3A_57 = vector.shape_cast %get3A_54 : vector<16xi32> to vector<16xi32>
      tpu.vector_store %arg8[%swap3A], %swap3A_57 {strides = array<i32>} : memref<112xi32, #tpu.memory_space<vmem>>, vector<16xi32>,
      %get3A_58 = arith.constant 16 : index
      %get3A_59 = tpu.vector_load %arg7[%get3A_58] {strides = array<i32>} : memref<336xi32, #tpu.memory_space<vmem>>, vector<16xi32>,
      %get3A_60 = vector.shape_cast %get3A_59 : vector<16xi32> to vector<16xi32>
      %swap3A_61 = arith.constant 16 : index
      %swap3A_62 = tpu.vector_load %arg8[%swap3A_61] {strides = array<i32>} : memref<112xi32, #tpu.memory_space<vmem>>, vector<16xi32>,
      %swap3A_63 = vector.shape_cast %swap3A_62 : vector<16xi32> to vector<16xi32>
      %swap3A_64 = vector.shape_cast %get3A_60 : vector<16xi32> to vector<16xi32>
      tpu.vector_store %arg8[%swap3A_61], %swap3A_64 {strides = array<i32>} : memref<112xi32, #tpu.memory_space<vmem>>, vector<16xi32>,
      %get3A_65 = arith.constant 32 : index
      %get3A_66 = tpu.vector_load %arg7[%get3A_65] {strides = array<i32>} : memref<336xi32, #tpu.memory_space<vmem>>, vector<16xi32>,
      %get3A_67 = vector.shape_cast %get3A_66 : vector<16xi32> to vector<16xi32>
      %swap3A_68 = arith.constant 32 : index
      %swap3A_69 = tpu.vector_load %arg8[%swap3A_68] {strides = array<i32>} : memref<112xi32, #tpu.memory_space<vmem>>, vector<16xi32>,
      %swap3A_70 = vector.shape_cast %swap3A_69 : vector<16xi32> to vector<16xi32>
      %swap3A_71 = vector.shape_cast %get3A_67 : vector<16xi32> to vector<16xi32>
      tpu.vector_store %arg8[%swap3A_68], %swap3A_71 {strides = array<i32>} : memref<112xi32, #tpu.memory_space<vmem>>, vector<16xi32>,
      %get3A_72 = arith.constant 48 : index
      %get3A_73 = tpu.vector_load %arg7[%get3A_72] {strides = array<i32>} : memref<336xi32, #tpu.memory_space<vmem>>, vector<16xi32>,
      %get3A_74 = vector.shape_cast %get3A_73 : vector<16xi32> to vector<16xi32>
      %swap3A_75 = arith.constant 48 : index
      %swap3A_76 = tpu.vector_load %arg8[%swap3A_75] {strides = array<i32>} : memref<112xi32, #tpu.memory_space<vmem>>, vector<16xi32>,
      %swap3A_77 = vector.shape_cast %swap3A_76 : vector<16xi32> to vector<16xi32>
      %swap3A_78 = vector.shape_cast %get3A_74 : vector<16xi32> to vector<16xi32>
      tpu.vector_store %arg8[%swap3A_75], %swap3A_78 {strides = array<i32>} : memref<112xi32, #tpu.memory_space<vmem>>, vector<16xi32>,
      %get3A_79 = arith.constant 64 : index
      %get3A_80 = tpu.vector_load %arg7[%get3A_79] {strides = array<i32>} : memref<336xi32, #tpu.memory_space<vmem>>, vector<16xi32>,
      %get3A_81 = vector.shape_cast %get3A_80 : vector<16xi32> to vector<16xi32>
      %swap3A_82 = arith.constant 64 : index
      %swap3A_83 = tpu.vector_load %arg8[%swap3A_82] {strides = array<i32>} : memref<112xi32, #tpu.memory_space<vmem>>, vector<16xi32>,
      %swap3A_84 = vector.shape_cast %swap3A_83 : vector<16xi32> to vector<16xi32>
      %swap3A_85 = vector.shape_cast %get3A_81 : vector<16xi32> to vector<16xi32>
      tpu.vector_store %arg8[%swap3A_82], %swap3A_85 {strides = array<i32>} : memref<112xi32, #tpu.memory_space<vmem>>, vector<16xi32>,
      %get3A_86 = arith.constant 80 : index
      %get3A_87 = tpu.vector_load %arg7[%get3A_86] {strides = array<i32>} : memref<336xi32, #tpu.memory_space<vmem>>, vector<16xi32>,
      %get3A_88 = vector.shape_cast %get3A_87 : vector<16xi32> to vector<16xi32>
      %swap3A_89 = arith.constant 80 : index
      %swap3A_90 = tpu.vector_load %arg8[%swap3A_89] {strides = array<i32>} : memref<112xi32, #tpu.memory_space<vmem>>, vector<16xi32>,
      %swap3A_91 = vector.shape_cast %swap3A_90 : vector<16xi32> to vector<16xi32>
      %swap3A_92 = vector.shape_cast %get3A_88 : vector<16xi32> to vector<16xi32>
      tpu.vector_store %arg8[%swap3A_89], %swap3A_92 {strides = array<i32>} : memref<112xi32, #tpu.memory_space<vmem>>, vector<16xi32>,
      %get3A_93 = arith.constant 96 : index
      %get3A_94 = tpu.vector_load %arg7[%get3A_93] {strides = array<i32>} : memref<336xi32, #tpu.memory_space<vmem>>, vector<16xi32>,
      %get3A_95 = vector.shape_cast %get3A_94 : vector<16xi32> to vector<16xi32>
      %swap3A_96 = arith.constant 96 : index
      %swap3A_97 = tpu.vector_load %arg8[%swap3A_96] {strides = array<i32>} : memref<112xi32, #tpu.memory_space<vmem>>, vector<16xi32>,
      %swap3A_98 = vector.shape_cast %swap3A_97 : vector<16xi32> to vector<16xi32>
      %swap3A_99 = vector.shape_cast %get3A_95 : vector<16xi32> to vector<16xi32>
      tpu.vector_store %arg8[%swap3A_96], %swap3A_99 {strides = array<i32>} : memref<112xi32, #tpu.memory_space<vmem>>, vector<16xi32>,
      %dma_start3A = arith.constant 0 : i32
      %dma_start3A_100 = tpu.memref_slice %arg6[%dma_start3A] : memref<336xi32, #tpu.memory_space<vmem>> -> memref<112xi32, #tpu.memory_space<vmem>>
      %dma_start3A_101 = arith.constant 0 : i32
      %dma_start3A_102 = arith.constant 0 : i32
      %dma_start3A_103 = tpu.memref_slice %arg2[%dma_start3A_101, %dma_start3A_102] : memref<10880x128xf32, #tpu.memory_space<hbm>> -> memref<10880x128xf32, #tpu.memory_space<hbm>>
      tpu.enqueue_indirect_dma source(%dma_start3A_103 : memref<10880x128xf32, #tpu.memory_space<hbm>>) target(%arg9 : memref<112x128xf32, #tpu.memory_space<vmem>>) offsets(%dma_start3A_100 : memref<112xi32, #tpu.memory_space<vmem>>) semaphore(%arg13 : memref<!tpu.dma_semaphore, #tpu.memory_space<semaphore_mem>>)
      %dma_start3A_104 = arith.constant 0 : i32
      %dma_start3A_105 = tpu.memref_slice %arg7[%dma_start3A_104] : memref<336xi32, #tpu.memory_space<vmem>> -> memref<112xi32, #tpu.memory_space<vmem>>
      %dma_start3A_106 = arith.constant 0 : i32
      %dma_start3A_107 = arith.constant 0 : i32
      %dma_start3A_108 = tpu.memref_slice %arg2[%dma_start3A_106, %dma_start3A_107] : memref<10880x128xf32, #tpu.memory_space<hbm>> -> memref<10880x128xf32, #tpu.memory_space<hbm>>
      tpu.enqueue_indirect_dma source(%dma_start3A_108 : memref<10880x128xf32, #tpu.memory_space<hbm>>) target(%arg10 : memref<112x128xf32, #tpu.memory_space<vmem>>) offsets(%dma_start3A_105 : memref<112xi32, #tpu.memory_space<vmem>>) semaphore(%arg14 : memref<!tpu.dma_semaphore, #tpu.memory_space<semaphore_mem>>)
      %dma_wait3A = arith.constant 0 : i32
      %dma_wait3A_109 = tpu.memref_slice %arg6[%dma_wait3A] : memref<336xi32, #tpu.memory_space<vmem>> -> memref<112xi32, #tpu.memory_space<vmem>>
      %dma_wait3A_110 = arith.constant 0 : i32
      %dma_wait3A_111 = arith.constant 0 : i32
      %dma_wait3A_112 = tpu.memref_slice %arg2[%dma_wait3A_110, %dma_wait3A_111] : memref<10880x128xf32, #tpu.memory_space<hbm>> -> memref<10880x128xf32, #tpu.memory_space<hbm>>
      tpu.wait_indirect_dma semaphore(%arg13 : memref<!tpu.dma_semaphore, #tpu.memory_space<semaphore_mem>>) src(%dma_wait3A_112 : memref<10880x128xf32, #tpu.memory_space<hbm>>) dst(%arg9 : memref<112x128xf32, #tpu.memory_space<vmem>>)
      %dma_wait3A_113 = arith.constant 0 : i32
      %dma_wait3A_114 = tpu.memref_slice %arg7[%dma_wait3A_113] : memref<336xi32, #tpu.memory_space<vmem>> -> memref<112xi32, #tpu.memory_space<vmem>>
      %dma_wait3A_115 = arith.constant 0 : i32
      %dma_wait3A_116 = arith.constant 0 : i32
      %dma_wait3A_117 = tpu.memref_slice %arg2[%dma_wait3A_115, %dma_wait3A_116] : memref<10880x128xf32, #tpu.memory_space<hbm>> -> memref<10880x128xf32, #tpu.memory_space<hbm>>
      tpu.wait_indirect_dma semaphore(%arg14 : memref<!tpu.dma_semaphore, #tpu.memory_space<semaphore_mem>>) src(%dma_wait3A_117 : memref<10880x128xf32, #tpu.memory_space<hbm>>) dst(%arg10 : memref<112x128xf32, #tpu.memory_space<vmem>>)
      %scan3A_118 = arith.constant 0 : i32
      %scan3A_119 = arith.constant 112 : i32
      %scan3A_120 = arith.addi %scan3A_118, %scan3A_119 : i32
      %scan3A_121 = arith.constant 1 : i32
      scf.for %scan3A_271 = %scan3A_118 to %scan3A_120 step %scan3A_121  : i32 {
        %mul3A_272 = arith.constant 1 : i32
        %mul3A_273 = arith.muli %scan3A_271, %mul3A_272 : i32
        %add3A_274 = arith.constant 0 : i32
        %add3A_275 = arith.addi %add3A_274, %mul3A_273 : i32
        %get3A_276 = arith.index_cast %add3A_275 : i32 to index
        %get3A_277 = arith.constant 64 : index
        %get3A_278 = tpu.vector_load %arg9[%get3A_276, %get3A_277] {strides = array<i32>} : memref<112x128xf32, #tpu.memory_space<vmem>>, vector<1x16xf32>,
        %get3A_279 = vector.shape_cast %get3A_278 : vector<1x16xf32> to vector<16xf32>
        %get3A_280 = arith.index_cast %add3A_275 : i32 to index
        %get3A_281 = arith.constant 80 : index
        %get3A_282 = tpu.vector_load %arg9[%get3A_280, %get3A_281] {strides = array<i32>} : memref<112x128xf32, #tpu.memory_space<vmem>>, vector<1x16xf32>,
        %get3A_283 = vector.shape_cast %get3A_282 : vector<1x16xf32> to vector<16xf32>
        %get3A_284 = arith.index_cast %add3A_275 : i32 to index
        %get3A_285 = arith.constant 96 : index
        %get3A_286 = tpu.vector_load %arg10[%get3A_284, %get3A_285] {strides = array<i32>} : memref<112x128xf32, #tpu.memory_space<vmem>>, vector<1x16xf32>,
        %get3A_287 = vector.shape_cast %get3A_286 : vector<1x16xf32> to vector<16xf32>
        %get3A_288 = arith.index_cast %add3A_275 : i32 to index
        %get3A_289 = arith.constant 112 : index
        %get3A_290 = tpu.vector_load %arg10[%get3A_288, %get3A_289] {strides = array<i32>} : memref<112x128xf32, #tpu.memory_space<vmem>>, vector<1x16xf32>,
        %get3A_291 = vector.shape_cast %get3A_290 : vector<1x16xf32> to vector<16xf32>
        %add3A_292 = arith.addf %get3A_279, %get3A_287 : vector<16xf32>
        %add3A_293 = arith.addf %get3A_283, %get3A_291 : vector<16xf32>
        %mul3A_294 = arith.constant 2.000000e-01 : f32
        %mul3A_295 = vector.broadcast %mul3A_294 : f32 to vector<16xf32>
        %mul3A_296 = arith.mulf %add3A_292, %mul3A_295 : vector<16xf32>
        %max3A = arith.maximumf %add3A_292, %mul3A_296 : vector<16xf32>
        %exp3A = math.exp %max3A : vector<16xf32>
        %mul3A_297 = arith.constant 2.000000e-01 : f32
        %mul3A_298 = vector.broadcast %mul3A_297 : f32 to vector<16xf32>
        %mul3A_299 = arith.mulf %add3A_293, %mul3A_298 : vector<16xf32>
        %max3A_300 = arith.maximumf %add3A_293, %mul3A_299 : vector<16xf32>
        %exp3A_301 = math.exp %max3A_300 : vector<16xf32>
        %get3A_302 = arith.index_cast %add3A_275 : i32 to index
        %get3A_303 = arith.constant 0 : index
        %get3A_304 = tpu.vector_load %arg9[%get3A_302, %get3A_303] {strides = array<i32>} : memref<112x128xf32, #tpu.memory_space<vmem>>, vector<1x16xf32>,
        %get3A_305 = vector.shape_cast %get3A_304 : vector<1x16xf32> to vector<16xf32>
        %mul3A_306 = arith.mulf %get3A_305, %exp3A : vector<16xf32>
        %swap3A_307 = arith.index_cast %add3A_275 : i32 to index
        %swap3A_308 = arith.constant 0 : index
        %swap3A_309 = tpu.vector_load %arg11[%swap3A_307, %swap3A_308] {strides = array<i32>} : memref<112x128xf32, #tpu.memory_space<vmem>>, vector<1x16xf32>,
        %swap3A_310 = vector.shape_cast %swap3A_309 : vector<1x16xf32> to vector<16xf32>
        %swap3A_311 = vector.shape_cast %mul3A_306 : vector<16xf32> to vector<1x16xf32>
        tpu.vector_store %arg11[%swap3A_307, %swap3A_308], %swap3A_311 {strides = array<i32>} : memref<112x128xf32, #tpu.memory_space<vmem>>, vector<1x16xf32>,
        %get3A_312 = arith.index_cast %add3A_275 : i32 to index
        %get3A_313 = arith.constant 16 : index
        %get3A_314 = tpu.vector_load %arg9[%get3A_312, %get3A_313] {strides = array<i32>} : memref<112x128xf32, #tpu.memory_space<vmem>>, vector<1x16xf32>,
        %get3A_315 = vector.shape_cast %get3A_314 : vector<1x16xf32> to vector<16xf32>
        %mul3A_316 = arith.mulf %get3A_315, %exp3A_301 : vector<16xf32>
        %swap3A_317 = arith.index_cast %add3A_275 : i32 to index
        %swap3A_318 = arith.constant 16 : index
        %swap3A_319 = tpu.vector_load %arg11[%swap3A_317, %swap3A_318] {strides = array<i32>} : memref<112x128xf32, #tpu.memory_space<vmem>>, vector<1x16xf32>,
        %swap3A_320 = vector.shape_cast %swap3A_319 : vector<1x16xf32> to vector<16xf32>
        %swap3A_321 = vector.shape_cast %mul3A_316 : vector<16xf32> to vector<1x16xf32>
        tpu.vector_store %arg11[%swap3A_317, %swap3A_318], %swap3A_321 {strides = array<i32>} : memref<112x128xf32, #tpu.memory_space<vmem>>, vector<1x16xf32>,
        %get3A_322 = arith.index_cast %add3A_275 : i32 to index
        %get3A_323 = arith.constant 32 : index
        %get3A_324 = tpu.vector_load %arg9[%get3A_322, %get3A_323] {strides = array<i32>} : memref<112x128xf32, #tpu.memory_space<vmem>>, vector<1x16xf32>,
        %get3A_325 = vector.shape_cast %get3A_324 : vector<1x16xf32> to vector<16xf32>
        %mul3A_326 = arith.mulf %get3A_325, %exp3A : vector<16xf32>
        %swap3A_327 = arith.index_cast %add3A_275 : i32 to index
        %swap3A_328 = arith.constant 32 : index
        %swap3A_329 = tpu.vector_load %arg11[%swap3A_327, %swap3A_328] {strides = array<i32>} : memref<112x128xf32, #tpu.memory_space<vmem>>, vector<1x16xf32>,
        %swap3A_330 = vector.shape_cast %swap3A_329 : vector<1x16xf32> to vector<16xf32>
        %swap3A_331 = vector.shape_cast %mul3A_326 : vector<16xf32> to vector<1x16xf32>
        tpu.vector_store %arg11[%swap3A_327, %swap3A_328], %swap3A_331 {strides = array<i32>} : memref<112x128xf32, #tpu.memory_space<vmem>>, vector<1x16xf32>,
        %get3A_332 = arith.index_cast %add3A_275 : i32 to index
        %get3A_333 = arith.constant 48 : index
        %get3A_334 = tpu.vector_load %arg9[%get3A_332, %get3A_333] {strides = array<i32>} : memref<112x128xf32, #tpu.memory_space<vmem>>, vector<1x16xf32>,
        %get3A_335 = vector.shape_cast %get3A_334 : vector<1x16xf32> to vector<16xf32>
        %mul3A_336 = arith.mulf %get3A_335, %exp3A_301 : vector<16xf32>
        %swap3A_337 = arith.index_cast %add3A_275 : i32 to index
        %swap3A_338 = arith.constant 48 : index
        %swap3A_339 = tpu.vector_load %arg11[%swap3A_337, %swap3A_338] {strides = array<i32>} : memref<112x128xf32, #tpu.memory_space<vmem>>, vector<1x16xf32>,
        %swap3A_340 = vector.shape_cast %swap3A_339 : vector<1x16xf32> to vector<16xf32>
        %swap3A_341 = vector.shape_cast %mul3A_336 : vector<16xf32> to vector<1x16xf32>
        tpu.vector_store %arg11[%swap3A_337, %swap3A_338], %swap3A_341 {strides = array<i32>} : memref<112x128xf32, #tpu.memory_space<vmem>>, vector<1x16xf32>,
        %swap3A_342 = arith.index_cast %add3A_275 : i32 to index
        %swap3A_343 = arith.constant 64 : index
        %swap3A_344 = tpu.vector_load %arg11[%swap3A_342, %swap3A_343] {strides = array<i32>} : memref<112x128xf32, #tpu.memory_space<vmem>>, vector<1x16xf32>,
        %swap3A_345 = vector.shape_cast %swap3A_344 : vector<1x16xf32> to vector<16xf32>
        %swap3A_346 = vector.shape_cast %exp3A : vector<16xf32> to vector<1x16xf32>
        tpu.vector_store %arg11[%swap3A_342, %swap3A_343], %swap3A_346 {strides = array<i32>} : memref<112x128xf32, #tpu.memory_space<vmem>>, vector<1x16xf32>,
        %swap3A_347 = arith.index_cast %add3A_275 : i32 to index
        %swap3A_348 = arith.constant 80 : index
        %swap3A_349 = tpu.vector_load %arg11[%swap3A_347, %swap3A_348] {strides = array<i32>} : memref<112x128xf32, #tpu.memory_space<vmem>>, vector<1x16xf32>,
        %swap3A_350 = vector.shape_cast %swap3A_349 : vector<1x16xf32> to vector<16xf32>
        %swap3A_351 = vector.shape_cast %exp3A_301 : vector<16xf32> to vector<1x16xf32>
        tpu.vector_store %arg11[%swap3A_347, %swap3A_348], %swap3A_351 {strides = array<i32>} : memref<112x128xf32, #tpu.memory_space<vmem>>, vector<1x16xf32>,
      }
      %scan3A_122 = arith.constant 112 : i32
      "tpu.region"() ({
        %run_scoped3A = tpu.sem_alloc : memref<!tpu.dma_semaphore, #tpu.memory_space<semaphore_mem>>
        %dma_start3A_271 = arith.constant 0 : i32
        %dma_start3A_272 = arith.constant 0 : i32
        %dma_start3A_273 = tpu.memref_slice %arg12[%dma_start3A_271, %dma_start3A_272] : memref<10880x128xf32, #tpu.memory_space<vmem_shared>> -> memref<10880x128xf32, #tpu.memory_space<vmem_shared>>
        tpu.enqueue_indirect_dma source(%arg11 : memref<112x128xf32, #tpu.memory_space<vmem>>) target(%dma_start3A_273 : memref<10880x128xf32, #tpu.memory_space<vmem_shared>>) offsets(%arg8 : memref<112xi32, #tpu.memory_space<vmem>>) semaphore(%run_scoped3A : memref<!tpu.dma_semaphore, #tpu.memory_space<semaphore_mem>>) {add = true}
        %dma_wait3A_274 = arith.constant 0 : i32
        %dma_wait3A_275 = arith.constant 0 : i32
        %dma_wait3A_276 = tpu.memref_slice %arg12[%dma_wait3A_274, %dma_wait3A_275] : memref<10880x128xf32, #tpu.memory_space<vmem_shared>> -> memref<10880x128xf32, #tpu.memory_space<vmem_shared>>
        tpu.wait_indirect_dma semaphore(%run_scoped3A : memref<!tpu.dma_semaphore, #tpu.memory_space<semaphore_mem>>) src(%arg11 : memref<112x128xf32, #tpu.memory_space<vmem>>) dst(%dma_wait3A_276 : memref<10880x128xf32, #tpu.memory_space<vmem_shared>>)
        tpu.yield
      }) : () -> ()
      %get3A_123 = arith.constant 112 : index
      %get3A_124 = tpu.vector_load %arg7[%get3A_123] {strides = array<i32>} : memref<336xi32, #tpu.memory_space<vmem>>, vector<16xi32>,
      %get3A_125 = vector.shape_cast %get3A_124 : vector<16xi32> to vector<16xi32>
      %swap3A_126 = arith.constant 0 : index
      %swap3A_127 = tpu.vector_load %arg8[%swap3A_126] {strides = array<i32>} : memref<112xi32, #tpu.memory_space<vmem>>, vector<16xi32>,
      %swap3A_128 = vector.shape_cast %swap3A_127 : vector<16xi32> to vector<16xi32>
      %swap3A_129 = vector.shape_cast %get3A_125 : vector<16xi32> to vector<16xi32>
      tpu.vector_store %arg8[%swap3A_126], %swap3A_129 {strides = array<i32>} : memref<112xi32, #tpu.memory_space<vmem>>, vector<16xi32>,
      %get3A_130 = arith.constant 128 : index
      %get3A_131 = tpu.vector_load %arg7[%get3A_130] {strides = array<i32>} : memref<336xi32, #tpu.memory_space<vmem>>, vector<16xi32>,
      %get3A_132 = vector.shape_cast %get3A_131 : vector<16xi32> to vector<16xi32>
      %swap3A_133 = arith.constant 16 : index
      %swap3A_134 = tpu.vector_load %arg8[%swap3A_133] {strides = array<i32>} : memref<112xi32, #tpu.memory_space<vmem>>, vector<16xi32>,
      %swap3A_135 = vector.shape_cast %swap3A_134 : vector<16xi32> to vector<16xi32>
      %swap3A_136 = vector.shape_cast %get3A_132 : vector<16xi32> to vector<16xi32>
      tpu.vector_store %arg8[%swap3A_133], %swap3A_136 {strides = array<i32>} : memref<112xi32, #tpu.memory_space<vmem>>, vector<16xi32>,
      %get3A_137 = arith.constant 144 : index
      %get3A_138 = tpu.vector_load %arg7[%get3A_137] {strides = array<i32>} : memref<336xi32, #tpu.memory_space<vmem>>, vector<16xi32>,
      %get3A_139 = vector.shape_cast %get3A_138 : vector<16xi32> to vector<16xi32>
      %swap3A_140 = arith.constant 32 : index
      %swap3A_141 = tpu.vector_load %arg8[%swap3A_140] {strides = array<i32>} : memref<112xi32, #tpu.memory_space<vmem>>, vector<16xi32>,
      %swap3A_142 = vector.shape_cast %swap3A_141 : vector<16xi32> to vector<16xi32>
      %swap3A_143 = vector.shape_cast %get3A_139 : vector<16xi32> to vector<16xi32>
      tpu.vector_store %arg8[%swap3A_140], %swap3A_143 {strides = array<i32>} : memref<112xi32, #tpu.memory_space<vmem>>, vector<16xi32>,
      %get3A_144 = arith.constant 160 : index
      %get3A_145 = tpu.vector_load %arg7[%get3A_144] {strides = array<i32>} : memref<336xi32, #tpu.memory_space<vmem>>, vector<16xi32>,
      %get3A_146 = vector.shape_cast %get3A_145 : vector<16xi32> to vector<16xi32>
      %swap3A_147 = arith.constant 48 : index
      %swap3A_148 = tpu.vector_load %arg8[%swap3A_147] {strides = array<i32>} : memref<112xi32, #tpu.memory_space<vmem>>, vector<16xi32>,
      %swap3A_149 = vector.shape_cast %swap3A_148 : vector<16xi32> to vector<16xi32>
      %swap3A_150 = vector.shape_cast %get3A_146 : vector<16xi32> to vector<16xi32>
      tpu.vector_store %arg8[%swap3A_147], %swap3A_150 {strides = array<i32>} : memref<112xi32, #tpu.memory_space<vmem>>, vector<16xi32>,
      %get3A_151 = arith.constant 176 : index
      %get3A_152 = tpu.vector_load %arg7[%get3A_151] {strides = array<i32>} : memref<336xi32, #tpu.memory_space<vmem>>, vector<16xi32>,
      %get3A_153 = vector.shape_cast %get3A_152 : vector<16xi32> to vector<16xi32>
      %swap3A_154 = arith.constant 64 : index
      %swap3A_155 = tpu.vector_load %arg8[%swap3A_154] {strides = array<i32>} : memref<112xi32, #tpu.memory_space<vmem>>, vector<16xi32>,
      %swap3A_156 = vector.shape_cast %swap3A_155 : vector<16xi32> to vector<16xi32>
      %swap3A_157 = vector.shape_cast %get3A_153 : vector<16xi32> to vector<16xi32>
      tpu.vector_store %arg8[%swap3A_154], %swap3A_157 {strides = array<i32>} : memref<112xi32, #tpu.memory_space<vmem>>, vector<16xi32>,
      %get3A_158 = arith.constant 192 : index
      %get3A_159 = tpu.vector_load %arg7[%get3A_158] {strides = array<i32>} : memref<336xi32, #tpu.memory_space<vmem>>, vector<16xi32>,
      %get3A_160 = vector.shape_cast %get3A_159 : vector<16xi32> to vector<16xi32>
      %swap3A_161 = arith.constant 80 : index
      %swap3A_162 = tpu.vector_load %arg8[%swap3A_161] {strides = array<i32>} : memref<112xi32, #tpu.memory_space<vmem>>, vector<16xi32>,
      %swap3A_163 = vector.shape_cast %swap3A_162 : vector<16xi32> to vector<16xi32>
      %swap3A_164 = vector.shape_cast %get3A_160 : vector<16xi32> to vector<16xi32>
      tpu.vector_store %arg8[%swap3A_161], %swap3A_164 {strides = array<i32>} : memref<112xi32, #tpu.memory_space<vmem>>, vector<16xi32>,
      %get3A_165 = arith.constant 208 : index
      %get3A_166 = tpu.vector_load %arg7[%get3A_165] {strides = array<i32>} : memref<336xi32, #tpu.memory_space<vmem>>, vector<16xi32>,
      %get3A_167 = vector.shape_cast %get3A_166 : vector<16xi32> to vector<16xi32>
      %swap3A_168 = arith.constant 96 : index
      %swap3A_169 = tpu.vector_load %arg8[%swap3A_168] {strides = array<i32>} : memref<112xi32, #tpu.memory_space<vmem>>, vector<16xi32>,
      %swap3A_170 = vector.shape_cast %swap3A_169 : vector<16xi32> to vector<16xi32>
      %swap3A_171 = vector.shape_cast %get3A_167 : vector<16xi32> to vector<16xi32>
      tpu.vector_store %arg8[%swap3A_168], %swap3A_171 {strides = array<i32>} : memref<112xi32, #tpu.memory_space<vmem>>, vector<16xi32>,
      %dma_start3A_172 = arith.constant 112 : i32
      %dma_start3A_173 = tpu.memref_slice %arg6[%dma_start3A_172] : memref<336xi32, #tpu.memory_space<vmem>> -> memref<112xi32, #tpu.memory_space<vmem>>
      %dma_start3A_174 = arith.constant 0 : i32
      %dma_start3A_175 = arith.constant 0 : i32
      %dma_start3A_176 = tpu.memref_slice %arg2[%dma_start3A_174, %dma_start3A_175] : memref<10880x128xf32, #tpu.memory_space<hbm>> -> memref<10880x128xf32, #tpu.memory_space<hbm>>
      tpu.enqueue_indirect_dma source(%dma_start3A_176 : memref<10880x128xf32, #tpu.memory_space<hbm>>) target(%arg9 : memref<112x128xf32, #tpu.memory_space<vmem>>) offsets(%dma_start3A_173 : memref<112xi32, #tpu.memory_space<vmem>>) semaphore(%arg13 : memref<!tpu.dma_semaphore, #tpu.memory_space<semaphore_mem>>)
      %dma_start3A_177 = arith.constant 112 : i32
      %dma_start3A_178 = tpu.memref_slice %arg7[%dma_start3A_177] : memref<336xi32, #tpu.memory_space<vmem>> -> memref<112xi32, #tpu.memory_space<vmem>>
      %dma_start3A_179 = arith.constant 0 : i32
      %dma_start3A_180 = arith.constant 0 : i32
      %dma_start3A_181 = tpu.memref_slice %arg2[%dma_start3A_179, %dma_start3A_180] : memref<10880x128xf32, #tpu.memory_space<hbm>> -> memref<10880x128xf32, #tpu.memory_space<hbm>>
      tpu.enqueue_indirect_dma source(%dma_start3A_181 : memref<10880x128xf32, #tpu.memory_space<hbm>>) target(%arg10 : memref<112x128xf32, #tpu.memory_space<vmem>>) offsets(%dma_start3A_178 : memref<112xi32, #tpu.memory_space<vmem>>) semaphore(%arg14 : memref<!tpu.dma_semaphore, #tpu.memory_space<semaphore_mem>>)
      %dma_wait3A_182 = arith.constant 112 : i32
      %dma_wait3A_183 = tpu.memref_slice %arg6[%dma_wait3A_182] : memref<336xi32, #tpu.memory_space<vmem>> -> memref<112xi32, #tpu.memory_space<vmem>>
      %dma_wait3A_184 = arith.constant 0 : i32
      %dma_wait3A_185 = arith.constant 0 : i32
      %dma_wait3A_186 = tpu.memref_slice %arg2[%dma_wait3A_184, %dma_wait3A_185] : memref<10880x128xf32, #tpu.memory_space<hbm>> -> memref<10880x128xf32, #tpu.memory_space<hbm>>
      tpu.wait_indirect_dma semaphore(%arg13 : memref<!tpu.dma_semaphore, #tpu.memory_space<semaphore_mem>>) src(%dma_wait3A_186 : memref<10880x128xf32, #tpu.memory_space<hbm>>) dst(%arg9 : memref<112x128xf32, #tpu.memory_space<vmem>>)
      %dma_wait3A_187 = arith.constant 112 : i32
      %dma_wait3A_188 = tpu.memref_slice %arg7[%dma_wait3A_187] : memref<336xi32, #tpu.memory_space<vmem>> -> memref<112xi32, #tpu.memory_space<vmem>>
      %dma_wait3A_189 = arith.constant 0 : i32
      %dma_wait3A_190 = arith.constant 0 : i32
      %dma_wait3A_191 = tpu.memref_slice %arg2[%dma_wait3A_189, %dma_wait3A_190] : memref<10880x128xf32, #tpu.memory_space<hbm>> -> memref<10880x128xf32, #tpu.memory_space<hbm>>
      tpu.wait_indirect_dma semaphore(%arg14 : memref<!tpu.dma_semaphore, #tpu.memory_space<semaphore_mem>>) src(%dma_wait3A_191 : memref<10880x128xf32, #tpu.memory_space<hbm>>) dst(%arg10 : memref<112x128xf32, #tpu.memory_space<vmem>>)
      %scan3A_192 = arith.constant 0 : i32
      %scan3A_193 = arith.constant 112 : i32
      %scan3A_194 = arith.addi %scan3A_192, %scan3A_193 : i32
      %scan3A_195 = arith.constant 1 : i32
      scf.for %scan3A_271 = %scan3A_192 to %scan3A_194 step %scan3A_195  : i32 {
        %mul3A_272 = arith.constant 1 : i32
        %mul3A_273 = arith.muli %scan3A_271, %mul3A_272 : i32
        %add3A_274 = arith.constant 0 : i32
        %add3A_275 = arith.addi %add3A_274, %mul3A_273 : i32
        %get3A_276 = arith.index_cast %add3A_275 : i32 to index
        %get3A_277 = arith.constant 64 : index
        %get3A_278 = tpu.vector_load %arg9[%get3A_276, %get3A_277] {strides = array<i32>} : memref<112x128xf32, #tpu.memory_space<vmem>>, vector<1x16xf32>,
        %get3A_279 = vector.shape_cast %get3A_278 : vector<1x16xf32> to vector<16xf32>
        %get3A_280 = arith.index_cast %add3A_275 : i32 to index
        %get3A_281 = arith.constant 80 : index
        %get3A_282 = tpu.vector_load %arg9[%get3A_280, %get3A_281] {strides = array<i32>} : memref<112x128xf32, #tpu.memory_space<vmem>>, vector<1x16xf32>,
        %get3A_283 = vector.shape_cast %get3A_282 : vector<1x16xf32> to vector<16xf32>
        %get3A_284 = arith.index_cast %add3A_275 : i32 to index
        %get3A_285 = arith.constant 96 : index
        %get3A_286 = tpu.vector_load %arg10[%get3A_284, %get3A_285] {strides = array<i32>} : memref<112x128xf32, #tpu.memory_space<vmem>>, vector<1x16xf32>,
        %get3A_287 = vector.shape_cast %get3A_286 : vector<1x16xf32> to vector<16xf32>
        %get3A_288 = arith.index_cast %add3A_275 : i32 to index
        %get3A_289 = arith.constant 112 : index
        %get3A_290 = tpu.vector_load %arg10[%get3A_288, %get3A_289] {strides = array<i32>} : memref<112x128xf32, #tpu.memory_space<vmem>>, vector<1x16xf32>,
        %get3A_291 = vector.shape_cast %get3A_290 : vector<1x16xf32> to vector<16xf32>
        %add3A_292 = arith.addf %get3A_279, %get3A_287 : vector<16xf32>
        %add3A_293 = arith.addf %get3A_283, %get3A_291 : vector<16xf32>
        %mul3A_294 = arith.constant 2.000000e-01 : f32
        %mul3A_295 = vector.broadcast %mul3A_294 : f32 to vector<16xf32>
        %mul3A_296 = arith.mulf %add3A_292, %mul3A_295 : vector<16xf32>
        %max3A = arith.maximumf %add3A_292, %mul3A_296 : vector<16xf32>
        %exp3A = math.exp %max3A : vector<16xf32>
        %mul3A_297 = arith.constant 2.000000e-01 : f32
        %mul3A_298 = vector.broadcast %mul3A_297 : f32 to vector<16xf32>
        %mul3A_299 = arith.mulf %add3A_293, %mul3A_298 : vector<16xf32>
        %max3A_300 = arith.maximumf %add3A_293, %mul3A_299 : vector<16xf32>
        %exp3A_301 = math.exp %max3A_300 : vector<16xf32>
        %get3A_302 = arith.index_cast %add3A_275 : i32 to index
        %get3A_303 = arith.constant 0 : index
        %get3A_304 = tpu.vector_load %arg9[%get3A_302, %get3A_303] {strides = array<i32>} : memref<112x128xf32, #tpu.memory_space<vmem>>, vector<1x16xf32>,
        %get3A_305 = vector.shape_cast %get3A_304 : vector<1x16xf32> to vector<16xf32>
        %mul3A_306 = arith.mulf %get3A_305, %exp3A : vector<16xf32>
        %swap3A_307 = arith.index_cast %add3A_275 : i32 to index
        %swap3A_308 = arith.constant 0 : index
        %swap3A_309 = tpu.vector_load %arg11[%swap3A_307, %swap3A_308] {strides = array<i32>} : memref<112x128xf32, #tpu.memory_space<vmem>>, vector<1x16xf32>,
        %swap3A_310 = vector.shape_cast %swap3A_309 : vector<1x16xf32> to vector<16xf32>
        %swap3A_311 = vector.shape_cast %mul3A_306 : vector<16xf32> to vector<1x16xf32>
        tpu.vector_store %arg11[%swap3A_307, %swap3A_308], %swap3A_311 {strides = array<i32>} : memref<112x128xf32, #tpu.memory_space<vmem>>, vector<1x16xf32>,
        %get3A_312 = arith.index_cast %add3A_275 : i32 to index
        %get3A_313 = arith.constant 16 : index
        %get3A_314 = tpu.vector_load %arg9[%get3A_312, %get3A_313] {strides = array<i32>} : memref<112x128xf32, #tpu.memory_space<vmem>>, vector<1x16xf32>,
        %get3A_315 = vector.shape_cast %get3A_314 : vector<1x16xf32> to vector<16xf32>
        %mul3A_316 = arith.mulf %get3A_315, %exp3A_301 : vector<16xf32>
        %swap3A_317 = arith.index_cast %add3A_275 : i32 to index
        %swap3A_318 = arith.constant 16 : index
        %swap3A_319 = tpu.vector_load %arg11[%swap3A_317, %swap3A_318] {strides = array<i32>} : memref<112x128xf32, #tpu.memory_space<vmem>>, vector<1x16xf32>,
        %swap3A_320 = vector.shape_cast %swap3A_319 : vector<1x16xf32> to vector<16xf32>
        %swap3A_321 = vector.shape_cast %mul3A_316 : vector<16xf32> to vector<1x16xf32>
        tpu.vector_store %arg11[%swap3A_317, %swap3A_318], %swap3A_321 {strides = array<i32>} : memref<112x128xf32, #tpu.memory_space<vmem>>, vector<1x16xf32>,
        %get3A_322 = arith.index_cast %add3A_275 : i32 to index
        %get3A_323 = arith.constant 32 : index
        %get3A_324 = tpu.vector_load %arg9[%get3A_322, %get3A_323] {strides = array<i32>} : memref<112x128xf32, #tpu.memory_space<vmem>>, vector<1x16xf32>,
        %get3A_325 = vector.shape_cast %get3A_324 : vector<1x16xf32> to vector<16xf32>
        %mul3A_326 = arith.mulf %get3A_325, %exp3A : vector<16xf32>
        %swap3A_327 = arith.index_cast %add3A_275 : i32 to index
        %swap3A_328 = arith.constant 32 : index
        %swap3A_329 = tpu.vector_load %arg11[%swap3A_327, %swap3A_328] {strides = array<i32>} : memref<112x128xf32, #tpu.memory_space<vmem>>, vector<1x16xf32>,
        %swap3A_330 = vector.shape_cast %swap3A_329 : vector<1x16xf32> to vector<16xf32>
        %swap3A_331 = vector.shape_cast %mul3A_326 : vector<16xf32> to vector<1x16xf32>
        tpu.vector_store %arg11[%swap3A_327, %swap3A_328], %swap3A_331 {strides = array<i32>} : memref<112x128xf32, #tpu.memory_space<vmem>>, vector<1x16xf32>,
        %get3A_332 = arith.index_cast %add3A_275 : i32 to index
        %get3A_333 = arith.constant 48 : index
        %get3A_334 = tpu.vector_load %arg9[%get3A_332, %get3A_333] {strides = array<i32>} : memref<112x128xf32, #tpu.memory_space<vmem>>, vector<1x16xf32>,
        %get3A_335 = vector.shape_cast %get3A_334 : vector<1x16xf32> to vector<16xf32>
        %mul3A_336 = arith.mulf %get3A_335, %exp3A_301 : vector<16xf32>
        %swap3A_337 = arith.index_cast %add3A_275 : i32 to index
        %swap3A_338 = arith.constant 48 : index
        %swap3A_339 = tpu.vector_load %arg11[%swap3A_337, %swap3A_338] {strides = array<i32>} : memref<112x128xf32, #tpu.memory_space<vmem>>, vector<1x16xf32>,
        %swap3A_340 = vector.shape_cast %swap3A_339 : vector<1x16xf32> to vector<16xf32>
        %swap3A_341 = vector.shape_cast %mul3A_336 : vector<16xf32> to vector<1x16xf32>
        tpu.vector_store %arg11[%swap3A_337, %swap3A_338], %swap3A_341 {strides = array<i32>} : memref<112x128xf32, #tpu.memory_space<vmem>>, vector<1x16xf32>,
        %swap3A_342 = arith.index_cast %add3A_275 : i32 to index
        %swap3A_343 = arith.constant 64 : index
        %swap3A_344 = tpu.vector_load %arg11[%swap3A_342, %swap3A_343] {strides = array<i32>} : memref<112x128xf32, #tpu.memory_space<vmem>>, vector<1x16xf32>,
        %swap3A_345 = vector.shape_cast %swap3A_344 : vector<1x16xf32> to vector<16xf32>
        %swap3A_346 = vector.shape_cast %exp3A : vector<16xf32> to vector<1x16xf32>
        tpu.vector_store %arg11[%swap3A_342, %swap3A_343], %swap3A_346 {strides = array<i32>} : memref<112x128xf32, #tpu.memory_space<vmem>>, vector<1x16xf32>,
        %swap3A_347 = arith.index_cast %add3A_275 : i32 to index
        %swap3A_348 = arith.constant 80 : index
        %swap3A_349 = tpu.vector_load %arg11[%swap3A_347, %swap3A_348] {strides = array<i32>} : memref<112x128xf32, #tpu.memory_space<vmem>>, vector<1x16xf32>,
        %swap3A_350 = vector.shape_cast %swap3A_349 : vector<1x16xf32> to vector<16xf32>
        %swap3A_351 = vector.shape_cast %exp3A_301 : vector<16xf32> to vector<1x16xf32>
        tpu.vector_store %arg11[%swap3A_347, %swap3A_348], %swap3A_351 {strides = array<i32>} : memref<112x128xf32, #tpu.memory_space<vmem>>, vector<1x16xf32>,
      }
      %scan3A_196 = arith.constant 112 : i32
      "tpu.region"() ({
        %run_scoped3A = tpu.sem_alloc : memref<!tpu.dma_semaphore, #tpu.memory_space<semaphore_mem>>
        %dma_start3A_271 = arith.constant 0 : i32
        %dma_start3A_272 = arith.constant 0 : i32
        %dma_start3A_273 = tpu.memref_slice %arg12[%dma_start3A_271, %dma_start3A_272] : memref<10880x128xf32, #tpu.memory_space<vmem_shared>> -> memref<10880x128xf32, #tpu.memory_space<vmem_shared>>
        tpu.enqueue_indirect_dma source(%arg11 : memref<112x128xf32, #tpu.memory_space<vmem>>) target(%dma_start3A_273 : memref<10880x128xf32, #tpu.memory_space<vmem_shared>>) offsets(%arg8 : memref<112xi32, #tpu.memory_space<vmem>>) semaphore(%run_scoped3A : memref<!tpu.dma_semaphore, #tpu.memory_space<semaphore_mem>>) {add = true}
        %dma_wait3A_274 = arith.constant 0 : i32
        %dma_wait3A_275 = arith.constant 0 : i32
        %dma_wait3A_276 = tpu.memref_slice %arg12[%dma_wait3A_274, %dma_wait3A_275] : memref<10880x128xf32, #tpu.memory_space<vmem_shared>> -> memref<10880x128xf32, #tpu.memory_space<vmem_shared>>
        tpu.wait_indirect_dma semaphore(%run_scoped3A : memref<!tpu.dma_semaphore, #tpu.memory_space<semaphore_mem>>) src(%arg11 : memref<112x128xf32, #tpu.memory_space<vmem>>) dst(%dma_wait3A_276 : memref<10880x128xf32, #tpu.memory_space<vmem_shared>>)
        tpu.yield
      }) : () -> ()
      %get3A_197 = arith.constant 224 : index
      %get3A_198 = tpu.vector_load %arg7[%get3A_197] {strides = array<i32>} : memref<336xi32, #tpu.memory_space<vmem>>, vector<16xi32>,
      %get3A_199 = vector.shape_cast %get3A_198 : vector<16xi32> to vector<16xi32>
      %swap3A_200 = arith.constant 0 : index
      %swap3A_201 = tpu.vector_load %arg8[%swap3A_200] {strides = array<i32>} : memref<112xi32, #tpu.memory_space<vmem>>, vector<16xi32>,
      %swap3A_202 = vector.shape_cast %swap3A_201 : vector<16xi32> to vector<16xi32>
      %swap3A_203 = vector.shape_cast %get3A_199 : vector<16xi32> to vector<16xi32>
      tpu.vector_store %arg8[%swap3A_200], %swap3A_203 {strides = array<i32>} : memref<112xi32, #tpu.memory_space<vmem>>, vector<16xi32>,
      %get3A_204 = arith.constant 240 : index
      %get3A_205 = tpu.vector_load %arg7[%get3A_204] {strides = array<i32>} : memref<336xi32, #tpu.memory_space<vmem>>, vector<16xi32>,
      %get3A_206 = vector.shape_cast %get3A_205 : vector<16xi32> to vector<16xi32>
      %swap3A_207 = arith.constant 16 : index
      %swap3A_208 = tpu.vector_load %arg8[%swap3A_207] {strides = array<i32>} : memref<112xi32, #tpu.memory_space<vmem>>, vector<16xi32>,
      %swap3A_209 = vector.shape_cast %swap3A_208 : vector<16xi32> to vector<16xi32>
      %swap3A_210 = vector.shape_cast %get3A_206 : vector<16xi32> to vector<16xi32>
      tpu.vector_store %arg8[%swap3A_207], %swap3A_210 {strides = array<i32>} : memref<112xi32, #tpu.memory_space<vmem>>, vector<16xi32>,
      %get3A_211 = arith.constant 256 : index
      %get3A_212 = tpu.vector_load %arg7[%get3A_211] {strides = array<i32>} : memref<336xi32, #tpu.memory_space<vmem>>, vector<16xi32>,
      %get3A_213 = vector.shape_cast %get3A_212 : vector<16xi32> to vector<16xi32>
      %swap3A_214 = arith.constant 32 : index
      %swap3A_215 = tpu.vector_load %arg8[%swap3A_214] {strides = array<i32>} : memref<112xi32, #tpu.memory_space<vmem>>, vector<16xi32>,
      %swap3A_216 = vector.shape_cast %swap3A_215 : vector<16xi32> to vector<16xi32>
      %swap3A_217 = vector.shape_cast %get3A_213 : vector<16xi32> to vector<16xi32>
      tpu.vector_store %arg8[%swap3A_214], %swap3A_217 {strides = array<i32>} : memref<112xi32, #tpu.memory_space<vmem>>, vector<16xi32>,
      %get3A_218 = arith.constant 272 : index
      %get3A_219 = tpu.vector_load %arg7[%get3A_218] {strides = array<i32>} : memref<336xi32, #tpu.memory_space<vmem>>, vector<16xi32>,
      %get3A_220 = vector.shape_cast %get3A_219 : vector<16xi32> to vector<16xi32>
      %swap3A_221 = arith.constant 48 : index
      %swap3A_222 = tpu.vector_load %arg8[%swap3A_221] {strides = array<i32>} : memref<112xi32, #tpu.memory_space<vmem>>, vector<16xi32>,
      %swap3A_223 = vector.shape_cast %swap3A_222 : vector<16xi32> to vector<16xi32>
      %swap3A_224 = vector.shape_cast %get3A_220 : vector<16xi32> to vector<16xi32>
      tpu.vector_store %arg8[%swap3A_221], %swap3A_224 {strides = array<i32>} : memref<112xi32, #tpu.memory_space<vmem>>, vector<16xi32>,
      %get3A_225 = arith.constant 288 : index
      %get3A_226 = tpu.vector_load %arg7[%get3A_225] {strides = array<i32>} : memref<336xi32, #tpu.memory_space<vmem>>, vector<16xi32>,
      %get3A_227 = vector.shape_cast %get3A_226 : vector<16xi32> to vector<16xi32>
      %swap3A_228 = arith.constant 64 : index
      %swap3A_229 = tpu.vector_load %arg8[%swap3A_228] {strides = array<i32>} : memref<112xi32, #tpu.memory_space<vmem>>, vector<16xi32>,
      %swap3A_230 = vector.shape_cast %swap3A_229 : vector<16xi32> to vector<16xi32>
      %swap3A_231 = vector.shape_cast %get3A_227 : vector<16xi32> to vector<16xi32>
      tpu.vector_store %arg8[%swap3A_228], %swap3A_231 {strides = array<i32>} : memref<112xi32, #tpu.memory_space<vmem>>, vector<16xi32>,
      %get3A_232 = arith.constant 304 : index
      %get3A_233 = tpu.vector_load %arg7[%get3A_232] {strides = array<i32>} : memref<336xi32, #tpu.memory_space<vmem>>, vector<16xi32>,
      %get3A_234 = vector.shape_cast %get3A_233 : vector<16xi32> to vector<16xi32>
      %swap3A_235 = arith.constant 80 : index
      %swap3A_236 = tpu.vector_load %arg8[%swap3A_235] {strides = array<i32>} : memref<112xi32, #tpu.memory_space<vmem>>, vector<16xi32>,
      %swap3A_237 = vector.shape_cast %swap3A_236 : vector<16xi32> to vector<16xi32>
      %swap3A_238 = vector.shape_cast %get3A_234 : vector<16xi32> to vector<16xi32>
      tpu.vector_store %arg8[%swap3A_235], %swap3A_238 {strides = array<i32>} : memref<112xi32, #tpu.memory_space<vmem>>, vector<16xi32>,
      %get3A_239 = arith.constant 320 : index
      %get3A_240 = tpu.vector_load %arg7[%get3A_239] {strides = array<i32>} : memref<336xi32, #tpu.memory_space<vmem>>, vector<16xi32>,
      %get3A_241 = vector.shape_cast %get3A_240 : vector<16xi32> to vector<16xi32>
      %swap3A_242 = arith.constant 96 : index
      %swap3A_243 = tpu.vector_load %arg8[%swap3A_242] {strides = array<i32>} : memref<112xi32, #tpu.memory_space<vmem>>, vector<16xi32>,
      %swap3A_244 = vector.shape_cast %swap3A_243 : vector<16xi32> to vector<16xi32>
      %swap3A_245 = vector.shape_cast %get3A_241 : vector<16xi32> to vector<16xi32>
      tpu.vector_store %arg8[%swap3A_242], %swap3A_245 {strides = array<i32>} : memref<112xi32, #tpu.memory_space<vmem>>, vector<16xi32>,
      %dma_start3A_246 = arith.constant 224 : i32
      %dma_start3A_247 = tpu.memref_slice %arg6[%dma_start3A_246] : memref<336xi32, #tpu.memory_space<vmem>> -> memref<112xi32, #tpu.memory_space<vmem>>
      %dma_start3A_248 = arith.constant 0 : i32
      %dma_start3A_249 = arith.constant 0 : i32
      %dma_start3A_250 = tpu.memref_slice %arg2[%dma_start3A_248, %dma_start3A_249] : memref<10880x128xf32, #tpu.memory_space<hbm>> -> memref<10880x128xf32, #tpu.memory_space<hbm>>
      tpu.enqueue_indirect_dma source(%dma_start3A_250 : memref<10880x128xf32, #tpu.memory_space<hbm>>) target(%arg9 : memref<112x128xf32, #tpu.memory_space<vmem>>) offsets(%dma_start3A_247 : memref<112xi32, #tpu.memory_space<vmem>>) semaphore(%arg13 : memref<!tpu.dma_semaphore, #tpu.memory_space<semaphore_mem>>)
      %dma_start3A_251 = arith.constant 224 : i32
      %dma_start3A_252 = tpu.memref_slice %arg7[%dma_start3A_251] : memref<336xi32, #tpu.memory_space<vmem>> -> memref<112xi32, #tpu.memory_space<vmem>>
      %dma_start3A_253 = arith.constant 0 : i32
      %dma_start3A_254 = arith.constant 0 : i32
      %dma_start3A_255 = tpu.memref_slice %arg2[%dma_start3A_253, %dma_start3A_254] : memref<10880x128xf32, #tpu.memory_space<hbm>> -> memref<10880x128xf32, #tpu.memory_space<hbm>>
      tpu.enqueue_indirect_dma source(%dma_start3A_255 : memref<10880x128xf32, #tpu.memory_space<hbm>>) target(%arg10 : memref<112x128xf32, #tpu.memory_space<vmem>>) offsets(%dma_start3A_252 : memref<112xi32, #tpu.memory_space<vmem>>) semaphore(%arg14 : memref<!tpu.dma_semaphore, #tpu.memory_space<semaphore_mem>>)
      %dma_wait3A_256 = arith.constant 224 : i32
      %dma_wait3A_257 = tpu.memref_slice %arg6[%dma_wait3A_256] : memref<336xi32, #tpu.memory_space<vmem>> -> memref<112xi32, #tpu.memory_space<vmem>>
      %dma_wait3A_258 = arith.constant 0 : i32
      %dma_wait3A_259 = arith.constant 0 : i32
      %dma_wait3A_260 = tpu.memref_slice %arg2[%dma_wait3A_258, %dma_wait3A_259] : memref<10880x128xf32, #tpu.memory_space<hbm>> -> memref<10880x128xf32, #tpu.memory_space<hbm>>
      tpu.wait_indirect_dma semaphore(%arg13 : memref<!tpu.dma_semaphore, #tpu.memory_space<semaphore_mem>>) src(%dma_wait3A_260 : memref<10880x128xf32, #tpu.memory_space<hbm>>) dst(%arg9 : memref<112x128xf32, #tpu.memory_space<vmem>>)
      %dma_wait3A_261 = arith.constant 224 : i32
      %dma_wait3A_262 = tpu.memref_slice %arg7[%dma_wait3A_261] : memref<336xi32, #tpu.memory_space<vmem>> -> memref<112xi32, #tpu.memory_space<vmem>>
      %dma_wait3A_263 = arith.constant 0 : i32
      %dma_wait3A_264 = arith.constant 0 : i32
      %dma_wait3A_265 = tpu.memref_slice %arg2[%dma_wait3A_263, %dma_wait3A_264] : memref<10880x128xf32, #tpu.memory_space<hbm>> -> memref<10880x128xf32, #tpu.memory_space<hbm>>
      tpu.wait_indirect_dma semaphore(%arg14 : memref<!tpu.dma_semaphore, #tpu.memory_space<semaphore_mem>>) src(%dma_wait3A_265 : memref<10880x128xf32, #tpu.memory_space<hbm>>) dst(%arg10 : memref<112x128xf32, #tpu.memory_space<vmem>>)
      %scan3A_266 = arith.constant 0 : i32
      %scan3A_267 = arith.constant 112 : i32
      %scan3A_268 = arith.addi %scan3A_266, %scan3A_267 : i32
      %scan3A_269 = arith.constant 1 : i32
      scf.for %scan3A_271 = %scan3A_266 to %scan3A_268 step %scan3A_269  : i32 {
        %mul3A_272 = arith.constant 1 : i32
        %mul3A_273 = arith.muli %scan3A_271, %mul3A_272 : i32
        %add3A_274 = arith.constant 0 : i32
        %add3A_275 = arith.addi %add3A_274, %mul3A_273 : i32
        %get3A_276 = arith.index_cast %add3A_275 : i32 to index
        %get3A_277 = arith.constant 64 : index
        %get3A_278 = tpu.vector_load %arg9[%get3A_276, %get3A_277] {strides = array<i32>} : memref<112x128xf32, #tpu.memory_space<vmem>>, vector<1x16xf32>,
        %get3A_279 = vector.shape_cast %get3A_278 : vector<1x16xf32> to vector<16xf32>
        %get3A_280 = arith.index_cast %add3A_275 : i32 to index
        %get3A_281 = arith.constant 80 : index
        %get3A_282 = tpu.vector_load %arg9[%get3A_280, %get3A_281] {strides = array<i32>} : memref<112x128xf32, #tpu.memory_space<vmem>>, vector<1x16xf32>,
        %get3A_283 = vector.shape_cast %get3A_282 : vector<1x16xf32> to vector<16xf32>
        %get3A_284 = arith.index_cast %add3A_275 : i32 to index
        %get3A_285 = arith.constant 96 : index
        %get3A_286 = tpu.vector_load %arg10[%get3A_284, %get3A_285] {strides = array<i32>} : memref<112x128xf32, #tpu.memory_space<vmem>>, vector<1x16xf32>,
        %get3A_287 = vector.shape_cast %get3A_286 : vector<1x16xf32> to vector<16xf32>
        %get3A_288 = arith.index_cast %add3A_275 : i32 to index
        %get3A_289 = arith.constant 112 : index
        %get3A_290 = tpu.vector_load %arg10[%get3A_288, %get3A_289] {strides = array<i32>} : memref<112x128xf32, #tpu.memory_space<vmem>>, vector<1x16xf32>,
        %get3A_291 = vector.shape_cast %get3A_290 : vector<1x16xf32> to vector<16xf32>
        %add3A_292 = arith.addf %get3A_279, %get3A_287 : vector<16xf32>
        %add3A_293 = arith.addf %get3A_283, %get3A_291 : vector<16xf32>
        %mul3A_294 = arith.constant 2.000000e-01 : f32
        %mul3A_295 = vector.broadcast %mul3A_294 : f32 to vector<16xf32>
        %mul3A_296 = arith.mulf %add3A_292, %mul3A_295 : vector<16xf32>
        %max3A = arith.maximumf %add3A_292, %mul3A_296 : vector<16xf32>
        %exp3A = math.exp %max3A : vector<16xf32>
        %mul3A_297 = arith.constant 2.000000e-01 : f32
        %mul3A_298 = vector.broadcast %mul3A_297 : f32 to vector<16xf32>
        %mul3A_299 = arith.mulf %add3A_293, %mul3A_298 : vector<16xf32>
        %max3A_300 = arith.maximumf %add3A_293, %mul3A_299 : vector<16xf32>
        %exp3A_301 = math.exp %max3A_300 : vector<16xf32>
        %get3A_302 = arith.index_cast %add3A_275 : i32 to index
        %get3A_303 = arith.constant 0 : index
        %get3A_304 = tpu.vector_load %arg9[%get3A_302, %get3A_303] {strides = array<i32>} : memref<112x128xf32, #tpu.memory_space<vmem>>, vector<1x16xf32>,
        %get3A_305 = vector.shape_cast %get3A_304 : vector<1x16xf32> to vector<16xf32>
        %mul3A_306 = arith.mulf %get3A_305, %exp3A : vector<16xf32>
        %swap3A_307 = arith.index_cast %add3A_275 : i32 to index
        %swap3A_308 = arith.constant 0 : index
        %swap3A_309 = tpu.vector_load %arg11[%swap3A_307, %swap3A_308] {strides = array<i32>} : memref<112x128xf32, #tpu.memory_space<vmem>>, vector<1x16xf32>,
        %swap3A_310 = vector.shape_cast %swap3A_309 : vector<1x16xf32> to vector<16xf32>
        %swap3A_311 = vector.shape_cast %mul3A_306 : vector<16xf32> to vector<1x16xf32>
        tpu.vector_store %arg11[%swap3A_307, %swap3A_308], %swap3A_311 {strides = array<i32>} : memref<112x128xf32, #tpu.memory_space<vmem>>, vector<1x16xf32>,
        %get3A_312 = arith.index_cast %add3A_275 : i32 to index
        %get3A_313 = arith.constant 16 : index
        %get3A_314 = tpu.vector_load %arg9[%get3A_312, %get3A_313] {strides = array<i32>} : memref<112x128xf32, #tpu.memory_space<vmem>>, vector<1x16xf32>,
        %get3A_315 = vector.shape_cast %get3A_314 : vector<1x16xf32> to vector<16xf32>
        %mul3A_316 = arith.mulf %get3A_315, %exp3A_301 : vector<16xf32>
        %swap3A_317 = arith.index_cast %add3A_275 : i32 to index
        %swap3A_318 = arith.constant 16 : index
        %swap3A_319 = tpu.vector_load %arg11[%swap3A_317, %swap3A_318] {strides = array<i32>} : memref<112x128xf32, #tpu.memory_space<vmem>>, vector<1x16xf32>,
        %swap3A_320 = vector.shape_cast %swap3A_319 : vector<1x16xf32> to vector<16xf32>
        %swap3A_321 = vector.shape_cast %mul3A_316 : vector<16xf32> to vector<1x16xf32>
        tpu.vector_store %arg11[%swap3A_317, %swap3A_318], %swap3A_321 {strides = array<i32>} : memref<112x128xf32, #tpu.memory_space<vmem>>, vector<1x16xf32>,
        %get3A_322 = arith.index_cast %add3A_275 : i32 to index
        %get3A_323 = arith.constant 32 : index
        %get3A_324 = tpu.vector_load %arg9[%get3A_322, %get3A_323] {strides = array<i32>} : memref<112x128xf32, #tpu.memory_space<vmem>>, vector<1x16xf32>,
        %get3A_325 = vector.shape_cast %get3A_324 : vector<1x16xf32> to vector<16xf32>
        %mul3A_326 = arith.mulf %get3A_325, %exp3A : vector<16xf32>
        %swap3A_327 = arith.index_cast %add3A_275 : i32 to index
        %swap3A_328 = arith.constant 32 : index
        %swap3A_329 = tpu.vector_load %arg11[%swap3A_327, %swap3A_328] {strides = array<i32>} : memref<112x128xf32, #tpu.memory_space<vmem>>, vector<1x16xf32>,
        %swap3A_330 = vector.shape_cast %swap3A_329 : vector<1x16xf32> to vector<16xf32>
        %swap3A_331 = vector.shape_cast %mul3A_326 : vector<16xf32> to vector<1x16xf32>
        tpu.vector_store %arg11[%swap3A_327, %swap3A_328], %swap3A_331 {strides = array<i32>} : memref<112x128xf32, #tpu.memory_space<vmem>>, vector<1x16xf32>,
        %get3A_332 = arith.index_cast %add3A_275 : i32 to index
        %get3A_333 = arith.constant 48 : index
        %get3A_334 = tpu.vector_load %arg9[%get3A_332, %get3A_333] {strides = array<i32>} : memref<112x128xf32, #tpu.memory_space<vmem>>, vector<1x16xf32>,
        %get3A_335 = vector.shape_cast %get3A_334 : vector<1x16xf32> to vector<16xf32>
        %mul3A_336 = arith.mulf %get3A_335, %exp3A_301 : vector<16xf32>
        %swap3A_337 = arith.index_cast %add3A_275 : i32 to index
        %swap3A_338 = arith.constant 48 : index
        %swap3A_339 = tpu.vector_load %arg11[%swap3A_337, %swap3A_338] {strides = array<i32>} : memref<112x128xf32, #tpu.memory_space<vmem>>, vector<1x16xf32>,
        %swap3A_340 = vector.shape_cast %swap3A_339 : vector<1x16xf32> to vector<16xf32>
        %swap3A_341 = vector.shape_cast %mul3A_336 : vector<16xf32> to vector<1x16xf32>
        tpu.vector_store %arg11[%swap3A_337, %swap3A_338], %swap3A_341 {strides = array<i32>} : memref<112x128xf32, #tpu.memory_space<vmem>>, vector<1x16xf32>,
        %swap3A_342 = arith.index_cast %add3A_275 : i32 to index
        %swap3A_343 = arith.constant 64 : index
        %swap3A_344 = tpu.vector_load %arg11[%swap3A_342, %swap3A_343] {strides = array<i32>} : memref<112x128xf32, #tpu.memory_space<vmem>>, vector<1x16xf32>,
        %swap3A_345 = vector.shape_cast %swap3A_344 : vector<1x16xf32> to vector<16xf32>
        %swap3A_346 = vector.shape_cast %exp3A : vector<16xf32> to vector<1x16xf32>
        tpu.vector_store %arg11[%swap3A_342, %swap3A_343], %swap3A_346 {strides = array<i32>} : memref<112x128xf32, #tpu.memory_space<vmem>>, vector<1x16xf32>,
        %swap3A_347 = arith.index_cast %add3A_275 : i32 to index
        %swap3A_348 = arith.constant 80 : index
        %swap3A_349 = tpu.vector_load %arg11[%swap3A_347, %swap3A_348] {strides = array<i32>} : memref<112x128xf32, #tpu.memory_space<vmem>>, vector<1x16xf32>,
        %swap3A_350 = vector.shape_cast %swap3A_349 : vector<1x16xf32> to vector<16xf32>
        %swap3A_351 = vector.shape_cast %exp3A_301 : vector<16xf32> to vector<1x16xf32>
        tpu.vector_store %arg11[%swap3A_347, %swap3A_348], %swap3A_351 {strides = array<i32>} : memref<112x128xf32, #tpu.memory_space<vmem>>, vector<1x16xf32>,
      }
      %scan3A_270 = arith.constant 112 : i32
      "tpu.region"() ({
        %run_scoped3A = tpu.sem_alloc : memref<!tpu.dma_semaphore, #tpu.memory_space<semaphore_mem>>
        %dma_start3A_271 = arith.constant 0 : i32
        %dma_start3A_272 = arith.constant 0 : i32
        %dma_start3A_273 = tpu.memref_slice %arg12[%dma_start3A_271, %dma_start3A_272] : memref<10880x128xf32, #tpu.memory_space<vmem_shared>> -> memref<10880x128xf32, #tpu.memory_space<vmem_shared>>
        tpu.enqueue_indirect_dma source(%arg11 : memref<112x128xf32, #tpu.memory_space<vmem>>) target(%dma_start3A_273 : memref<10880x128xf32, #tpu.memory_space<vmem_shared>>) offsets(%arg8 : memref<112xi32, #tpu.memory_space<vmem>>) semaphore(%run_scoped3A : memref<!tpu.dma_semaphore, #tpu.memory_space<semaphore_mem>>) {add = true}
        %dma_wait3A_274 = arith.constant 0 : i32
        %dma_wait3A_275 = arith.constant 0 : i32
        %dma_wait3A_276 = tpu.memref_slice %arg12[%dma_wait3A_274, %dma_wait3A_275] : memref<10880x128xf32, #tpu.memory_space<vmem_shared>> -> memref<10880x128xf32, #tpu.memory_space<vmem_shared>>
        tpu.wait_indirect_dma semaphore(%run_scoped3A : memref<!tpu.dma_semaphore, #tpu.memory_space<semaphore_mem>>) src(%arg11 : memref<112x128xf32, #tpu.memory_space<vmem>>) dst(%dma_wait3A_276 : memref<10880x128xf32, #tpu.memory_space<vmem_shared>>)
        tpu.yield
      }) : () -> ()
    }
    %scan3A_39 = arith.constant 85 : i32
    %barrier3A_40 = arith.constant 0 : index
    tpu.barrier barrier_id(%barrier3A_40)
    %mul3A_41 = arith.constant 680 : i32
    %mul3A_42 = arith.muli %arg1, %mul3A_41 : i32
    %mul3A_43 = arith.constant 680 : i32
    %mul3A_44 = arith.muli %arg1, %mul3A_43 : i32
    "tpu.region"() ({
      %run_scoped3A = tpu.sem_alloc : memref<!tpu.dma_semaphore, #tpu.memory_space<semaphore_mem>>
      %dma_start3A = arith.constant 0 : i32
      %dma_start3A_45 = tpu.memref_slice %arg5[%arg0, %mul3A_44, %dma_start3A] : memref<2x10880x128xf32, #tpu.memory_space<hbm>> -> memref<1x680x128xf32, #tpu.memory_space<hbm>>
      %dma_start3A_46 = tpu.memref_squeeze %dma_start3A_45 : memref<1x680x128xf32, #tpu.memory_space<hbm>> -> memref<680x128xf32, #tpu.memory_space<hbm>>
      %dma_start3A_47 = arith.constant 0 : i32
      %dma_start3A_48 = tpu.memref_slice %arg12[%mul3A_42, %dma_start3A_47] : memref<10880x128xf32, #tpu.memory_space<vmem_shared>> -> memref<680x128xf32, #tpu.memory_space<vmem_shared>>
      tpu.enqueue_dma source(%dma_start3A_48 : memref<680x128xf32, #tpu.memory_space<vmem_shared>>) target(%dma_start3A_46 : memref<680x128xf32, #tpu.memory_space<hbm>>) target_semaphore(%run_scoped3A : memref<!tpu.dma_semaphore, #tpu.memory_space<semaphore_mem>>)
      %dma_wait3A = arith.constant 0 : i32
      %dma_wait3A_49 = tpu.memref_slice %arg5[%arg0, %mul3A_44, %dma_wait3A] : memref<2x10880x128xf32, #tpu.memory_space<hbm>> -> memref<1x680x128xf32, #tpu.memory_space<hbm>>
      %dma_wait3A_50 = tpu.memref_squeeze %dma_wait3A_49 : memref<1x680x128xf32, #tpu.memory_space<hbm>> -> memref<680x128xf32, #tpu.memory_space<hbm>>
      %dma_wait3A_51 = arith.constant 0 : i32
      %dma_wait3A_52 = tpu.memref_slice %arg12[%mul3A_42, %dma_wait3A_51] : memref<10880x128xf32, #tpu.memory_space<vmem_shared>> -> memref<680x128xf32, #tpu.memory_space<vmem_shared>>
      tpu.wait_dma2 semaphore(%run_scoped3A : memref<!tpu.dma_semaphore, #tpu.memory_space<semaphore_mem>>) src(%dma_wait3A_52 : memref<680x128xf32, #tpu.memory_space<vmem_shared>>) dst(%dma_wait3A_50 : memref<680x128xf32, #tpu.memory_space<hbm>>)
      tpu.yield
    }) : () -> ()
    return
  }
}

#map = affine_map<(d0, d1) -> (0, 0)>
#map1 = affine_map<(d0, d1) -> (0)>
#map2 = affine_map<(d0, d1) -> (0, 0, 0)>
module attributes {stable_mosaic.version = 14 : i64} {
  func.func @_edge_pass(%arg0: i32, %arg1: i32, %arg2: memref<10880x128xf32, #tpu.memory_space<hbm>>, %arg3: memref<913920xi32, #tpu.memory_space<hbm>>, %arg4: memref<913920xi32, #tpu.memory_space<hbm>>, %arg5: memref<2x10880x128xf32, #tpu.memory_space<hbm>>, %arg6: memref<336xi32, #tpu.memory_space<vmem>>, %arg7: memref<336xi32, #tpu.memory_space<vmem>>, %arg8: memref<112xi32, #tpu.memory_space<vmem>>, %arg9: memref<112x128xf32, #tpu.memory_space<vmem>>, %arg10: memref<112x128xf32, #tpu.memory_space<vmem>>, %arg11: memref<112x128xf32, #tpu.memory_space<vmem>>, %arg12: memref<10880x128xf32, #tpu.memory_space<vmem_shared>>, %arg13: memref<!tpu.dma_semaphore, #tpu.memory_space<semaphore_mem>>, %arg14: memref<!tpu.dma_semaphore, #tpu.memory_space<semaphore_mem>>) attributes {dimension_semantics = [#tpu.dimension_semantics<core_parallel>, #tpu.dimension_semantics<subcore_parallel>], iteration_bounds = array<i64: 2, 16>, scalar_prefetch = 0 : i64, scratch_operands = 9 : i64, tpu.core_type = #tpu.core_type<sc_vector_subcore>, window_params = [{transform_indices = #map}, {transform_indices = #map1}, {transform_indices = #map1}, {transform_indices = #map2}]} {
    %scan3A = arith.constant 0 : i32
    %scan3A_0 = arith.constant 112 : i32
    %scan3A_1 = arith.addi %scan3A, %scan3A_0 : i32
    %scan3A_2 = arith.constant 1 : i32
    scf.for %scan3A_45 = %scan3A to %scan3A_1 step %scan3A_2  : i32 {
      %mul3A_46 = arith.constant 1 : i32
      %mul3A_47 = arith.muli %scan3A_45, %mul3A_46 : i32
      %add3A_48 = arith.constant 0 : i32
      %add3A_49 = arith.addi %add3A_48, %mul3A_47 : i32
      %broadcast_in_dim3A = arith.constant 0.000000e+00 : f32
      %broadcast_in_dim3A_50 = vector.broadcast %broadcast_in_dim3A : f32 to vector<16xf32>
      %swap3A = arith.index_cast %add3A_49 : i32 to index
      %swap3A_51 = arith.constant 0 : index
      %swap3A_52 = tpu.vector_load %arg11[%swap3A, %swap3A_51] {strides = array<i32>} : memref<112x128xf32, #tpu.memory_space<vmem>>, vector<1x16xf32>,
      %swap3A_53 = vector.shape_cast %swap3A_52 : vector<1x16xf32> to vector<16xf32>
      %swap3A_54 = vector.shape_cast %broadcast_in_dim3A_50 : vector<16xf32> to vector<1x16xf32>
      tpu.vector_store %arg11[%swap3A, %swap3A_51], %swap3A_54 {strides = array<i32>} : memref<112x128xf32, #tpu.memory_space<vmem>>, vector<1x16xf32>,
      %broadcast_in_dim3A_55 = arith.constant 0.000000e+00 : f32
      %broadcast_in_dim3A_56 = vector.broadcast %broadcast_in_dim3A_55 : f32 to vector<16xf32>
      %swap3A_57 = arith.index_cast %add3A_49 : i32 to index
      %swap3A_58 = arith.constant 16 : index
      %swap3A_59 = tpu.vector_load %arg11[%swap3A_57, %swap3A_58] {strides = array<i32>} : memref<112x128xf32, #tpu.memory_space<vmem>>, vector<1x16xf32>,
      %swap3A_60 = vector.shape_cast %swap3A_59 : vector<1x16xf32> to vector<16xf32>
      %swap3A_61 = vector.shape_cast %broadcast_in_dim3A_56 : vector<16xf32> to vector<1x16xf32>
      tpu.vector_store %arg11[%swap3A_57, %swap3A_58], %swap3A_61 {strides = array<i32>} : memref<112x128xf32, #tpu.memory_space<vmem>>, vector<1x16xf32>,
      %broadcast_in_dim3A_62 = arith.constant 0.000000e+00 : f32
      %broadcast_in_dim3A_63 = vector.broadcast %broadcast_in_dim3A_62 : f32 to vector<16xf32>
      %swap3A_64 = arith.index_cast %add3A_49 : i32 to index
      %swap3A_65 = arith.constant 32 : index
      %swap3A_66 = tpu.vector_load %arg11[%swap3A_64, %swap3A_65] {strides = array<i32>} : memref<112x128xf32, #tpu.memory_space<vmem>>, vector<1x16xf32>,
      %swap3A_67 = vector.shape_cast %swap3A_66 : vector<1x16xf32> to vector<16xf32>
      %swap3A_68 = vector.shape_cast %broadcast_in_dim3A_63 : vector<16xf32> to vector<1x16xf32>
      tpu.vector_store %arg11[%swap3A_64, %swap3A_65], %swap3A_68 {strides = array<i32>} : memref<112x128xf32, #tpu.memory_space<vmem>>, vector<1x16xf32>,
      %broadcast_in_dim3A_69 = arith.constant 0.000000e+00 : f32
      %broadcast_in_dim3A_70 = vector.broadcast %broadcast_in_dim3A_69 : f32 to vector<16xf32>
      %swap3A_71 = arith.index_cast %add3A_49 : i32 to index
      %swap3A_72 = arith.constant 48 : index
      %swap3A_73 = tpu.vector_load %arg11[%swap3A_71, %swap3A_72] {strides = array<i32>} : memref<112x128xf32, #tpu.memory_space<vmem>>, vector<1x16xf32>,
      %swap3A_74 = vector.shape_cast %swap3A_73 : vector<1x16xf32> to vector<16xf32>
      %swap3A_75 = vector.shape_cast %broadcast_in_dim3A_70 : vector<16xf32> to vector<1x16xf32>
      tpu.vector_store %arg11[%swap3A_71, %swap3A_72], %swap3A_75 {strides = array<i32>} : memref<112x128xf32, #tpu.memory_space<vmem>>, vector<1x16xf32>,
      %broadcast_in_dim3A_76 = arith.constant 0.000000e+00 : f32
      %broadcast_in_dim3A_77 = vector.broadcast %broadcast_in_dim3A_76 : f32 to vector<16xf32>
      %swap3A_78 = arith.index_cast %add3A_49 : i32 to index
      %swap3A_79 = arith.constant 64 : index
      %swap3A_80 = tpu.vector_load %arg11[%swap3A_78, %swap3A_79] {strides = array<i32>} : memref<112x128xf32, #tpu.memory_space<vmem>>, vector<1x16xf32>,
      %swap3A_81 = vector.shape_cast %swap3A_80 : vector<1x16xf32> to vector<16xf32>
      %swap3A_82 = vector.shape_cast %broadcast_in_dim3A_77 : vector<16xf32> to vector<1x16xf32>
      tpu.vector_store %arg11[%swap3A_78, %swap3A_79], %swap3A_82 {strides = array<i32>} : memref<112x128xf32, #tpu.memory_space<vmem>>, vector<1x16xf32>,
      %broadcast_in_dim3A_83 = arith.constant 0.000000e+00 : f32
      %broadcast_in_dim3A_84 = vector.broadcast %broadcast_in_dim3A_83 : f32 to vector<16xf32>
      %swap3A_85 = arith.index_cast %add3A_49 : i32 to index
      %swap3A_86 = arith.constant 80 : index
      %swap3A_87 = tpu.vector_load %arg11[%swap3A_85, %swap3A_86] {strides = array<i32>} : memref<112x128xf32, #tpu.memory_space<vmem>>, vector<1x16xf32>,
      %swap3A_88 = vector.shape_cast %swap3A_87 : vector<1x16xf32> to vector<16xf32>
      %swap3A_89 = vector.shape_cast %broadcast_in_dim3A_84 : vector<16xf32> to vector<1x16xf32>
      tpu.vector_store %arg11[%swap3A_85, %swap3A_86], %swap3A_89 {strides = array<i32>} : memref<112x128xf32, #tpu.memory_space<vmem>>, vector<1x16xf32>,
      %broadcast_in_dim3A_90 = arith.constant 0.000000e+00 : f32
      %broadcast_in_dim3A_91 = vector.broadcast %broadcast_in_dim3A_90 : f32 to vector<16xf32>
      %swap3A_92 = arith.index_cast %add3A_49 : i32 to index
      %swap3A_93 = arith.constant 96 : index
      %swap3A_94 = tpu.vector_load %arg11[%swap3A_92, %swap3A_93] {strides = array<i32>} : memref<112x128xf32, #tpu.memory_space<vmem>>, vector<1x16xf32>,
      %swap3A_95 = vector.shape_cast %swap3A_94 : vector<1x16xf32> to vector<16xf32>
      %swap3A_96 = vector.shape_cast %broadcast_in_dim3A_91 : vector<16xf32> to vector<1x16xf32>
      tpu.vector_store %arg11[%swap3A_92, %swap3A_93], %swap3A_96 {strides = array<i32>} : memref<112x128xf32, #tpu.memory_space<vmem>>, vector<1x16xf32>,
      %broadcast_in_dim3A_97 = arith.constant 0.000000e+00 : f32
      %broadcast_in_dim3A_98 = vector.broadcast %broadcast_in_dim3A_97 : f32 to vector<16xf32>
      %swap3A_99 = arith.index_cast %add3A_49 : i32 to index
      %swap3A_100 = arith.constant 112 : index
      %swap3A_101 = tpu.vector_load %arg11[%swap3A_99, %swap3A_100] {strides = array<i32>} : memref<112x128xf32, #tpu.memory_space<vmem>>, vector<1x16xf32>,
      %swap3A_102 = vector.shape_cast %swap3A_101 : vector<1x16xf32> to vector<16xf32>
      %swap3A_103 = vector.shape_cast %broadcast_in_dim3A_98 : vector<16xf32> to vector<1x16xf32>
      tpu.vector_store %arg11[%swap3A_99, %swap3A_100], %swap3A_103 {strides = array<i32>} : memref<112x128xf32, #tpu.memory_space<vmem>>, vector<1x16xf32>,
    }
    %scan3A_3 = arith.constant 112 : i32
    %mul3A = arith.constant 680 : i32
    %mul3A_4 = arith.muli %arg1, %mul3A : i32
    %add3A = arith.constant 0 : i32
    %add3A_5 = arith.addi %mul3A_4, %add3A : i32
    "tpu.region"() ({
      %run_scoped3A = tpu.sem_alloc : memref<!tpu.dma_semaphore, #tpu.memory_space<semaphore_mem>>
      %dma_start3A = arith.constant 0 : i32
      %dma_start3A_45 = arith.constant 0 : i32
      %dma_start3A_46 = tpu.memref_slice %arg11[%dma_start3A, %dma_start3A_45] : memref<112x128xf32, #tpu.memory_space<vmem>> -> memref<112x128xf32, #tpu.memory_space<vmem>>
      %dma_start3A_47 = arith.constant 0 : i32
      %dma_start3A_48 = tpu.memref_slice %arg12[%add3A_5, %dma_start3A_47] : memref<10880x128xf32, #tpu.memory_space<vmem_shared>> -> memref<112x128xf32, #tpu.memory_space<vmem_shared>>
      %dma_start3A_49 = arith.constant 0 : i32
      %dma_start3A_50 = tpu.memref_slice %arg12[%add3A_5, %dma_start3A_49] : memref<10880x128xf32, #tpu.memory_space<vmem_shared>> -> memref<112x128xf32, #tpu.memory_space<vmem_shared>>
      %dma_start3A_51 = arith.constant 0 : i32
      %dma_start3A_52 = arith.constant 0 : i32
      %dma_start3A_53 = tpu.memref_slice %arg11[%dma_start3A_51, %dma_start3A_52] : memref<112x128xf32, #tpu.memory_space<vmem>> -> memref<112x128xf32, #tpu.memory_space<vmem>>
      tpu.enqueue_dma source(%dma_start3A_53 : memref<112x128xf32, #tpu.memory_space<vmem>>) target(%dma_start3A_50 : memref<112x128xf32, #tpu.memory_space<vmem_shared>>) target_semaphore(%run_scoped3A : memref<!tpu.dma_semaphore, #tpu.memory_space<semaphore_mem>>)
      %dma_wait3A = arith.constant 0 : i32
      %dma_wait3A_54 = arith.constant 0 : i32
      %dma_wait3A_55 = tpu.memref_slice %arg11[%dma_wait3A, %dma_wait3A_54] : memref<112x128xf32, #tpu.memory_space<vmem>> -> memref<112x128xf32, #tpu.memory_space<vmem>>
      %dma_wait3A_56 = arith.constant 0 : i32
      %dma_wait3A_57 = tpu.memref_slice %arg12[%add3A_5, %dma_wait3A_56] : memref<10880x128xf32, #tpu.memory_space<vmem_shared>> -> memref<112x128xf32, #tpu.memory_space<vmem_shared>>
      %dma_wait3A_58 = arith.constant 0 : i32
      %dma_wait3A_59 = tpu.memref_slice %arg12[%add3A_5, %dma_wait3A_58] : memref<10880x128xf32, #tpu.memory_space<vmem_shared>> -> memref<112x128xf32, #tpu.memory_space<vmem_shared>>
      %dma_wait3A_60 = arith.constant 0 : i32
      %dma_wait3A_61 = arith.constant 0 : i32
      %dma_wait3A_62 = tpu.memref_slice %arg11[%dma_wait3A_60, %dma_wait3A_61] : memref<112x128xf32, #tpu.memory_space<vmem>> -> memref<112x128xf32, #tpu.memory_space<vmem>>
      tpu.wait_dma2 semaphore(%run_scoped3A : memref<!tpu.dma_semaphore, #tpu.memory_space<semaphore_mem>>) src(%dma_wait3A_62 : memref<112x128xf32, #tpu.memory_space<vmem>>) dst(%dma_wait3A_59 : memref<112x128xf32, #tpu.memory_space<vmem_shared>>)
      tpu.yield
    }) : () -> ()
    %mul3A_6 = arith.constant 680 : i32
    %mul3A_7 = arith.muli %arg1, %mul3A_6 : i32
    %add3A_8 = arith.constant 112 : i32
    %add3A_9 = arith.addi %mul3A_7, %add3A_8 : i32
    "tpu.region"() ({
      %run_scoped3A = tpu.sem_alloc : memref<!tpu.dma_semaphore, #tpu.memory_space<semaphore_mem>>
      %dma_start3A = arith.constant 0 : i32
      %dma_start3A_45 = arith.constant 0 : i32
      %dma_start3A_46 = tpu.memref_slice %arg11[%dma_start3A, %dma_start3A_45] : memref<112x128xf32, #tpu.memory_space<vmem>> -> memref<112x128xf32, #tpu.memory_space<vmem>>
      %dma_start3A_47 = arith.constant 0 : i32
      %dma_start3A_48 = tpu.memref_slice %arg12[%add3A_9, %dma_start3A_47] : memref<10880x128xf32, #tpu.memory_space<vmem_shared>> -> memref<112x128xf32, #tpu.memory_space<vmem_shared>>
      %dma_start3A_49 = arith.constant 0 : i32
      %dma_start3A_50 = tpu.memref_slice %arg12[%add3A_9, %dma_start3A_49] : memref<10880x128xf32, #tpu.memory_space<vmem_shared>> -> memref<112x128xf32, #tpu.memory_space<vmem_shared>>
      %dma_start3A_51 = arith.constant 0 : i32
      %dma_start3A_52 = arith.constant 0 : i32
      %dma_start3A_53 = tpu.memref_slice %arg11[%dma_start3A_51, %dma_start3A_52] : memref<112x128xf32, #tpu.memory_space<vmem>> -> memref<112x128xf32, #tpu.memory_space<vmem>>
      tpu.enqueue_dma source(%dma_start3A_53 : memref<112x128xf32, #tpu.memory_space<vmem>>) target(%dma_start3A_50 : memref<112x128xf32, #tpu.memory_space<vmem_shared>>) target_semaphore(%run_scoped3A : memref<!tpu.dma_semaphore, #tpu.memory_space<semaphore_mem>>)
      %dma_wait3A = arith.constant 0 : i32
      %dma_wait3A_54 = arith.constant 0 : i32
      %dma_wait3A_55 = tpu.memref_slice %arg11[%dma_wait3A, %dma_wait3A_54] : memref<112x128xf32, #tpu.memory_space<vmem>> -> memref<112x128xf32, #tpu.memory_space<vmem>>
      %dma_wait3A_56 = arith.constant 0 : i32
      %dma_wait3A_57 = tpu.memref_slice %arg12[%add3A_9, %dma_wait3A_56] : memref<10880x128xf32, #tpu.memory_space<vmem_shared>> -> memref<112x128xf32, #tpu.memory_space<vmem_shared>>
      %dma_wait3A_58 = arith.constant 0 : i32
      %dma_wait3A_59 = tpu.memref_slice %arg12[%add3A_9, %dma_wait3A_58] : memref<10880x128xf32, #tpu.memory_space<vmem_shared>> -> memref<112x128xf32, #tpu.memory_space<vmem_shared>>
      %dma_wait3A_60 = arith.constant 0 : i32
      %dma_wait3A_61 = arith.constant 0 : i32
      %dma_wait3A_62 = tpu.memref_slice %arg11[%dma_wait3A_60, %dma_wait3A_61] : memref<112x128xf32, #tpu.memory_space<vmem>> -> memref<112x128xf32, #tpu.memory_space<vmem>>
      tpu.wait_dma2 semaphore(%run_scoped3A : memref<!tpu.dma_semaphore, #tpu.memory_space<semaphore_mem>>) src(%dma_wait3A_62 : memref<112x128xf32, #tpu.memory_space<vmem>>) dst(%dma_wait3A_59 : memref<112x128xf32, #tpu.memory_space<vmem_shared>>)
      tpu.yield
    }) : () -> ()
    %mul3A_10 = arith.constant 680 : i32
    %mul3A_11 = arith.muli %arg1, %mul3A_10 : i32
    %add3A_12 = arith.constant 224 : i32
    %add3A_13 = arith.addi %mul3A_11, %add3A_12 : i32
    "tpu.region"() ({
      %run_scoped3A = tpu.sem_alloc : memref<!tpu.dma_semaphore, #tpu.memory_space<semaphore_mem>>
      %dma_start3A = arith.constant 0 : i32
      %dma_start3A_45 = arith.constant 0 : i32
      %dma_start3A_46 = tpu.memref_slice %arg11[%dma_start3A, %dma_start3A_45] : memref<112x128xf32, #tpu.memory_space<vmem>> -> memref<112x128xf32, #tpu.memory_space<vmem>>
      %dma_start3A_47 = arith.constant 0 : i32
      %dma_start3A_48 = tpu.memref_slice %arg12[%add3A_13, %dma_start3A_47] : memref<10880x128xf32, #tpu.memory_space<vmem_shared>> -> memref<112x128xf32, #tpu.memory_space<vmem_shared>>
      %dma_start3A_49 = arith.constant 0 : i32
      %dma_start3A_50 = tpu.memref_slice %arg12[%add3A_13, %dma_start3A_49] : memref<10880x128xf32, #tpu.memory_space<vmem_shared>> -> memref<112x128xf32, #tpu.memory_space<vmem_shared>>
      %dma_start3A_51 = arith.constant 0 : i32
      %dma_start3A_52 = arith.constant 0 : i32
      %dma_start3A_53 = tpu.memref_slice %arg11[%dma_start3A_51, %dma_start3A_52] : memref<112x128xf32, #tpu.memory_space<vmem>> -> memref<112x128xf32, #tpu.memory_space<vmem>>
      tpu.enqueue_dma source(%dma_start3A_53 : memref<112x128xf32, #tpu.memory_space<vmem>>) target(%dma_start3A_50 : memref<112x128xf32, #tpu.memory_space<vmem_shared>>) target_semaphore(%run_scoped3A : memref<!tpu.dma_semaphore, #tpu.memory_space<semaphore_mem>>)
      %dma_wait3A = arith.constant 0 : i32
      %dma_wait3A_54 = arith.constant 0 : i32
      %dma_wait3A_55 = tpu.memref_slice %arg11[%dma_wait3A, %dma_wait3A_54] : memref<112x128xf32, #tpu.memory_space<vmem>> -> memref<112x128xf32, #tpu.memory_space<vmem>>
      %dma_wait3A_56 = arith.constant 0 : i32
      %dma_wait3A_57 = tpu.memref_slice %arg12[%add3A_13, %dma_wait3A_56] : memref<10880x128xf32, #tpu.memory_space<vmem_shared>> -> memref<112x128xf32, #tpu.memory_space<vmem_shared>>
      %dma_wait3A_58 = arith.constant 0 : i32
      %dma_wait3A_59 = tpu.memref_slice %arg12[%add3A_13, %dma_wait3A_58] : memref<10880x128xf32, #tpu.memory_space<vmem_shared>> -> memref<112x128xf32, #tpu.memory_space<vmem_shared>>
      %dma_wait3A_60 = arith.constant 0 : i32
      %dma_wait3A_61 = arith.constant 0 : i32
      %dma_wait3A_62 = tpu.memref_slice %arg11[%dma_wait3A_60, %dma_wait3A_61] : memref<112x128xf32, #tpu.memory_space<vmem>> -> memref<112x128xf32, #tpu.memory_space<vmem>>
      tpu.wait_dma2 semaphore(%run_scoped3A : memref<!tpu.dma_semaphore, #tpu.memory_space<semaphore_mem>>) src(%dma_wait3A_62 : memref<112x128xf32, #tpu.memory_space<vmem>>) dst(%dma_wait3A_59 : memref<112x128xf32, #tpu.memory_space<vmem_shared>>)
      tpu.yield
    }) : () -> ()
    %mul3A_14 = arith.constant 680 : i32
    %mul3A_15 = arith.muli %arg1, %mul3A_14 : i32
    %add3A_16 = arith.constant 336 : i32
    %add3A_17 = arith.addi %mul3A_15, %add3A_16 : i32
    "tpu.region"() ({
      %run_scoped3A = tpu.sem_alloc : memref<!tpu.dma_semaphore, #tpu.memory_space<semaphore_mem>>
      %dma_start3A = arith.constant 0 : i32
      %dma_start3A_45 = arith.constant 0 : i32
      %dma_start3A_46 = tpu.memref_slice %arg11[%dma_start3A, %dma_start3A_45] : memref<112x128xf32, #tpu.memory_space<vmem>> -> memref<112x128xf32, #tpu.memory_space<vmem>>
      %dma_start3A_47 = arith.constant 0 : i32
      %dma_start3A_48 = tpu.memref_slice %arg12[%add3A_17, %dma_start3A_47] : memref<10880x128xf32, #tpu.memory_space<vmem_shared>> -> memref<112x128xf32, #tpu.memory_space<vmem_shared>>
      %dma_start3A_49 = arith.constant 0 : i32
      %dma_start3A_50 = tpu.memref_slice %arg12[%add3A_17, %dma_start3A_49] : memref<10880x128xf32, #tpu.memory_space<vmem_shared>> -> memref<112x128xf32, #tpu.memory_space<vmem_shared>>
      %dma_start3A_51 = arith.constant 0 : i32
      %dma_start3A_52 = arith.constant 0 : i32
      %dma_start3A_53 = tpu.memref_slice %arg11[%dma_start3A_51, %dma_start3A_52] : memref<112x128xf32, #tpu.memory_space<vmem>> -> memref<112x128xf32, #tpu.memory_space<vmem>>
      tpu.enqueue_dma source(%dma_start3A_53 : memref<112x128xf32, #tpu.memory_space<vmem>>) target(%dma_start3A_50 : memref<112x128xf32, #tpu.memory_space<vmem_shared>>) target_semaphore(%run_scoped3A : memref<!tpu.dma_semaphore, #tpu.memory_space<semaphore_mem>>)
      %dma_wait3A = arith.constant 0 : i32
      %dma_wait3A_54 = arith.constant 0 : i32
      %dma_wait3A_55 = tpu.memref_slice %arg11[%dma_wait3A, %dma_wait3A_54] : memref<112x128xf32, #tpu.memory_space<vmem>> -> memref<112x128xf32, #tpu.memory_space<vmem>>
      %dma_wait3A_56 = arith.constant 0 : i32
      %dma_wait3A_57 = tpu.memref_slice %arg12[%add3A_17, %dma_wait3A_56] : memref<10880x128xf32, #tpu.memory_space<vmem_shared>> -> memref<112x128xf32, #tpu.memory_space<vmem_shared>>
      %dma_wait3A_58 = arith.constant 0 : i32
      %dma_wait3A_59 = tpu.memref_slice %arg12[%add3A_17, %dma_wait3A_58] : memref<10880x128xf32, #tpu.memory_space<vmem_shared>> -> memref<112x128xf32, #tpu.memory_space<vmem_shared>>
      %dma_wait3A_60 = arith.constant 0 : i32
      %dma_wait3A_61 = arith.constant 0 : i32
      %dma_wait3A_62 = tpu.memref_slice %arg11[%dma_wait3A_60, %dma_wait3A_61] : memref<112x128xf32, #tpu.memory_space<vmem>> -> memref<112x128xf32, #tpu.memory_space<vmem>>
      tpu.wait_dma2 semaphore(%run_scoped3A : memref<!tpu.dma_semaphore, #tpu.memory_space<semaphore_mem>>) src(%dma_wait3A_62 : memref<112x128xf32, #tpu.memory_space<vmem>>) dst(%dma_wait3A_59 : memref<112x128xf32, #tpu.memory_space<vmem_shared>>)
      tpu.yield
    }) : () -> ()
    %mul3A_18 = arith.constant 680 : i32
    %mul3A_19 = arith.muli %arg1, %mul3A_18 : i32
    %add3A_20 = arith.constant 448 : i32
    %add3A_21 = arith.addi %mul3A_19, %add3A_20 : i32
    "tpu.region"() ({
      %run_scoped3A = tpu.sem_alloc : memref<!tpu.dma_semaphore, #tpu.memory_space<semaphore_mem>>
      %dma_start3A = arith.constant 0 : i32
      %dma_start3A_45 = arith.constant 0 : i32
      %dma_start3A_46 = tpu.memref_slice %arg11[%dma_start3A, %dma_start3A_45] : memref<112x128xf32, #tpu.memory_space<vmem>> -> memref<112x128xf32, #tpu.memory_space<vmem>>
      %dma_start3A_47 = arith.constant 0 : i32
      %dma_start3A_48 = tpu.memref_slice %arg12[%add3A_21, %dma_start3A_47] : memref<10880x128xf32, #tpu.memory_space<vmem_shared>> -> memref<112x128xf32, #tpu.memory_space<vmem_shared>>
      %dma_start3A_49 = arith.constant 0 : i32
      %dma_start3A_50 = tpu.memref_slice %arg12[%add3A_21, %dma_start3A_49] : memref<10880x128xf32, #tpu.memory_space<vmem_shared>> -> memref<112x128xf32, #tpu.memory_space<vmem_shared>>
      %dma_start3A_51 = arith.constant 0 : i32
      %dma_start3A_52 = arith.constant 0 : i32
      %dma_start3A_53 = tpu.memref_slice %arg11[%dma_start3A_51, %dma_start3A_52] : memref<112x128xf32, #tpu.memory_space<vmem>> -> memref<112x128xf32, #tpu.memory_space<vmem>>
      tpu.enqueue_dma source(%dma_start3A_53 : memref<112x128xf32, #tpu.memory_space<vmem>>) target(%dma_start3A_50 : memref<112x128xf32, #tpu.memory_space<vmem_shared>>) target_semaphore(%run_scoped3A : memref<!tpu.dma_semaphore, #tpu.memory_space<semaphore_mem>>)
      %dma_wait3A = arith.constant 0 : i32
      %dma_wait3A_54 = arith.constant 0 : i32
      %dma_wait3A_55 = tpu.memref_slice %arg11[%dma_wait3A, %dma_wait3A_54] : memref<112x128xf32, #tpu.memory_space<vmem>> -> memref<112x128xf32, #tpu.memory_space<vmem>>
      %dma_wait3A_56 = arith.constant 0 : i32
      %dma_wait3A_57 = tpu.memref_slice %arg12[%add3A_21, %dma_wait3A_56] : memref<10880x128xf32, #tpu.memory_space<vmem_shared>> -> memref<112x128xf32, #tpu.memory_space<vmem_shared>>
      %dma_wait3A_58 = arith.constant 0 : i32
      %dma_wait3A_59 = tpu.memref_slice %arg12[%add3A_21, %dma_wait3A_58] : memref<10880x128xf32, #tpu.memory_space<vmem_shared>> -> memref<112x128xf32, #tpu.memory_space<vmem_shared>>
      %dma_wait3A_60 = arith.constant 0 : i32
      %dma_wait3A_61 = arith.constant 0 : i32
      %dma_wait3A_62 = tpu.memref_slice %arg11[%dma_wait3A_60, %dma_wait3A_61] : memref<112x128xf32, #tpu.memory_space<vmem>> -> memref<112x128xf32, #tpu.memory_space<vmem>>
      tpu.wait_dma2 semaphore(%run_scoped3A : memref<!tpu.dma_semaphore, #tpu.memory_space<semaphore_mem>>) src(%dma_wait3A_62 : memref<112x128xf32, #tpu.memory_space<vmem>>) dst(%dma_wait3A_59 : memref<112x128xf32, #tpu.memory_space<vmem_shared>>)
      tpu.yield
    }) : () -> ()
    %mul3A_22 = arith.constant 680 : i32
    %mul3A_23 = arith.muli %arg1, %mul3A_22 : i32
    %add3A_24 = arith.constant 560 : i32
    %add3A_25 = arith.addi %mul3A_23, %add3A_24 : i32
    "tpu.region"() ({
      %run_scoped3A = tpu.sem_alloc : memref<!tpu.dma_semaphore, #tpu.memory_space<semaphore_mem>>
      %dma_start3A = arith.constant 0 : i32
      %dma_start3A_45 = arith.constant 0 : i32
      %dma_start3A_46 = tpu.memref_slice %arg11[%dma_start3A, %dma_start3A_45] : memref<112x128xf32, #tpu.memory_space<vmem>> -> memref<112x128xf32, #tpu.memory_space<vmem>>
      %dma_start3A_47 = arith.constant 0 : i32
      %dma_start3A_48 = tpu.memref_slice %arg12[%add3A_25, %dma_start3A_47] : memref<10880x128xf32, #tpu.memory_space<vmem_shared>> -> memref<112x128xf32, #tpu.memory_space<vmem_shared>>
      %dma_start3A_49 = arith.constant 0 : i32
      %dma_start3A_50 = tpu.memref_slice %arg12[%add3A_25, %dma_start3A_49] : memref<10880x128xf32, #tpu.memory_space<vmem_shared>> -> memref<112x128xf32, #tpu.memory_space<vmem_shared>>
      %dma_start3A_51 = arith.constant 0 : i32
      %dma_start3A_52 = arith.constant 0 : i32
      %dma_start3A_53 = tpu.memref_slice %arg11[%dma_start3A_51, %dma_start3A_52] : memref<112x128xf32, #tpu.memory_space<vmem>> -> memref<112x128xf32, #tpu.memory_space<vmem>>
      tpu.enqueue_dma source(%dma_start3A_53 : memref<112x128xf32, #tpu.memory_space<vmem>>) target(%dma_start3A_50 : memref<112x128xf32, #tpu.memory_space<vmem_shared>>) target_semaphore(%run_scoped3A : memref<!tpu.dma_semaphore, #tpu.memory_space<semaphore_mem>>)
      %dma_wait3A = arith.constant 0 : i32
      %dma_wait3A_54 = arith.constant 0 : i32
      %dma_wait3A_55 = tpu.memref_slice %arg11[%dma_wait3A, %dma_wait3A_54] : memref<112x128xf32, #tpu.memory_space<vmem>> -> memref<112x128xf32, #tpu.memory_space<vmem>>
      %dma_wait3A_56 = arith.constant 0 : i32
      %dma_wait3A_57 = tpu.memref_slice %arg12[%add3A_25, %dma_wait3A_56] : memref<10880x128xf32, #tpu.memory_space<vmem_shared>> -> memref<112x128xf32, #tpu.memory_space<vmem_shared>>
      %dma_wait3A_58 = arith.constant 0 : i32
      %dma_wait3A_59 = tpu.memref_slice %arg12[%add3A_25, %dma_wait3A_58] : memref<10880x128xf32, #tpu.memory_space<vmem_shared>> -> memref<112x128xf32, #tpu.memory_space<vmem_shared>>
      %dma_wait3A_60 = arith.constant 0 : i32
      %dma_wait3A_61 = arith.constant 0 : i32
      %dma_wait3A_62 = tpu.memref_slice %arg11[%dma_wait3A_60, %dma_wait3A_61] : memref<112x128xf32, #tpu.memory_space<vmem>> -> memref<112x128xf32, #tpu.memory_space<vmem>>
      tpu.wait_dma2 semaphore(%run_scoped3A : memref<!tpu.dma_semaphore, #tpu.memory_space<semaphore_mem>>) src(%dma_wait3A_62 : memref<112x128xf32, #tpu.memory_space<vmem>>) dst(%dma_wait3A_59 : memref<112x128xf32, #tpu.memory_space<vmem_shared>>)
      tpu.yield
    }) : () -> ()
    %mul3A_26 = arith.constant 680 : i32
    %mul3A_27 = arith.muli %arg1, %mul3A_26 : i32
    %add3A_28 = arith.constant 672 : i32
    %add3A_29 = arith.addi %mul3A_27, %add3A_28 : i32
    "tpu.region"() ({
      %run_scoped3A = tpu.sem_alloc : memref<!tpu.dma_semaphore, #tpu.memory_space<semaphore_mem>>
      %dma_start3A = arith.constant 0 : i32
      %dma_start3A_45 = arith.constant 0 : i32
      %dma_start3A_46 = tpu.memref_slice %arg11[%dma_start3A, %dma_start3A_45] : memref<112x128xf32, #tpu.memory_space<vmem>> -> memref<8x128xf32, #tpu.memory_space<vmem>>
      %dma_start3A_47 = arith.constant 0 : i32
      %dma_start3A_48 = tpu.memref_slice %arg12[%add3A_29, %dma_start3A_47] : memref<10880x128xf32, #tpu.memory_space<vmem_shared>> -> memref<8x128xf32, #tpu.memory_space<vmem_shared>>
      %dma_start3A_49 = arith.constant 0 : i32
      %dma_start3A_50 = tpu.memref_slice %arg12[%add3A_29, %dma_start3A_49] : memref<10880x128xf32, #tpu.memory_space<vmem_shared>> -> memref<8x128xf32, #tpu.memory_space<vmem_shared>>
      %dma_start3A_51 = arith.constant 0 : i32
      %dma_start3A_52 = arith.constant 0 : i32
      %dma_start3A_53 = tpu.memref_slice %arg11[%dma_start3A_51, %dma_start3A_52] : memref<112x128xf32, #tpu.memory_space<vmem>> -> memref<8x128xf32, #tpu.memory_space<vmem>>
      tpu.enqueue_dma source(%dma_start3A_53 : memref<8x128xf32, #tpu.memory_space<vmem>>) target(%dma_start3A_50 : memref<8x128xf32, #tpu.memory_space<vmem_shared>>) target_semaphore(%run_scoped3A : memref<!tpu.dma_semaphore, #tpu.memory_space<semaphore_mem>>)
      %dma_wait3A = arith.constant 0 : i32
      %dma_wait3A_54 = arith.constant 0 : i32
      %dma_wait3A_55 = tpu.memref_slice %arg11[%dma_wait3A, %dma_wait3A_54] : memref<112x128xf32, #tpu.memory_space<vmem>> -> memref<8x128xf32, #tpu.memory_space<vmem>>
      %dma_wait3A_56 = arith.constant 0 : i32
      %dma_wait3A_57 = tpu.memref_slice %arg12[%add3A_29, %dma_wait3A_56] : memref<10880x128xf32, #tpu.memory_space<vmem_shared>> -> memref<8x128xf32, #tpu.memory_space<vmem_shared>>
      %dma_wait3A_58 = arith.constant 0 : i32
      %dma_wait3A_59 = tpu.memref_slice %arg12[%add3A_29, %dma_wait3A_58] : memref<10880x128xf32, #tpu.memory_space<vmem_shared>> -> memref<8x128xf32, #tpu.memory_space<vmem_shared>>
      %dma_wait3A_60 = arith.constant 0 : i32
      %dma_wait3A_61 = arith.constant 0 : i32
      %dma_wait3A_62 = tpu.memref_slice %arg11[%dma_wait3A_60, %dma_wait3A_61] : memref<112x128xf32, #tpu.memory_space<vmem>> -> memref<8x128xf32, #tpu.memory_space<vmem>>
      tpu.wait_dma2 semaphore(%run_scoped3A : memref<!tpu.dma_semaphore, #tpu.memory_space<semaphore_mem>>) src(%dma_wait3A_62 : memref<8x128xf32, #tpu.memory_space<vmem>>) dst(%dma_wait3A_59 : memref<8x128xf32, #tpu.memory_space<vmem_shared>>)
      tpu.yield
    }) : () -> ()
    %barrier3A = arith.constant 0 : index
    tpu.barrier barrier_id(%barrier3A)
    %mul3A_30 = arith.constant 16 : i32
    %mul3A_31 = arith.muli %arg0, %mul3A_30 : i32
    %add3A_32 = arith.addi %mul3A_31, %arg1 : i32
    %mul3A_33 = arith.constant 28560 : i32
    %mul3A_34 = arith.muli %add3A_32, %mul3A_33 : i32
    %scan3A_35 = arith.constant 0 : i32
    %scan3A_36 = arith.constant 85 : i32
    %scan3A_37 = arith.addi %scan3A_35, %scan3A_36 : i32
    %scan3A_38 = arith.constant 1 : i32
    scf.for %scan3A_45 = %scan3A_35 to %scan3A_37 step %scan3A_38  : i32 {
      %mul3A_46 = arith.constant 1 : i32
      %mul3A_47 = arith.muli %scan3A_45, %mul3A_46 : i32
      %add3A_48 = arith.constant 0 : i32
      %add3A_49 = arith.addi %add3A_48, %mul3A_47 : i32
      %mul3A_50 = arith.constant 336 : i32
      %mul3A_51 = arith.muli %add3A_49, %mul3A_50 : i32
      %add3A_52 = arith.addi %mul3A_34, %mul3A_51 : i32
      "tpu.region"() ({
        %run_scoped3A = tpu.sem_alloc : memref<!tpu.dma_semaphore, #tpu.memory_space<semaphore_mem>>
        %dma_start3A_271 = tpu.memref_slice %arg3[%add3A_52] : memref<913920xi32, #tpu.memory_space<hbm>> -> memref<336xi32, #tpu.memory_space<hbm>>
        %dma_start3A_272 = tpu.memref_slice %arg3[%add3A_52] : memref<913920xi32, #tpu.memory_space<hbm>> -> memref<336xi32, #tpu.memory_space<hbm>>
        tpu.enqueue_dma source(%dma_start3A_272 : memref<336xi32, #tpu.memory_space<hbm>>) target(%arg6 : memref<336xi32, #tpu.memory_space<vmem>>) target_semaphore(%run_scoped3A : memref<!tpu.dma_semaphore, #tpu.memory_space<semaphore_mem>>)
        %dma_wait3A_273 = tpu.memref_slice %arg3[%add3A_52] : memref<913920xi32, #tpu.memory_space<hbm>> -> memref<336xi32, #tpu.memory_space<hbm>>
        %dma_wait3A_274 = tpu.memref_slice %arg3[%add3A_52] : memref<913920xi32, #tpu.memory_space<hbm>> -> memref<336xi32, #tpu.memory_space<hbm>>
        tpu.wait_dma2 semaphore(%run_scoped3A : memref<!tpu.dma_semaphore, #tpu.memory_space<semaphore_mem>>) src(%dma_wait3A_274 : memref<336xi32, #tpu.memory_space<hbm>>) dst(%arg6 : memref<336xi32, #tpu.memory_space<vmem>>)
        tpu.yield
      }) : () -> ()
      "tpu.region"() ({
        %run_scoped3A = tpu.sem_alloc : memref<!tpu.dma_semaphore, #tpu.memory_space<semaphore_mem>>
        %dma_start3A_271 = tpu.memref_slice %arg4[%add3A_52] : memref<913920xi32, #tpu.memory_space<hbm>> -> memref<336xi32, #tpu.memory_space<hbm>>
        %dma_start3A_272 = tpu.memref_slice %arg4[%add3A_52] : memref<913920xi32, #tpu.memory_space<hbm>> -> memref<336xi32, #tpu.memory_space<hbm>>
        tpu.enqueue_dma source(%dma_start3A_272 : memref<336xi32, #tpu.memory_space<hbm>>) target(%arg7 : memref<336xi32, #tpu.memory_space<vmem>>) target_semaphore(%run_scoped3A : memref<!tpu.dma_semaphore, #tpu.memory_space<semaphore_mem>>)
        %dma_wait3A_273 = tpu.memref_slice %arg4[%add3A_52] : memref<913920xi32, #tpu.memory_space<hbm>> -> memref<336xi32, #tpu.memory_space<hbm>>
        %dma_wait3A_274 = tpu.memref_slice %arg4[%add3A_52] : memref<913920xi32, #tpu.memory_space<hbm>> -> memref<336xi32, #tpu.memory_space<hbm>>
        tpu.wait_dma2 semaphore(%run_scoped3A : memref<!tpu.dma_semaphore, #tpu.memory_space<semaphore_mem>>) src(%dma_wait3A_274 : memref<336xi32, #tpu.memory_space<hbm>>) dst(%arg7 : memref<336xi32, #tpu.memory_space<vmem>>)
        tpu.yield
      }) : () -> ()
      %get3A = arith.constant 0 : index
      %get3A_53 = tpu.vector_load %arg7[%get3A] {strides = array<i32>} : memref<336xi32, #tpu.memory_space<vmem>>, vector<16xi32>,
      %get3A_54 = vector.shape_cast %get3A_53 : vector<16xi32> to vector<16xi32>
      %swap3A = arith.constant 0 : index
      %swap3A_55 = tpu.vector_load %arg8[%swap3A] {strides = array<i32>} : memref<112xi32, #tpu.memory_space<vmem>>, vector<16xi32>,
      %swap3A_56 = vector.shape_cast %swap3A_55 : vector<16xi32> to vector<16xi32>
      %swap3A_57 = vector.shape_cast %get3A_54 : vector<16xi32> to vector<16xi32>
      tpu.vector_store %arg8[%swap3A], %swap3A_57 {strides = array<i32>} : memref<112xi32, #tpu.memory_space<vmem>>, vector<16xi32>,
      %get3A_58 = arith.constant 16 : index
      %get3A_59 = tpu.vector_load %arg7[%get3A_58] {strides = array<i32>} : memref<336xi32, #tpu.memory_space<vmem>>, vector<16xi32>,
      %get3A_60 = vector.shape_cast %get3A_59 : vector<16xi32> to vector<16xi32>
      %swap3A_61 = arith.constant 16 : index
      %swap3A_62 = tpu.vector_load %arg8[%swap3A_61] {strides = array<i32>} : memref<112xi32, #tpu.memory_space<vmem>>, vector<16xi32>,
      %swap3A_63 = vector.shape_cast %swap3A_62 : vector<16xi32> to vector<16xi32>
      %swap3A_64 = vector.shape_cast %get3A_60 : vector<16xi32> to vector<16xi32>
      tpu.vector_store %arg8[%swap3A_61], %swap3A_64 {strides = array<i32>} : memref<112xi32, #tpu.memory_space<vmem>>, vector<16xi32>,
      %get3A_65 = arith.constant 32 : index
      %get3A_66 = tpu.vector_load %arg7[%get3A_65] {strides = array<i32>} : memref<336xi32, #tpu.memory_space<vmem>>, vector<16xi32>,
      %get3A_67 = vector.shape_cast %get3A_66 : vector<16xi32> to vector<16xi32>
      %swap3A_68 = arith.constant 32 : index
      %swap3A_69 = tpu.vector_load %arg8[%swap3A_68] {strides = array<i32>} : memref<112xi32, #tpu.memory_space<vmem>>, vector<16xi32>,
      %swap3A_70 = vector.shape_cast %swap3A_69 : vector<16xi32> to vector<16xi32>
      %swap3A_71 = vector.shape_cast %get3A_67 : vector<16xi32> to vector<16xi32>
      tpu.vector_store %arg8[%swap3A_68], %swap3A_71 {strides = array<i32>} : memref<112xi32, #tpu.memory_space<vmem>>, vector<16xi32>,
      %get3A_72 = arith.constant 48 : index
      %get3A_73 = tpu.vector_load %arg7[%get3A_72] {strides = array<i32>} : memref<336xi32, #tpu.memory_space<vmem>>, vector<16xi32>,
      %get3A_74 = vector.shape_cast %get3A_73 : vector<16xi32> to vector<16xi32>
      %swap3A_75 = arith.constant 48 : index
      %swap3A_76 = tpu.vector_load %arg8[%swap3A_75] {strides = array<i32>} : memref<112xi32, #tpu.memory_space<vmem>>, vector<16xi32>,
      %swap3A_77 = vector.shape_cast %swap3A_76 : vector<16xi32> to vector<16xi32>
      %swap3A_78 = vector.shape_cast %get3A_74 : vector<16xi32> to vector<16xi32>
      tpu.vector_store %arg8[%swap3A_75], %swap3A_78 {strides = array<i32>} : memref<112xi32, #tpu.memory_space<vmem>>, vector<16xi32>,
      %get3A_79 = arith.constant 64 : index
      %get3A_80 = tpu.vector_load %arg7[%get3A_79] {strides = array<i32>} : memref<336xi32, #tpu.memory_space<vmem>>, vector<16xi32>,
      %get3A_81 = vector.shape_cast %get3A_80 : vector<16xi32> to vector<16xi32>
      %swap3A_82 = arith.constant 64 : index
      %swap3A_83 = tpu.vector_load %arg8[%swap3A_82] {strides = array<i32>} : memref<112xi32, #tpu.memory_space<vmem>>, vector<16xi32>,
      %swap3A_84 = vector.shape_cast %swap3A_83 : vector<16xi32> to vector<16xi32>
      %swap3A_85 = vector.shape_cast %get3A_81 : vector<16xi32> to vector<16xi32>
      tpu.vector_store %arg8[%swap3A_82], %swap3A_85 {strides = array<i32>} : memref<112xi32, #tpu.memory_space<vmem>>, vector<16xi32>,
      %get3A_86 = arith.constant 80 : index
      %get3A_87 = tpu.vector_load %arg7[%get3A_86] {strides = array<i32>} : memref<336xi32, #tpu.memory_space<vmem>>, vector<16xi32>,
      %get3A_88 = vector.shape_cast %get3A_87 : vector<16xi32> to vector<16xi32>
      %swap3A_89 = arith.constant 80 : index
      %swap3A_90 = tpu.vector_load %arg8[%swap3A_89] {strides = array<i32>} : memref<112xi32, #tpu.memory_space<vmem>>, vector<16xi32>,
      %swap3A_91 = vector.shape_cast %swap3A_90 : vector<16xi32> to vector<16xi32>
      %swap3A_92 = vector.shape_cast %get3A_88 : vector<16xi32> to vector<16xi32>
      tpu.vector_store %arg8[%swap3A_89], %swap3A_92 {strides = array<i32>} : memref<112xi32, #tpu.memory_space<vmem>>, vector<16xi32>,
      %get3A_93 = arith.constant 96 : index
      %get3A_94 = tpu.vector_load %arg7[%get3A_93] {strides = array<i32>} : memref<336xi32, #tpu.memory_space<vmem>>, vector<16xi32>,
      %get3A_95 = vector.shape_cast %get3A_94 : vector<16xi32> to vector<16xi32>
      %swap3A_96 = arith.constant 96 : index
      %swap3A_97 = tpu.vector_load %arg8[%swap3A_96] {strides = array<i32>} : memref<112xi32, #tpu.memory_space<vmem>>, vector<16xi32>,
      %swap3A_98 = vector.shape_cast %swap3A_97 : vector<16xi32> to vector<16xi32>
      %swap3A_99 = vector.shape_cast %get3A_95 : vector<16xi32> to vector<16xi32>
      tpu.vector_store %arg8[%swap3A_96], %swap3A_99 {strides = array<i32>} : memref<112xi32, #tpu.memory_space<vmem>>, vector<16xi32>,
      %dma_start3A = arith.constant 0 : i32
      %dma_start3A_100 = tpu.memref_slice %arg6[%dma_start3A] : memref<336xi32, #tpu.memory_space<vmem>> -> memref<112xi32, #tpu.memory_space<vmem>>
      %dma_start3A_101 = arith.constant 0 : i32
      %dma_start3A_102 = arith.constant 0 : i32
      %dma_start3A_103 = tpu.memref_slice %arg2[%dma_start3A_101, %dma_start3A_102] : memref<10880x128xf32, #tpu.memory_space<hbm>> -> memref<10880x128xf32, #tpu.memory_space<hbm>>
      tpu.enqueue_indirect_dma source(%dma_start3A_103 : memref<10880x128xf32, #tpu.memory_space<hbm>>) target(%arg9 : memref<112x128xf32, #tpu.memory_space<vmem>>) offsets(%dma_start3A_100 : memref<112xi32, #tpu.memory_space<vmem>>) semaphore(%arg13 : memref<!tpu.dma_semaphore, #tpu.memory_space<semaphore_mem>>)
      %dma_start3A_104 = arith.constant 0 : i32
      %dma_start3A_105 = tpu.memref_slice %arg7[%dma_start3A_104] : memref<336xi32, #tpu.memory_space<vmem>> -> memref<112xi32, #tpu.memory_space<vmem>>
      %dma_start3A_106 = arith.constant 0 : i32
      %dma_start3A_107 = arith.constant 0 : i32
      %dma_start3A_108 = tpu.memref_slice %arg2[%dma_start3A_106, %dma_start3A_107] : memref<10880x128xf32, #tpu.memory_space<hbm>> -> memref<10880x128xf32, #tpu.memory_space<hbm>>
      tpu.enqueue_indirect_dma source(%dma_start3A_108 : memref<10880x128xf32, #tpu.memory_space<hbm>>) target(%arg10 : memref<112x128xf32, #tpu.memory_space<vmem>>) offsets(%dma_start3A_105 : memref<112xi32, #tpu.memory_space<vmem>>) semaphore(%arg14 : memref<!tpu.dma_semaphore, #tpu.memory_space<semaphore_mem>>)
      %dma_wait3A = arith.constant 0 : i32
      %dma_wait3A_109 = tpu.memref_slice %arg6[%dma_wait3A] : memref<336xi32, #tpu.memory_space<vmem>> -> memref<112xi32, #tpu.memory_space<vmem>>
      %dma_wait3A_110 = arith.constant 0 : i32
      %dma_wait3A_111 = arith.constant 0 : i32
      %dma_wait3A_112 = tpu.memref_slice %arg2[%dma_wait3A_110, %dma_wait3A_111] : memref<10880x128xf32, #tpu.memory_space<hbm>> -> memref<10880x128xf32, #tpu.memory_space<hbm>>
      tpu.wait_indirect_dma semaphore(%arg13 : memref<!tpu.dma_semaphore, #tpu.memory_space<semaphore_mem>>) src(%dma_wait3A_112 : memref<10880x128xf32, #tpu.memory_space<hbm>>) dst(%arg9 : memref<112x128xf32, #tpu.memory_space<vmem>>)
      %dma_wait3A_113 = arith.constant 0 : i32
      %dma_wait3A_114 = tpu.memref_slice %arg7[%dma_wait3A_113] : memref<336xi32, #tpu.memory_space<vmem>> -> memref<112xi32, #tpu.memory_space<vmem>>
      %dma_wait3A_115 = arith.constant 0 : i32
      %dma_wait3A_116 = arith.constant 0 : i32
      %dma_wait3A_117 = tpu.memref_slice %arg2[%dma_wait3A_115, %dma_wait3A_116] : memref<10880x128xf32, #tpu.memory_space<hbm>> -> memref<10880x128xf32, #tpu.memory_space<hbm>>
      tpu.wait_indirect_dma semaphore(%arg14 : memref<!tpu.dma_semaphore, #tpu.memory_space<semaphore_mem>>) src(%dma_wait3A_117 : memref<10880x128xf32, #tpu.memory_space<hbm>>) dst(%arg10 : memref<112x128xf32, #tpu.memory_space<vmem>>)
      %scan3A_118 = arith.constant 0 : i32
      %scan3A_119 = arith.constant 112 : i32
      %scan3A_120 = arith.addi %scan3A_118, %scan3A_119 : i32
      %scan3A_121 = arith.constant 1 : i32
      scf.for %scan3A_271 = %scan3A_118 to %scan3A_120 step %scan3A_121  : i32 {
        %mul3A_272 = arith.constant 1 : i32
        %mul3A_273 = arith.muli %scan3A_271, %mul3A_272 : i32
        %add3A_274 = arith.constant 0 : i32
        %add3A_275 = arith.addi %add3A_274, %mul3A_273 : i32
        %get3A_276 = arith.index_cast %add3A_275 : i32 to index
        %get3A_277 = arith.constant 64 : index
        %get3A_278 = tpu.vector_load %arg9[%get3A_276, %get3A_277] {strides = array<i32>} : memref<112x128xf32, #tpu.memory_space<vmem>>, vector<1x16xf32>,
        %get3A_279 = vector.shape_cast %get3A_278 : vector<1x16xf32> to vector<16xf32>
        %get3A_280 = arith.index_cast %add3A_275 : i32 to index
        %get3A_281 = arith.constant 80 : index
        %get3A_282 = tpu.vector_load %arg10[%get3A_280, %get3A_281] {strides = array<i32>} : memref<112x128xf32, #tpu.memory_space<vmem>>, vector<1x16xf32>,
        %get3A_283 = vector.shape_cast %get3A_282 : vector<1x16xf32> to vector<16xf32>
        %add3A_284 = arith.addf %get3A_279, %get3A_283 : vector<16xf32>
        %mul3A_285 = arith.constant 2.000000e-01 : f32
        %mul3A_286 = vector.broadcast %mul3A_285 : f32 to vector<16xf32>
        %mul3A_287 = arith.mulf %add3A_284, %mul3A_286 : vector<16xf32>
        %max3A = arith.maximumf %add3A_284, %mul3A_287 : vector<16xf32>
        %exp3A = math.exp %max3A : vector<16xf32>
        %get3A_288 = arith.index_cast %add3A_275 : i32 to index
        %get3A_289 = arith.constant 0 : index
        %get3A_290 = tpu.vector_load %arg9[%get3A_288, %get3A_289] {strides = array<i32>} : memref<112x128xf32, #tpu.memory_space<vmem>>, vector<1x16xf32>,
        %get3A_291 = vector.shape_cast %get3A_290 : vector<1x16xf32> to vector<16xf32>
        %mul3A_292 = arith.mulf %get3A_291, %exp3A : vector<16xf32>
        %swap3A_293 = arith.index_cast %add3A_275 : i32 to index
        %swap3A_294 = arith.constant 0 : index
        %swap3A_295 = tpu.vector_load %arg11[%swap3A_293, %swap3A_294] {strides = array<i32>} : memref<112x128xf32, #tpu.memory_space<vmem>>, vector<1x16xf32>,
        %swap3A_296 = vector.shape_cast %swap3A_295 : vector<1x16xf32> to vector<16xf32>
        %swap3A_297 = vector.shape_cast %mul3A_292 : vector<16xf32> to vector<1x16xf32>
        tpu.vector_store %arg11[%swap3A_293, %swap3A_294], %swap3A_297 {strides = array<i32>} : memref<112x128xf32, #tpu.memory_space<vmem>>, vector<1x16xf32>,
        %get3A_298 = arith.index_cast %add3A_275 : i32 to index
        %get3A_299 = arith.constant 16 : index
        %get3A_300 = tpu.vector_load %arg9[%get3A_298, %get3A_299] {strides = array<i32>} : memref<112x128xf32, #tpu.memory_space<vmem>>, vector<1x16xf32>,
        %get3A_301 = vector.shape_cast %get3A_300 : vector<1x16xf32> to vector<16xf32>
        %mul3A_302 = arith.mulf %get3A_301, %exp3A : vector<16xf32>
        %swap3A_303 = arith.index_cast %add3A_275 : i32 to index
        %swap3A_304 = arith.constant 16 : index
        %swap3A_305 = tpu.vector_load %arg11[%swap3A_303, %swap3A_304] {strides = array<i32>} : memref<112x128xf32, #tpu.memory_space<vmem>>, vector<1x16xf32>,
        %swap3A_306 = vector.shape_cast %swap3A_305 : vector<1x16xf32> to vector<16xf32>
        %swap3A_307 = vector.shape_cast %mul3A_302 : vector<16xf32> to vector<1x16xf32>
        tpu.vector_store %arg11[%swap3A_303, %swap3A_304], %swap3A_307 {strides = array<i32>} : memref<112x128xf32, #tpu.memory_space<vmem>>, vector<1x16xf32>,
        %get3A_308 = arith.index_cast %add3A_275 : i32 to index
        %get3A_309 = arith.constant 32 : index
        %get3A_310 = tpu.vector_load %arg9[%get3A_308, %get3A_309] {strides = array<i32>} : memref<112x128xf32, #tpu.memory_space<vmem>>, vector<1x16xf32>,
        %get3A_311 = vector.shape_cast %get3A_310 : vector<1x16xf32> to vector<16xf32>
        %mul3A_312 = arith.mulf %get3A_311, %exp3A : vector<16xf32>
        %swap3A_313 = arith.index_cast %add3A_275 : i32 to index
        %swap3A_314 = arith.constant 32 : index
        %swap3A_315 = tpu.vector_load %arg11[%swap3A_313, %swap3A_314] {strides = array<i32>} : memref<112x128xf32, #tpu.memory_space<vmem>>, vector<1x16xf32>,
        %swap3A_316 = vector.shape_cast %swap3A_315 : vector<1x16xf32> to vector<16xf32>
        %swap3A_317 = vector.shape_cast %mul3A_312 : vector<16xf32> to vector<1x16xf32>
        tpu.vector_store %arg11[%swap3A_313, %swap3A_314], %swap3A_317 {strides = array<i32>} : memref<112x128xf32, #tpu.memory_space<vmem>>, vector<1x16xf32>,
        %get3A_318 = arith.index_cast %add3A_275 : i32 to index
        %get3A_319 = arith.constant 48 : index
        %get3A_320 = tpu.vector_load %arg9[%get3A_318, %get3A_319] {strides = array<i32>} : memref<112x128xf32, #tpu.memory_space<vmem>>, vector<1x16xf32>,
        %get3A_321 = vector.shape_cast %get3A_320 : vector<1x16xf32> to vector<16xf32>
        %mul3A_322 = arith.mulf %get3A_321, %exp3A : vector<16xf32>
        %swap3A_323 = arith.index_cast %add3A_275 : i32 to index
        %swap3A_324 = arith.constant 48 : index
        %swap3A_325 = tpu.vector_load %arg11[%swap3A_323, %swap3A_324] {strides = array<i32>} : memref<112x128xf32, #tpu.memory_space<vmem>>, vector<1x16xf32>,
        %swap3A_326 = vector.shape_cast %swap3A_325 : vector<1x16xf32> to vector<16xf32>
        %swap3A_327 = vector.shape_cast %mul3A_322 : vector<16xf32> to vector<1x16xf32>
        tpu.vector_store %arg11[%swap3A_323, %swap3A_324], %swap3A_327 {strides = array<i32>} : memref<112x128xf32, #tpu.memory_space<vmem>>, vector<1x16xf32>,
        %swap3A_328 = arith.index_cast %add3A_275 : i32 to index
        %swap3A_329 = arith.constant 64 : index
        %swap3A_330 = tpu.vector_load %arg11[%swap3A_328, %swap3A_329] {strides = array<i32>} : memref<112x128xf32, #tpu.memory_space<vmem>>, vector<1x16xf32>,
        %swap3A_331 = vector.shape_cast %swap3A_330 : vector<1x16xf32> to vector<16xf32>
        %swap3A_332 = vector.shape_cast %exp3A : vector<16xf32> to vector<1x16xf32>
        tpu.vector_store %arg11[%swap3A_328, %swap3A_329], %swap3A_332 {strides = array<i32>} : memref<112x128xf32, #tpu.memory_space<vmem>>, vector<1x16xf32>,
      }
      %scan3A_122 = arith.constant 112 : i32
      "tpu.region"() ({
        %run_scoped3A = tpu.sem_alloc : memref<!tpu.dma_semaphore, #tpu.memory_space<semaphore_mem>>
        %dma_start3A_271 = arith.constant 0 : i32
        %dma_start3A_272 = arith.constant 0 : i32
        %dma_start3A_273 = tpu.memref_slice %arg12[%dma_start3A_271, %dma_start3A_272] : memref<10880x128xf32, #tpu.memory_space<vmem_shared>> -> memref<10880x128xf32, #tpu.memory_space<vmem_shared>>
        tpu.enqueue_indirect_dma source(%arg11 : memref<112x128xf32, #tpu.memory_space<vmem>>) target(%dma_start3A_273 : memref<10880x128xf32, #tpu.memory_space<vmem_shared>>) offsets(%arg8 : memref<112xi32, #tpu.memory_space<vmem>>) semaphore(%run_scoped3A : memref<!tpu.dma_semaphore, #tpu.memory_space<semaphore_mem>>) {add = true}
        %dma_wait3A_274 = arith.constant 0 : i32
        %dma_wait3A_275 = arith.constant 0 : i32
        %dma_wait3A_276 = tpu.memref_slice %arg12[%dma_wait3A_274, %dma_wait3A_275] : memref<10880x128xf32, #tpu.memory_space<vmem_shared>> -> memref<10880x128xf32, #tpu.memory_space<vmem_shared>>
        tpu.wait_indirect_dma semaphore(%run_scoped3A : memref<!tpu.dma_semaphore, #tpu.memory_space<semaphore_mem>>) src(%arg11 : memref<112x128xf32, #tpu.memory_space<vmem>>) dst(%dma_wait3A_276 : memref<10880x128xf32, #tpu.memory_space<vmem_shared>>)
        tpu.yield
      }) : () -> ()
      %get3A_123 = arith.constant 112 : index
      %get3A_124 = tpu.vector_load %arg7[%get3A_123] {strides = array<i32>} : memref<336xi32, #tpu.memory_space<vmem>>, vector<16xi32>,
      %get3A_125 = vector.shape_cast %get3A_124 : vector<16xi32> to vector<16xi32>
      %swap3A_126 = arith.constant 0 : index
      %swap3A_127 = tpu.vector_load %arg8[%swap3A_126] {strides = array<i32>} : memref<112xi32, #tpu.memory_space<vmem>>, vector<16xi32>,
      %swap3A_128 = vector.shape_cast %swap3A_127 : vector<16xi32> to vector<16xi32>
      %swap3A_129 = vector.shape_cast %get3A_125 : vector<16xi32> to vector<16xi32>
      tpu.vector_store %arg8[%swap3A_126], %swap3A_129 {strides = array<i32>} : memref<112xi32, #tpu.memory_space<vmem>>, vector<16xi32>,
      %get3A_130 = arith.constant 128 : index
      %get3A_131 = tpu.vector_load %arg7[%get3A_130] {strides = array<i32>} : memref<336xi32, #tpu.memory_space<vmem>>, vector<16xi32>,
      %get3A_132 = vector.shape_cast %get3A_131 : vector<16xi32> to vector<16xi32>
      %swap3A_133 = arith.constant 16 : index
      %swap3A_134 = tpu.vector_load %arg8[%swap3A_133] {strides = array<i32>} : memref<112xi32, #tpu.memory_space<vmem>>, vector<16xi32>,
      %swap3A_135 = vector.shape_cast %swap3A_134 : vector<16xi32> to vector<16xi32>
      %swap3A_136 = vector.shape_cast %get3A_132 : vector<16xi32> to vector<16xi32>
      tpu.vector_store %arg8[%swap3A_133], %swap3A_136 {strides = array<i32>} : memref<112xi32, #tpu.memory_space<vmem>>, vector<16xi32>,
      %get3A_137 = arith.constant 144 : index
      %get3A_138 = tpu.vector_load %arg7[%get3A_137] {strides = array<i32>} : memref<336xi32, #tpu.memory_space<vmem>>, vector<16xi32>,
      %get3A_139 = vector.shape_cast %get3A_138 : vector<16xi32> to vector<16xi32>
      %swap3A_140 = arith.constant 32 : index
      %swap3A_141 = tpu.vector_load %arg8[%swap3A_140] {strides = array<i32>} : memref<112xi32, #tpu.memory_space<vmem>>, vector<16xi32>,
      %swap3A_142 = vector.shape_cast %swap3A_141 : vector<16xi32> to vector<16xi32>
      %swap3A_143 = vector.shape_cast %get3A_139 : vector<16xi32> to vector<16xi32>
      tpu.vector_store %arg8[%swap3A_140], %swap3A_143 {strides = array<i32>} : memref<112xi32, #tpu.memory_space<vmem>>, vector<16xi32>,
      %get3A_144 = arith.constant 160 : index
      %get3A_145 = tpu.vector_load %arg7[%get3A_144] {strides = array<i32>} : memref<336xi32, #tpu.memory_space<vmem>>, vector<16xi32>,
      %get3A_146 = vector.shape_cast %get3A_145 : vector<16xi32> to vector<16xi32>
      %swap3A_147 = arith.constant 48 : index
      %swap3A_148 = tpu.vector_load %arg8[%swap3A_147] {strides = array<i32>} : memref<112xi32, #tpu.memory_space<vmem>>, vector<16xi32>,
      %swap3A_149 = vector.shape_cast %swap3A_148 : vector<16xi32> to vector<16xi32>
      %swap3A_150 = vector.shape_cast %get3A_146 : vector<16xi32> to vector<16xi32>
      tpu.vector_store %arg8[%swap3A_147], %swap3A_150 {strides = array<i32>} : memref<112xi32, #tpu.memory_space<vmem>>, vector<16xi32>,
      %get3A_151 = arith.constant 176 : index
      %get3A_152 = tpu.vector_load %arg7[%get3A_151] {strides = array<i32>} : memref<336xi32, #tpu.memory_space<vmem>>, vector<16xi32>,
      %get3A_153 = vector.shape_cast %get3A_152 : vector<16xi32> to vector<16xi32>
      %swap3A_154 = arith.constant 64 : index
      %swap3A_155 = tpu.vector_load %arg8[%swap3A_154] {strides = array<i32>} : memref<112xi32, #tpu.memory_space<vmem>>, vector<16xi32>,
      %swap3A_156 = vector.shape_cast %swap3A_155 : vector<16xi32> to vector<16xi32>
      %swap3A_157 = vector.shape_cast %get3A_153 : vector<16xi32> to vector<16xi32>
      tpu.vector_store %arg8[%swap3A_154], %swap3A_157 {strides = array<i32>} : memref<112xi32, #tpu.memory_space<vmem>>, vector<16xi32>,
      %get3A_158 = arith.constant 192 : index
      %get3A_159 = tpu.vector_load %arg7[%get3A_158] {strides = array<i32>} : memref<336xi32, #tpu.memory_space<vmem>>, vector<16xi32>,
      %get3A_160 = vector.shape_cast %get3A_159 : vector<16xi32> to vector<16xi32>
      %swap3A_161 = arith.constant 80 : index
      %swap3A_162 = tpu.vector_load %arg8[%swap3A_161] {strides = array<i32>} : memref<112xi32, #tpu.memory_space<vmem>>, vector<16xi32>,
      %swap3A_163 = vector.shape_cast %swap3A_162 : vector<16xi32> to vector<16xi32>
      %swap3A_164 = vector.shape_cast %get3A_160 : vector<16xi32> to vector<16xi32>
      tpu.vector_store %arg8[%swap3A_161], %swap3A_164 {strides = array<i32>} : memref<112xi32, #tpu.memory_space<vmem>>, vector<16xi32>,
      %get3A_165 = arith.constant 208 : index
      %get3A_166 = tpu.vector_load %arg7[%get3A_165] {strides = array<i32>} : memref<336xi32, #tpu.memory_space<vmem>>, vector<16xi32>,
      %get3A_167 = vector.shape_cast %get3A_166 : vector<16xi32> to vector<16xi32>
      %swap3A_168 = arith.constant 96 : index
      %swap3A_169 = tpu.vector_load %arg8[%swap3A_168] {strides = array<i32>} : memref<112xi32, #tpu.memory_space<vmem>>, vector<16xi32>,
      %swap3A_170 = vector.shape_cast %swap3A_169 : vector<16xi32> to vector<16xi32>
      %swap3A_171 = vector.shape_cast %get3A_167 : vector<16xi32> to vector<16xi32>
      tpu.vector_store %arg8[%swap3A_168], %swap3A_171 {strides = array<i32>} : memref<112xi32, #tpu.memory_space<vmem>>, vector<16xi32>,
      %dma_start3A_172 = arith.constant 112 : i32
      %dma_start3A_173 = tpu.memref_slice %arg6[%dma_start3A_172] : memref<336xi32, #tpu.memory_space<vmem>> -> memref<112xi32, #tpu.memory_space<vmem>>
      %dma_start3A_174 = arith.constant 0 : i32
      %dma_start3A_175 = arith.constant 0 : i32
      %dma_start3A_176 = tpu.memref_slice %arg2[%dma_start3A_174, %dma_start3A_175] : memref<10880x128xf32, #tpu.memory_space<hbm>> -> memref<10880x128xf32, #tpu.memory_space<hbm>>
      tpu.enqueue_indirect_dma source(%dma_start3A_176 : memref<10880x128xf32, #tpu.memory_space<hbm>>) target(%arg9 : memref<112x128xf32, #tpu.memory_space<vmem>>) offsets(%dma_start3A_173 : memref<112xi32, #tpu.memory_space<vmem>>) semaphore(%arg13 : memref<!tpu.dma_semaphore, #tpu.memory_space<semaphore_mem>>)
      %dma_start3A_177 = arith.constant 112 : i32
      %dma_start3A_178 = tpu.memref_slice %arg7[%dma_start3A_177] : memref<336xi32, #tpu.memory_space<vmem>> -> memref<112xi32, #tpu.memory_space<vmem>>
      %dma_start3A_179 = arith.constant 0 : i32
      %dma_start3A_180 = arith.constant 0 : i32
      %dma_start3A_181 = tpu.memref_slice %arg2[%dma_start3A_179, %dma_start3A_180] : memref<10880x128xf32, #tpu.memory_space<hbm>> -> memref<10880x128xf32, #tpu.memory_space<hbm>>
      tpu.enqueue_indirect_dma source(%dma_start3A_181 : memref<10880x128xf32, #tpu.memory_space<hbm>>) target(%arg10 : memref<112x128xf32, #tpu.memory_space<vmem>>) offsets(%dma_start3A_178 : memref<112xi32, #tpu.memory_space<vmem>>) semaphore(%arg14 : memref<!tpu.dma_semaphore, #tpu.memory_space<semaphore_mem>>)
      %dma_wait3A_182 = arith.constant 112 : i32
      %dma_wait3A_183 = tpu.memref_slice %arg6[%dma_wait3A_182] : memref<336xi32, #tpu.memory_space<vmem>> -> memref<112xi32, #tpu.memory_space<vmem>>
      %dma_wait3A_184 = arith.constant 0 : i32
      %dma_wait3A_185 = arith.constant 0 : i32
      %dma_wait3A_186 = tpu.memref_slice %arg2[%dma_wait3A_184, %dma_wait3A_185] : memref<10880x128xf32, #tpu.memory_space<hbm>> -> memref<10880x128xf32, #tpu.memory_space<hbm>>
      tpu.wait_indirect_dma semaphore(%arg13 : memref<!tpu.dma_semaphore, #tpu.memory_space<semaphore_mem>>) src(%dma_wait3A_186 : memref<10880x128xf32, #tpu.memory_space<hbm>>) dst(%arg9 : memref<112x128xf32, #tpu.memory_space<vmem>>)
      %dma_wait3A_187 = arith.constant 112 : i32
      %dma_wait3A_188 = tpu.memref_slice %arg7[%dma_wait3A_187] : memref<336xi32, #tpu.memory_space<vmem>> -> memref<112xi32, #tpu.memory_space<vmem>>
      %dma_wait3A_189 = arith.constant 0 : i32
      %dma_wait3A_190 = arith.constant 0 : i32
      %dma_wait3A_191 = tpu.memref_slice %arg2[%dma_wait3A_189, %dma_wait3A_190] : memref<10880x128xf32, #tpu.memory_space<hbm>> -> memref<10880x128xf32, #tpu.memory_space<hbm>>
      tpu.wait_indirect_dma semaphore(%arg14 : memref<!tpu.dma_semaphore, #tpu.memory_space<semaphore_mem>>) src(%dma_wait3A_191 : memref<10880x128xf32, #tpu.memory_space<hbm>>) dst(%arg10 : memref<112x128xf32, #tpu.memory_space<vmem>>)
      %scan3A_192 = arith.constant 0 : i32
      %scan3A_193 = arith.constant 112 : i32
      %scan3A_194 = arith.addi %scan3A_192, %scan3A_193 : i32
      %scan3A_195 = arith.constant 1 : i32
      scf.for %scan3A_271 = %scan3A_192 to %scan3A_194 step %scan3A_195  : i32 {
        %mul3A_272 = arith.constant 1 : i32
        %mul3A_273 = arith.muli %scan3A_271, %mul3A_272 : i32
        %add3A_274 = arith.constant 0 : i32
        %add3A_275 = arith.addi %add3A_274, %mul3A_273 : i32
        %get3A_276 = arith.index_cast %add3A_275 : i32 to index
        %get3A_277 = arith.constant 64 : index
        %get3A_278 = tpu.vector_load %arg9[%get3A_276, %get3A_277] {strides = array<i32>} : memref<112x128xf32, #tpu.memory_space<vmem>>, vector<1x16xf32>,
        %get3A_279 = vector.shape_cast %get3A_278 : vector<1x16xf32> to vector<16xf32>
        %get3A_280 = arith.index_cast %add3A_275 : i32 to index
        %get3A_281 = arith.constant 80 : index
        %get3A_282 = tpu.vector_load %arg10[%get3A_280, %get3A_281] {strides = array<i32>} : memref<112x128xf32, #tpu.memory_space<vmem>>, vector<1x16xf32>,
        %get3A_283 = vector.shape_cast %get3A_282 : vector<1x16xf32> to vector<16xf32>
        %add3A_284 = arith.addf %get3A_279, %get3A_283 : vector<16xf32>
        %mul3A_285 = arith.constant 2.000000e-01 : f32
        %mul3A_286 = vector.broadcast %mul3A_285 : f32 to vector<16xf32>
        %mul3A_287 = arith.mulf %add3A_284, %mul3A_286 : vector<16xf32>
        %max3A = arith.maximumf %add3A_284, %mul3A_287 : vector<16xf32>
        %exp3A = math.exp %max3A : vector<16xf32>
        %get3A_288 = arith.index_cast %add3A_275 : i32 to index
        %get3A_289 = arith.constant 0 : index
        %get3A_290 = tpu.vector_load %arg9[%get3A_288, %get3A_289] {strides = array<i32>} : memref<112x128xf32, #tpu.memory_space<vmem>>, vector<1x16xf32>,
        %get3A_291 = vector.shape_cast %get3A_290 : vector<1x16xf32> to vector<16xf32>
        %mul3A_292 = arith.mulf %get3A_291, %exp3A : vector<16xf32>
        %swap3A_293 = arith.index_cast %add3A_275 : i32 to index
        %swap3A_294 = arith.constant 0 : index
        %swap3A_295 = tpu.vector_load %arg11[%swap3A_293, %swap3A_294] {strides = array<i32>} : memref<112x128xf32, #tpu.memory_space<vmem>>, vector<1x16xf32>,
        %swap3A_296 = vector.shape_cast %swap3A_295 : vector<1x16xf32> to vector<16xf32>
        %swap3A_297 = vector.shape_cast %mul3A_292 : vector<16xf32> to vector<1x16xf32>
        tpu.vector_store %arg11[%swap3A_293, %swap3A_294], %swap3A_297 {strides = array<i32>} : memref<112x128xf32, #tpu.memory_space<vmem>>, vector<1x16xf32>,
        %get3A_298 = arith.index_cast %add3A_275 : i32 to index
        %get3A_299 = arith.constant 16 : index
        %get3A_300 = tpu.vector_load %arg9[%get3A_298, %get3A_299] {strides = array<i32>} : memref<112x128xf32, #tpu.memory_space<vmem>>, vector<1x16xf32>,
        %get3A_301 = vector.shape_cast %get3A_300 : vector<1x16xf32> to vector<16xf32>
        %mul3A_302 = arith.mulf %get3A_301, %exp3A : vector<16xf32>
        %swap3A_303 = arith.index_cast %add3A_275 : i32 to index
        %swap3A_304 = arith.constant 16 : index
        %swap3A_305 = tpu.vector_load %arg11[%swap3A_303, %swap3A_304] {strides = array<i32>} : memref<112x128xf32, #tpu.memory_space<vmem>>, vector<1x16xf32>,
        %swap3A_306 = vector.shape_cast %swap3A_305 : vector<1x16xf32> to vector<16xf32>
        %swap3A_307 = vector.shape_cast %mul3A_302 : vector<16xf32> to vector<1x16xf32>
        tpu.vector_store %arg11[%swap3A_303, %swap3A_304], %swap3A_307 {strides = array<i32>} : memref<112x128xf32, #tpu.memory_space<vmem>>, vector<1x16xf32>,
        %get3A_308 = arith.index_cast %add3A_275 : i32 to index
        %get3A_309 = arith.constant 32 : index
        %get3A_310 = tpu.vector_load %arg9[%get3A_308, %get3A_309] {strides = array<i32>} : memref<112x128xf32, #tpu.memory_space<vmem>>, vector<1x16xf32>,
        %get3A_311 = vector.shape_cast %get3A_310 : vector<1x16xf32> to vector<16xf32>
        %mul3A_312 = arith.mulf %get3A_311, %exp3A : vector<16xf32>
        %swap3A_313 = arith.index_cast %add3A_275 : i32 to index
        %swap3A_314 = arith.constant 32 : index
        %swap3A_315 = tpu.vector_load %arg11[%swap3A_313, %swap3A_314] {strides = array<i32>} : memref<112x128xf32, #tpu.memory_space<vmem>>, vector<1x16xf32>,
        %swap3A_316 = vector.shape_cast %swap3A_315 : vector<1x16xf32> to vector<16xf32>
        %swap3A_317 = vector.shape_cast %mul3A_312 : vector<16xf32> to vector<1x16xf32>
        tpu.vector_store %arg11[%swap3A_313, %swap3A_314], %swap3A_317 {strides = array<i32>} : memref<112x128xf32, #tpu.memory_space<vmem>>, vector<1x16xf32>,
        %get3A_318 = arith.index_cast %add3A_275 : i32 to index
        %get3A_319 = arith.constant 48 : index
        %get3A_320 = tpu.vector_load %arg9[%get3A_318, %get3A_319] {strides = array<i32>} : memref<112x128xf32, #tpu.memory_space<vmem>>, vector<1x16xf32>,
        %get3A_321 = vector.shape_cast %get3A_320 : vector<1x16xf32> to vector<16xf32>
        %mul3A_322 = arith.mulf %get3A_321, %exp3A : vector<16xf32>
        %swap3A_323 = arith.index_cast %add3A_275 : i32 to index
        %swap3A_324 = arith.constant 48 : index
        %swap3A_325 = tpu.vector_load %arg11[%swap3A_323, %swap3A_324] {strides = array<i32>} : memref<112x128xf32, #tpu.memory_space<vmem>>, vector<1x16xf32>,
        %swap3A_326 = vector.shape_cast %swap3A_325 : vector<1x16xf32> to vector<16xf32>
        %swap3A_327 = vector.shape_cast %mul3A_322 : vector<16xf32> to vector<1x16xf32>
        tpu.vector_store %arg11[%swap3A_323, %swap3A_324], %swap3A_327 {strides = array<i32>} : memref<112x128xf32, #tpu.memory_space<vmem>>, vector<1x16xf32>,
        %swap3A_328 = arith.index_cast %add3A_275 : i32 to index
        %swap3A_329 = arith.constant 64 : index
        %swap3A_330 = tpu.vector_load %arg11[%swap3A_328, %swap3A_329] {strides = array<i32>} : memref<112x128xf32, #tpu.memory_space<vmem>>, vector<1x16xf32>,
        %swap3A_331 = vector.shape_cast %swap3A_330 : vector<1x16xf32> to vector<16xf32>
        %swap3A_332 = vector.shape_cast %exp3A : vector<16xf32> to vector<1x16xf32>
        tpu.vector_store %arg11[%swap3A_328, %swap3A_329], %swap3A_332 {strides = array<i32>} : memref<112x128xf32, #tpu.memory_space<vmem>>, vector<1x16xf32>,
      }
      %scan3A_196 = arith.constant 112 : i32
      "tpu.region"() ({
        %run_scoped3A = tpu.sem_alloc : memref<!tpu.dma_semaphore, #tpu.memory_space<semaphore_mem>>
        %dma_start3A_271 = arith.constant 0 : i32
        %dma_start3A_272 = arith.constant 0 : i32
        %dma_start3A_273 = tpu.memref_slice %arg12[%dma_start3A_271, %dma_start3A_272] : memref<10880x128xf32, #tpu.memory_space<vmem_shared>> -> memref<10880x128xf32, #tpu.memory_space<vmem_shared>>
        tpu.enqueue_indirect_dma source(%arg11 : memref<112x128xf32, #tpu.memory_space<vmem>>) target(%dma_start3A_273 : memref<10880x128xf32, #tpu.memory_space<vmem_shared>>) offsets(%arg8 : memref<112xi32, #tpu.memory_space<vmem>>) semaphore(%run_scoped3A : memref<!tpu.dma_semaphore, #tpu.memory_space<semaphore_mem>>) {add = true}
        %dma_wait3A_274 = arith.constant 0 : i32
        %dma_wait3A_275 = arith.constant 0 : i32
        %dma_wait3A_276 = tpu.memref_slice %arg12[%dma_wait3A_274, %dma_wait3A_275] : memref<10880x128xf32, #tpu.memory_space<vmem_shared>> -> memref<10880x128xf32, #tpu.memory_space<vmem_shared>>
        tpu.wait_indirect_dma semaphore(%run_scoped3A : memref<!tpu.dma_semaphore, #tpu.memory_space<semaphore_mem>>) src(%arg11 : memref<112x128xf32, #tpu.memory_space<vmem>>) dst(%dma_wait3A_276 : memref<10880x128xf32, #tpu.memory_space<vmem_shared>>)
        tpu.yield
      }) : () -> ()
      %get3A_197 = arith.constant 224 : index
      %get3A_198 = tpu.vector_load %arg7[%get3A_197] {strides = array<i32>} : memref<336xi32, #tpu.memory_space<vmem>>, vector<16xi32>,
      %get3A_199 = vector.shape_cast %get3A_198 : vector<16xi32> to vector<16xi32>
      %swap3A_200 = arith.constant 0 : index
      %swap3A_201 = tpu.vector_load %arg8[%swap3A_200] {strides = array<i32>} : memref<112xi32, #tpu.memory_space<vmem>>, vector<16xi32>,
      %swap3A_202 = vector.shape_cast %swap3A_201 : vector<16xi32> to vector<16xi32>
      %swap3A_203 = vector.shape_cast %get3A_199 : vector<16xi32> to vector<16xi32>
      tpu.vector_store %arg8[%swap3A_200], %swap3A_203 {strides = array<i32>} : memref<112xi32, #tpu.memory_space<vmem>>, vector<16xi32>,
      %get3A_204 = arith.constant 240 : index
      %get3A_205 = tpu.vector_load %arg7[%get3A_204] {strides = array<i32>} : memref<336xi32, #tpu.memory_space<vmem>>, vector<16xi32>,
      %get3A_206 = vector.shape_cast %get3A_205 : vector<16xi32> to vector<16xi32>
      %swap3A_207 = arith.constant 16 : index
      %swap3A_208 = tpu.vector_load %arg8[%swap3A_207] {strides = array<i32>} : memref<112xi32, #tpu.memory_space<vmem>>, vector<16xi32>,
      %swap3A_209 = vector.shape_cast %swap3A_208 : vector<16xi32> to vector<16xi32>
      %swap3A_210 = vector.shape_cast %get3A_206 : vector<16xi32> to vector<16xi32>
      tpu.vector_store %arg8[%swap3A_207], %swap3A_210 {strides = array<i32>} : memref<112xi32, #tpu.memory_space<vmem>>, vector<16xi32>,
      %get3A_211 = arith.constant 256 : index
      %get3A_212 = tpu.vector_load %arg7[%get3A_211] {strides = array<i32>} : memref<336xi32, #tpu.memory_space<vmem>>, vector<16xi32>,
      %get3A_213 = vector.shape_cast %get3A_212 : vector<16xi32> to vector<16xi32>
      %swap3A_214 = arith.constant 32 : index
      %swap3A_215 = tpu.vector_load %arg8[%swap3A_214] {strides = array<i32>} : memref<112xi32, #tpu.memory_space<vmem>>, vector<16xi32>,
      %swap3A_216 = vector.shape_cast %swap3A_215 : vector<16xi32> to vector<16xi32>
      %swap3A_217 = vector.shape_cast %get3A_213 : vector<16xi32> to vector<16xi32>
      tpu.vector_store %arg8[%swap3A_214], %swap3A_217 {strides = array<i32>} : memref<112xi32, #tpu.memory_space<vmem>>, vector<16xi32>,
      %get3A_218 = arith.constant 272 : index
      %get3A_219 = tpu.vector_load %arg7[%get3A_218] {strides = array<i32>} : memref<336xi32, #tpu.memory_space<vmem>>, vector<16xi32>,
      %get3A_220 = vector.shape_cast %get3A_219 : vector<16xi32> to vector<16xi32>
      %swap3A_221 = arith.constant 48 : index
      %swap3A_222 = tpu.vector_load %arg8[%swap3A_221] {strides = array<i32>} : memref<112xi32, #tpu.memory_space<vmem>>, vector<16xi32>,
      %swap3A_223 = vector.shape_cast %swap3A_222 : vector<16xi32> to vector<16xi32>
      %swap3A_224 = vector.shape_cast %get3A_220 : vector<16xi32> to vector<16xi32>
      tpu.vector_store %arg8[%swap3A_221], %swap3A_224 {strides = array<i32>} : memref<112xi32, #tpu.memory_space<vmem>>, vector<16xi32>,
      %get3A_225 = arith.constant 288 : index
      %get3A_226 = tpu.vector_load %arg7[%get3A_225] {strides = array<i32>} : memref<336xi32, #tpu.memory_space<vmem>>, vector<16xi32>,
      %get3A_227 = vector.shape_cast %get3A_226 : vector<16xi32> to vector<16xi32>
      %swap3A_228 = arith.constant 64 : index
      %swap3A_229 = tpu.vector_load %arg8[%swap3A_228] {strides = array<i32>} : memref<112xi32, #tpu.memory_space<vmem>>, vector<16xi32>,
      %swap3A_230 = vector.shape_cast %swap3A_229 : vector<16xi32> to vector<16xi32>
      %swap3A_231 = vector.shape_cast %get3A_227 : vector<16xi32> to vector<16xi32>
      tpu.vector_store %arg8[%swap3A_228], %swap3A_231 {strides = array<i32>} : memref<112xi32, #tpu.memory_space<vmem>>, vector<16xi32>,
      %get3A_232 = arith.constant 304 : index
      %get3A_233 = tpu.vector_load %arg7[%get3A_232] {strides = array<i32>} : memref<336xi32, #tpu.memory_space<vmem>>, vector<16xi32>,
      %get3A_234 = vector.shape_cast %get3A_233 : vector<16xi32> to vector<16xi32>
      %swap3A_235 = arith.constant 80 : index
      %swap3A_236 = tpu.vector_load %arg8[%swap3A_235] {strides = array<i32>} : memref<112xi32, #tpu.memory_space<vmem>>, vector<16xi32>,
      %swap3A_237 = vector.shape_cast %swap3A_236 : vector<16xi32> to vector<16xi32>
      %swap3A_238 = vector.shape_cast %get3A_234 : vector<16xi32> to vector<16xi32>
      tpu.vector_store %arg8[%swap3A_235], %swap3A_238 {strides = array<i32>} : memref<112xi32, #tpu.memory_space<vmem>>, vector<16xi32>,
      %get3A_239 = arith.constant 320 : index
      %get3A_240 = tpu.vector_load %arg7[%get3A_239] {strides = array<i32>} : memref<336xi32, #tpu.memory_space<vmem>>, vector<16xi32>,
      %get3A_241 = vector.shape_cast %get3A_240 : vector<16xi32> to vector<16xi32>
      %swap3A_242 = arith.constant 96 : index
      %swap3A_243 = tpu.vector_load %arg8[%swap3A_242] {strides = array<i32>} : memref<112xi32, #tpu.memory_space<vmem>>, vector<16xi32>,
      %swap3A_244 = vector.shape_cast %swap3A_243 : vector<16xi32> to vector<16xi32>
      %swap3A_245 = vector.shape_cast %get3A_241 : vector<16xi32> to vector<16xi32>
      tpu.vector_store %arg8[%swap3A_242], %swap3A_245 {strides = array<i32>} : memref<112xi32, #tpu.memory_space<vmem>>, vector<16xi32>,
      %dma_start3A_246 = arith.constant 224 : i32
      %dma_start3A_247 = tpu.memref_slice %arg6[%dma_start3A_246] : memref<336xi32, #tpu.memory_space<vmem>> -> memref<112xi32, #tpu.memory_space<vmem>>
      %dma_start3A_248 = arith.constant 0 : i32
      %dma_start3A_249 = arith.constant 0 : i32
      %dma_start3A_250 = tpu.memref_slice %arg2[%dma_start3A_248, %dma_start3A_249] : memref<10880x128xf32, #tpu.memory_space<hbm>> -> memref<10880x128xf32, #tpu.memory_space<hbm>>
      tpu.enqueue_indirect_dma source(%dma_start3A_250 : memref<10880x128xf32, #tpu.memory_space<hbm>>) target(%arg9 : memref<112x128xf32, #tpu.memory_space<vmem>>) offsets(%dma_start3A_247 : memref<112xi32, #tpu.memory_space<vmem>>) semaphore(%arg13 : memref<!tpu.dma_semaphore, #tpu.memory_space<semaphore_mem>>)
      %dma_start3A_251 = arith.constant 224 : i32
      %dma_start3A_252 = tpu.memref_slice %arg7[%dma_start3A_251] : memref<336xi32, #tpu.memory_space<vmem>> -> memref<112xi32, #tpu.memory_space<vmem>>
      %dma_start3A_253 = arith.constant 0 : i32
      %dma_start3A_254 = arith.constant 0 : i32
      %dma_start3A_255 = tpu.memref_slice %arg2[%dma_start3A_253, %dma_start3A_254] : memref<10880x128xf32, #tpu.memory_space<hbm>> -> memref<10880x128xf32, #tpu.memory_space<hbm>>
      tpu.enqueue_indirect_dma source(%dma_start3A_255 : memref<10880x128xf32, #tpu.memory_space<hbm>>) target(%arg10 : memref<112x128xf32, #tpu.memory_space<vmem>>) offsets(%dma_start3A_252 : memref<112xi32, #tpu.memory_space<vmem>>) semaphore(%arg14 : memref<!tpu.dma_semaphore, #tpu.memory_space<semaphore_mem>>)
      %dma_wait3A_256 = arith.constant 224 : i32
      %dma_wait3A_257 = tpu.memref_slice %arg6[%dma_wait3A_256] : memref<336xi32, #tpu.memory_space<vmem>> -> memref<112xi32, #tpu.memory_space<vmem>>
      %dma_wait3A_258 = arith.constant 0 : i32
      %dma_wait3A_259 = arith.constant 0 : i32
      %dma_wait3A_260 = tpu.memref_slice %arg2[%dma_wait3A_258, %dma_wait3A_259] : memref<10880x128xf32, #tpu.memory_space<hbm>> -> memref<10880x128xf32, #tpu.memory_space<hbm>>
      tpu.wait_indirect_dma semaphore(%arg13 : memref<!tpu.dma_semaphore, #tpu.memory_space<semaphore_mem>>) src(%dma_wait3A_260 : memref<10880x128xf32, #tpu.memory_space<hbm>>) dst(%arg9 : memref<112x128xf32, #tpu.memory_space<vmem>>)
      %dma_wait3A_261 = arith.constant 224 : i32
      %dma_wait3A_262 = tpu.memref_slice %arg7[%dma_wait3A_261] : memref<336xi32, #tpu.memory_space<vmem>> -> memref<112xi32, #tpu.memory_space<vmem>>
      %dma_wait3A_263 = arith.constant 0 : i32
      %dma_wait3A_264 = arith.constant 0 : i32
      %dma_wait3A_265 = tpu.memref_slice %arg2[%dma_wait3A_263, %dma_wait3A_264] : memref<10880x128xf32, #tpu.memory_space<hbm>> -> memref<10880x128xf32, #tpu.memory_space<hbm>>
      tpu.wait_indirect_dma semaphore(%arg14 : memref<!tpu.dma_semaphore, #tpu.memory_space<semaphore_mem>>) src(%dma_wait3A_265 : memref<10880x128xf32, #tpu.memory_space<hbm>>) dst(%arg10 : memref<112x128xf32, #tpu.memory_space<vmem>>)
      %scan3A_266 = arith.constant 0 : i32
      %scan3A_267 = arith.constant 112 : i32
      %scan3A_268 = arith.addi %scan3A_266, %scan3A_267 : i32
      %scan3A_269 = arith.constant 1 : i32
      scf.for %scan3A_271 = %scan3A_266 to %scan3A_268 step %scan3A_269  : i32 {
        %mul3A_272 = arith.constant 1 : i32
        %mul3A_273 = arith.muli %scan3A_271, %mul3A_272 : i32
        %add3A_274 = arith.constant 0 : i32
        %add3A_275 = arith.addi %add3A_274, %mul3A_273 : i32
        %get3A_276 = arith.index_cast %add3A_275 : i32 to index
        %get3A_277 = arith.constant 64 : index
        %get3A_278 = tpu.vector_load %arg9[%get3A_276, %get3A_277] {strides = array<i32>} : memref<112x128xf32, #tpu.memory_space<vmem>>, vector<1x16xf32>,
        %get3A_279 = vector.shape_cast %get3A_278 : vector<1x16xf32> to vector<16xf32>
        %get3A_280 = arith.index_cast %add3A_275 : i32 to index
        %get3A_281 = arith.constant 80 : index
        %get3A_282 = tpu.vector_load %arg10[%get3A_280, %get3A_281] {strides = array<i32>} : memref<112x128xf32, #tpu.memory_space<vmem>>, vector<1x16xf32>,
        %get3A_283 = vector.shape_cast %get3A_282 : vector<1x16xf32> to vector<16xf32>
        %add3A_284 = arith.addf %get3A_279, %get3A_283 : vector<16xf32>
        %mul3A_285 = arith.constant 2.000000e-01 : f32
        %mul3A_286 = vector.broadcast %mul3A_285 : f32 to vector<16xf32>
        %mul3A_287 = arith.mulf %add3A_284, %mul3A_286 : vector<16xf32>
        %max3A = arith.maximumf %add3A_284, %mul3A_287 : vector<16xf32>
        %exp3A = math.exp %max3A : vector<16xf32>
        %get3A_288 = arith.index_cast %add3A_275 : i32 to index
        %get3A_289 = arith.constant 0 : index
        %get3A_290 = tpu.vector_load %arg9[%get3A_288, %get3A_289] {strides = array<i32>} : memref<112x128xf32, #tpu.memory_space<vmem>>, vector<1x16xf32>,
        %get3A_291 = vector.shape_cast %get3A_290 : vector<1x16xf32> to vector<16xf32>
        %mul3A_292 = arith.mulf %get3A_291, %exp3A : vector<16xf32>
        %swap3A_293 = arith.index_cast %add3A_275 : i32 to index
        %swap3A_294 = arith.constant 0 : index
        %swap3A_295 = tpu.vector_load %arg11[%swap3A_293, %swap3A_294] {strides = array<i32>} : memref<112x128xf32, #tpu.memory_space<vmem>>, vector<1x16xf32>,
        %swap3A_296 = vector.shape_cast %swap3A_295 : vector<1x16xf32> to vector<16xf32>
        %swap3A_297 = vector.shape_cast %mul3A_292 : vector<16xf32> to vector<1x16xf32>
        tpu.vector_store %arg11[%swap3A_293, %swap3A_294], %swap3A_297 {strides = array<i32>} : memref<112x128xf32, #tpu.memory_space<vmem>>, vector<1x16xf32>,
        %get3A_298 = arith.index_cast %add3A_275 : i32 to index
        %get3A_299 = arith.constant 16 : index
        %get3A_300 = tpu.vector_load %arg9[%get3A_298, %get3A_299] {strides = array<i32>} : memref<112x128xf32, #tpu.memory_space<vmem>>, vector<1x16xf32>,
        %get3A_301 = vector.shape_cast %get3A_300 : vector<1x16xf32> to vector<16xf32>
        %mul3A_302 = arith.mulf %get3A_301, %exp3A : vector<16xf32>
        %swap3A_303 = arith.index_cast %add3A_275 : i32 to index
        %swap3A_304 = arith.constant 16 : index
        %swap3A_305 = tpu.vector_load %arg11[%swap3A_303, %swap3A_304] {strides = array<i32>} : memref<112x128xf32, #tpu.memory_space<vmem>>, vector<1x16xf32>,
        %swap3A_306 = vector.shape_cast %swap3A_305 : vector<1x16xf32> to vector<16xf32>
        %swap3A_307 = vector.shape_cast %mul3A_302 : vector<16xf32> to vector<1x16xf32>
        tpu.vector_store %arg11[%swap3A_303, %swap3A_304], %swap3A_307 {strides = array<i32>} : memref<112x128xf32, #tpu.memory_space<vmem>>, vector<1x16xf32>,
        %get3A_308 = arith.index_cast %add3A_275 : i32 to index
        %get3A_309 = arith.constant 32 : index
        %get3A_310 = tpu.vector_load %arg9[%get3A_308, %get3A_309] {strides = array<i32>} : memref<112x128xf32, #tpu.memory_space<vmem>>, vector<1x16xf32>,
        %get3A_311 = vector.shape_cast %get3A_310 : vector<1x16xf32> to vector<16xf32>
        %mul3A_312 = arith.mulf %get3A_311, %exp3A : vector<16xf32>
        %swap3A_313 = arith.index_cast %add3A_275 : i32 to index
        %swap3A_314 = arith.constant 32 : index
        %swap3A_315 = tpu.vector_load %arg11[%swap3A_313, %swap3A_314] {strides = array<i32>} : memref<112x128xf32, #tpu.memory_space<vmem>>, vector<1x16xf32>,
        %swap3A_316 = vector.shape_cast %swap3A_315 : vector<1x16xf32> to vector<16xf32>
        %swap3A_317 = vector.shape_cast %mul3A_312 : vector<16xf32> to vector<1x16xf32>
        tpu.vector_store %arg11[%swap3A_313, %swap3A_314], %swap3A_317 {strides = array<i32>} : memref<112x128xf32, #tpu.memory_space<vmem>>, vector<1x16xf32>,
        %get3A_318 = arith.index_cast %add3A_275 : i32 to index
        %get3A_319 = arith.constant 48 : index
        %get3A_320 = tpu.vector_load %arg9[%get3A_318, %get3A_319] {strides = array<i32>} : memref<112x128xf32, #tpu.memory_space<vmem>>, vector<1x16xf32>,
        %get3A_321 = vector.shape_cast %get3A_320 : vector<1x16xf32> to vector<16xf32>
        %mul3A_322 = arith.mulf %get3A_321, %exp3A : vector<16xf32>
        %swap3A_323 = arith.index_cast %add3A_275 : i32 to index
        %swap3A_324 = arith.constant 48 : index
        %swap3A_325 = tpu.vector_load %arg11[%swap3A_323, %swap3A_324] {strides = array<i32>} : memref<112x128xf32, #tpu.memory_space<vmem>>, vector<1x16xf32>,
        %swap3A_326 = vector.shape_cast %swap3A_325 : vector<1x16xf32> to vector<16xf32>
        %swap3A_327 = vector.shape_cast %mul3A_322 : vector<16xf32> to vector<1x16xf32>
        tpu.vector_store %arg11[%swap3A_323, %swap3A_324], %swap3A_327 {strides = array<i32>} : memref<112x128xf32, #tpu.memory_space<vmem>>, vector<1x16xf32>,
        %swap3A_328 = arith.index_cast %add3A_275 : i32 to index
        %swap3A_329 = arith.constant 64 : index
        %swap3A_330 = tpu.vector_load %arg11[%swap3A_328, %swap3A_329] {strides = array<i32>} : memref<112x128xf32, #tpu.memory_space<vmem>>, vector<1x16xf32>,
        %swap3A_331 = vector.shape_cast %swap3A_330 : vector<1x16xf32> to vector<16xf32>
        %swap3A_332 = vector.shape_cast %exp3A : vector<16xf32> to vector<1x16xf32>
        tpu.vector_store %arg11[%swap3A_328, %swap3A_329], %swap3A_332 {strides = array<i32>} : memref<112x128xf32, #tpu.memory_space<vmem>>, vector<1x16xf32>,
      }
      %scan3A_270 = arith.constant 112 : i32
      "tpu.region"() ({
        %run_scoped3A = tpu.sem_alloc : memref<!tpu.dma_semaphore, #tpu.memory_space<semaphore_mem>>
        %dma_start3A_271 = arith.constant 0 : i32
        %dma_start3A_272 = arith.constant 0 : i32
        %dma_start3A_273 = tpu.memref_slice %arg12[%dma_start3A_271, %dma_start3A_272] : memref<10880x128xf32, #tpu.memory_space<vmem_shared>> -> memref<10880x128xf32, #tpu.memory_space<vmem_shared>>
        tpu.enqueue_indirect_dma source(%arg11 : memref<112x128xf32, #tpu.memory_space<vmem>>) target(%dma_start3A_273 : memref<10880x128xf32, #tpu.memory_space<vmem_shared>>) offsets(%arg8 : memref<112xi32, #tpu.memory_space<vmem>>) semaphore(%run_scoped3A : memref<!tpu.dma_semaphore, #tpu.memory_space<semaphore_mem>>) {add = true}
        %dma_wait3A_274 = arith.constant 0 : i32
        %dma_wait3A_275 = arith.constant 0 : i32
        %dma_wait3A_276 = tpu.memref_slice %arg12[%dma_wait3A_274, %dma_wait3A_275] : memref<10880x128xf32, #tpu.memory_space<vmem_shared>> -> memref<10880x128xf32, #tpu.memory_space<vmem_shared>>
        tpu.wait_indirect_dma semaphore(%run_scoped3A : memref<!tpu.dma_semaphore, #tpu.memory_space<semaphore_mem>>) src(%arg11 : memref<112x128xf32, #tpu.memory_space<vmem>>) dst(%dma_wait3A_276 : memref<10880x128xf32, #tpu.memory_space<vmem_shared>>)
        tpu.yield
      }) : () -> ()
    }
    %scan3A_39 = arith.constant 85 : i32
    %barrier3A_40 = arith.constant 0 : index
    tpu.barrier barrier_id(%barrier3A_40)
    %mul3A_41 = arith.constant 680 : i32
    %mul3A_42 = arith.muli %arg1, %mul3A_41 : i32
    %mul3A_43 = arith.constant 680 : i32
    %mul3A_44 = arith.muli %arg1, %mul3A_43 : i32
    "tpu.region"() ({
      %run_scoped3A = tpu.sem_alloc : memref<!tpu.dma_semaphore, #tpu.memory_space<semaphore_mem>>
      %dma_start3A = arith.constant 0 : i32
      %dma_start3A_45 = tpu.memref_slice %arg5[%arg0, %mul3A_44, %dma_start3A] : memref<2x10880x128xf32, #tpu.memory_space<hbm>> -> memref<1x680x128xf32, #tpu.memory_space<hbm>>
      %dma_start3A_46 = tpu.memref_squeeze %dma_start3A_45 : memref<1x680x128xf32, #tpu.memory_space<hbm>> -> memref<680x128xf32, #tpu.memory_space<hbm>>
      %dma_start3A_47 = arith.constant 0 : i32
      %dma_start3A_48 = tpu.memref_slice %arg12[%mul3A_42, %dma_start3A_47] : memref<10880x128xf32, #tpu.memory_space<vmem_shared>> -> memref<680x128xf32, #tpu.memory_space<vmem_shared>>
      tpu.enqueue_dma source(%dma_start3A_48 : memref<680x128xf32, #tpu.memory_space<vmem_shared>>) target(%dma_start3A_46 : memref<680x128xf32, #tpu.memory_space<hbm>>) target_semaphore(%run_scoped3A : memref<!tpu.dma_semaphore, #tpu.memory_space<semaphore_mem>>)
      %dma_wait3A = arith.constant 0 : i32
      %dma_wait3A_49 = tpu.memref_slice %arg5[%arg0, %mul3A_44, %dma_wait3A] : memref<2x10880x128xf32, #tpu.memory_space<hbm>> -> memref<1x680x128xf32, #tpu.memory_space<hbm>>
      %dma_wait3A_50 = tpu.memref_squeeze %dma_wait3A_49 : memref<1x680x128xf32, #tpu.memory_space<hbm>> -> memref<680x128xf32, #tpu.memory_space<hbm>>
      %dma_wait3A_51 = arith.constant 0 : i32
      %dma_wait3A_52 = tpu.memref_slice %arg12[%mul3A_42, %dma_wait3A_51] : memref<10880x128xf32, #tpu.memory_space<vmem_shared>> -> memref<680x128xf32, #tpu.memory_space<vmem_shared>>
      tpu.wait_dma2 semaphore(%run_scoped3A : memref<!tpu.dma_semaphore, #tpu.memory_space<semaphore_mem>>) src(%dma_wait3A_52 : memref<680x128xf32, #tpu.memory_space<vmem_shared>>) dst(%dma_wait3A_50 : memref<680x128xf32, #tpu.memory_space<hbm>>)
      tpu.yield
    }) : () -> ()
    return
  }
}

module attributes {stable_mosaic.version = 14 : i64} {
  func.func @_prep1_body(%arg0: i32, %arg1: memref<1360x128xf32, #tpu.memory_space<vmem>>, %arg2: memref<128x64xf32, #tpu.memory_space<vmem>>, %arg3: memref<1x64xf32, #tpu.memory_space<vmem>>, %arg4: memref<1x64xf32, #tpu.memory_space<vmem>>, %arg5: memref<1360x128xf32, #tpu.memory_space<vmem>>) attributes {dimension_semantics = [#tpu.dimension_semantics<arbitrary>], iteration_bounds = array<i64: 8>, scalar_prefetch = 0 : i64, scratch_operands = 0 : i64, tpu.core_type = #tpu.core_type<tc>, window_params = [{transform_indices = @transform_0, window_bounds = array<i64: 1360, 128>}, {pipeline_mode = #tpu.pipeline_mode<synchronous>, transform_indices = @transform_1, window_bounds = array<i64: 128, 64>}, {pipeline_mode = #tpu.pipeline_mode<synchronous>, transform_indices = @transform_2, window_bounds = array<i64: 1, 64>}, {pipeline_mode = #tpu.pipeline_mode<synchronous>, transform_indices = @transform_3, window_bounds = array<i64: 1, 64>}, {transform_indices = @transform_4, window_bounds = array<i64: 1360, 128>}]} {
    %get3A = arith.constant 0 : index
    %get3A_0 = arith.constant 0 : index
    %get3A_1 = vector.load %arg1[%get3A, %get3A_0] : memref<1360x128xf32, #tpu.memory_space<vmem>>, vector<1360x128xf32>
    %get3A_2 = arith.constant 0 : index
    %get3A_3 = arith.constant 0 : index
    %get3A_4 = vector.load %arg2[%get3A_2, %get3A_3] : memref<128x64xf32, #tpu.memory_space<vmem>>, vector<128x64xf32>
    %dot_general3A = arith.constant dense<0.000000e+00> : vector<1360x64xf32>
    %dot_general3A_5 = tpu.matmul %get3A_1, %get3A_4, %dot_general3A {dimension_numbers = #tpu.dot_dimension_numbers<[1], [0], [0], [1], [0, 0, 1, 1], [], []>, transpose_lhs_hint = false} : vector<1360x128xf32>, vector<128x64xf32>, vector<1360x64xf32> -> vector<1360x64xf32>
    %get3A_6 = arith.constant 0 : index
    %get3A_7 = arith.constant 0 : index
    %get3A_8 = vector.load %arg3[%get3A_6, %get3A_7] : memref<1x64xf32, #tpu.memory_space<vmem>>, vector<1x64xf32>
    %mul3A = vector.broadcast %get3A_8 : vector<1x64xf32> to vector<1360x64xf32>
    %mul3A_9 = arith.mulf %dot_general3A_5, %mul3A : vector<1360x64xf32>
    %slice3A = vector.extract_strided_slice %mul3A_9 {offsets = [0, 0], sizes = [1360, 32], strides = [1, 1]} : vector<1360x64xf32> to vector<1360x32xf32>
    %slice3A_10 = vector.extract_strided_slice %mul3A_9 {offsets = [0, 32], sizes = [1360, 32], strides = [1, 1]} : vector<1360x64xf32> to vector<1360x32xf32>
    %add3A = arith.addf %slice3A, %slice3A_10 : vector<1360x32xf32>
    %get3A_11 = arith.constant 0 : index
    %get3A_12 = arith.constant 0 : index
    %get3A_13 = vector.load %arg4[%get3A_11, %get3A_12] : memref<1x64xf32, #tpu.memory_space<vmem>>, vector<1x64xf32>
    %mul3A_14 = vector.broadcast %get3A_13 : vector<1x64xf32> to vector<1360x64xf32>
    %mul3A_15 = arith.mulf %dot_general3A_5, %mul3A_14 : vector<1360x64xf32>
    %slice3A_16 = vector.extract_strided_slice %mul3A_15 {offsets = [0, 0], sizes = [1360, 32], strides = [1, 1]} : vector<1360x64xf32> to vector<1360x32xf32>
    %slice3A_17 = vector.extract_strided_slice %mul3A_15 {offsets = [0, 32], sizes = [1360, 32], strides = [1, 1]} : vector<1360x64xf32> to vector<1360x32xf32>
    %add3A_18 = arith.addf %slice3A_16, %slice3A_17 : vector<1360x32xf32>
    %concatenate3A = tpu.concatenate %dot_general3A_5, %add3A, %add3A_18 in 1 : vector<1360x64xf32>, vector<1360x32xf32>, vector<1360x32xf32> -> vector<1360x128xf32>
    %swap3A = arith.constant 0 : index
    %swap3A_19 = arith.constant 0 : index
    %swap3A_20 = vector.load %arg5[%swap3A, %swap3A_19] : memref<1360x128xf32, #tpu.memory_space<vmem>>, vector<1360x128xf32>
    tpu.vector_store %arg5[%swap3A, %swap3A_19], %concatenate3A {strides = array<i32>} : memref<1360x128xf32, #tpu.memory_space<vmem>>, vector<1360x128xf32>,
    return
  }
  func.func @transform_0(%arg0: i32) -> (i32, i32) {
    %c0_i32 = arith.constant 0 : i32
    %c0_i32_0 = arith.constant 0 : i32
    return %arg0, %c0_i32 : i32, i32
  }
  func.func @transform_1(%arg0: i32) -> (i32, i32) {
    %c0_i32 = arith.constant 0 : i32
    %c0_i32_0 = arith.constant 0 : i32
    %c0_i32_1 = arith.constant 0 : i32
    return %c0_i32, %c0_i32_0 : i32, i32
  }
  func.func @transform_2(%arg0: i32) -> (i32, i32) {
    %c0_i32 = arith.constant 0 : i32
    %c0_i32_0 = arith.constant 0 : i32
    %c0_i32_1 = arith.constant 0 : i32
    return %c0_i32, %c0_i32_0 : i32, i32
  }
  func.func @transform_3(%arg0: i32) -> (i32, i32) {
    %c0_i32 = arith.constant 0 : i32
    %c0_i32_0 = arith.constant 0 : i32
    %c0_i32_1 = arith.constant 0 : i32
    return %c0_i32, %c0_i32_0 : i32, i32
  }
  func.func @transform_4(%arg0: i32) -> (i32, i32) {
    %c0_i32 = arith.constant 0 : i32
    %c0_i32_0 = arith.constant 0 : i32
    return %arg0, %c0_i32 : i32, i32
  }
}

module attributes {stable_mosaic.version = 14 : i64} {
  func.func @_comb1_body(%arg0: i32, %arg1: memref<2x1360x128xf32, #tpu.memory_space<vmem>>, %arg2: memref<64x64xf32, #tpu.memory_space<vmem>>, %arg3: memref<1x64xf32, #tpu.memory_space<vmem>>, %arg4: memref<1x64xf32, #tpu.memory_space<vmem>>, %arg5: memref<1x64xf32, #tpu.memory_space<vmem>>, %arg6: memref<1360x128xf32, #tpu.memory_space<vmem>>) attributes {dimension_semantics = [#tpu.dimension_semantics<arbitrary>], iteration_bounds = array<i64: 8>, scalar_prefetch = 0 : i64, scratch_operands = 0 : i64, tpu.core_type = #tpu.core_type<tc>, window_params = [{transform_indices = @transform_0, window_bounds = array<i64: 2, 1360, 128>}, {pipeline_mode = #tpu.pipeline_mode<synchronous>, transform_indices = @transform_1, window_bounds = array<i64: 64, 64>}, {pipeline_mode = #tpu.pipeline_mode<synchronous>, transform_indices = @transform_2, window_bounds = array<i64: 1, 64>}, {pipeline_mode = #tpu.pipeline_mode<synchronous>, transform_indices = @transform_3, window_bounds = array<i64: 1, 64>}, {pipeline_mode = #tpu.pipeline_mode<synchronous>, transform_indices = @transform_4, window_bounds = array<i64: 1, 64>}, {transform_indices = @transform_5, window_bounds = array<i64: 1360, 128>}]} {
    %get3A = arith.constant 0 : index
    %get3A_0 = arith.constant 0 : index
    %get3A_1 = arith.constant 0 : index
    %get3A_2 = vector.load %arg1[%get3A, %get3A_0, %get3A_1] : memref<2x1360x128xf32, #tpu.memory_space<vmem>>, vector<1x1360x64xf32>
    %get3A_3 = vector.shape_cast %get3A_2 : vector<1x1360x64xf32> to vector<1360x64xf32>
    %get3A_4 = arith.constant 1 : index
    %get3A_5 = arith.constant 0 : index
    %get3A_6 = arith.constant 0 : index
    %get3A_7 = vector.load %arg1[%get3A_4, %get3A_5, %get3A_6] : memref<2x1360x128xf32, #tpu.memory_space<vmem>>, vector<1x1360x64xf32>
    %get3A_8 = vector.shape_cast %get3A_7 : vector<1x1360x64xf32> to vector<1360x64xf32>
    %add3A = arith.addf %get3A_3, %get3A_8 : vector<1360x64xf32>
    %get3A_9 = arith.constant 0 : index
    %get3A_10 = arith.constant 0 : index
    %get3A_11 = arith.constant 64 : index
    %get3A_12 = vector.load %arg1[%get3A_9, %get3A_10, %get3A_11] : memref<2x1360x128xf32, #tpu.memory_space<vmem>>, vector<1x1360x32xf32>
    %get3A_13 = vector.shape_cast %get3A_12 : vector<1x1360x32xf32> to vector<1360x32xf32>
    %get3A_14 = arith.constant 1 : index
    %get3A_15 = arith.constant 0 : index
    %get3A_16 = arith.constant 64 : index
    %get3A_17 = vector.load %arg1[%get3A_14, %get3A_15, %get3A_16] : memref<2x1360x128xf32, #tpu.memory_space<vmem>>, vector<1x1360x32xf32>
    %get3A_18 = vector.shape_cast %get3A_17 : vector<1x1360x32xf32> to vector<1360x32xf32>
    %add3A_19 = arith.addf %get3A_13, %get3A_18 : vector<1360x32xf32>
    %concatenate3A = tpu.concatenate %add3A_19, %add3A_19 in 1 : vector<1360x32xf32>, vector<1360x32xf32> -> vector<1360x64xf32>
    %add3A_20 = arith.constant 1.000000e-16 : f32
    %add3A_21 = vector.broadcast %add3A_20 : f32 to vector<1360x64xf32>
    %add3A_22 = arith.addf %concatenate3A, %add3A_21 : vector<1360x64xf32>
    %div3A = arith.divf %add3A, %add3A_22 : vector<1360x64xf32>
    %get3A_23 = arith.constant 0 : index
    %get3A_24 = arith.constant 0 : index
    %get3A_25 = vector.load %arg3[%get3A_23, %get3A_24] : memref<1x64xf32, #tpu.memory_space<vmem>>, vector<1x64xf32>
    %add3A_26 = vector.broadcast %get3A_25 : vector<1x64xf32> to vector<1360x64xf32>
    %add3A_27 = arith.addf %div3A, %add3A_26 : vector<1360x64xf32>
    %gt3A = arith.constant 0.000000e+00 : f32
    %gt3A_28 = vector.broadcast %gt3A : f32 to vector<1360x64xf32>
    %gt3A_29 = arith.cmpf ogt, %add3A_27, %gt3A_28 : vector<1360x64xf32>
    %min3A = arith.constant 0.000000e+00 : f32
    %min3A_30 = vector.broadcast %min3A : f32 to vector<1360x64xf32>
    %min3A_31 = arith.minimumf %add3A_27, %min3A_30 : vector<1360x64xf32>
    %exp3A = math.exp %min3A_31 : vector<1360x64xf32>
    %sub3A = arith.constant 1.000000e+00 : f32
    %sub3A_32 = vector.broadcast %sub3A : f32 to vector<1360x64xf32>
    %sub3A_33 = arith.subf %exp3A, %sub3A_32 : vector<1360x64xf32>
    %select_n3A = arith.select %gt3A_29, %add3A_27, %sub3A_33 : vector<1360x64xi1>, vector<1360x64xf32>
    %get3A_34 = arith.constant 0 : index
    %get3A_35 = arith.constant 0 : index
    %get3A_36 = vector.load %arg2[%get3A_34, %get3A_35] : memref<64x64xf32, #tpu.memory_space<vmem>>, vector<64x64xf32>
    %dot_general3A = arith.constant dense<0.000000e+00> : vector<1360x64xf32>
    %dot_general3A_37 = tpu.matmul %select_n3A, %get3A_36, %dot_general3A {dimension_numbers = #tpu.dot_dimension_numbers<[1], [0], [0], [1], [0, 0, 1, 1], [], []>, transpose_lhs_hint = false} : vector<1360x64xf32>, vector<64x64xf32>, vector<1360x64xf32> -> vector<1360x64xf32>
    %get3A_38 = arith.constant 0 : index
    %get3A_39 = arith.constant 0 : index
    %get3A_40 = vector.load %arg4[%get3A_38, %get3A_39] : memref<1x64xf32, #tpu.memory_space<vmem>>, vector<1x64xf32>
    %mul3A = vector.broadcast %get3A_40 : vector<1x64xf32> to vector<1360x64xf32>
    %mul3A_41 = arith.mulf %dot_general3A_37, %mul3A : vector<1360x64xf32>
    %reduce_sum3A = arith.constant dense<0.000000e+00> : vector<1360xf32>
    %reduce_sum3A_42 = vector.multi_reduction <add>, %mul3A_41, %reduce_sum3A [1] : vector<1360x64xf32> to vector<1360xf32>
    %broadcast_in_dim3A = vector.shape_cast %reduce_sum3A_42 : vector<1360xf32> to vector<1360x1xf32>
    %get3A_43 = arith.constant 0 : index
    %get3A_44 = arith.constant 0 : index
    %get3A_45 = vector.load %arg5[%get3A_43, %get3A_44] : memref<1x64xf32, #tpu.memory_space<vmem>>, vector<1x64xf32>
    %mul3A_46 = vector.broadcast %get3A_45 : vector<1x64xf32> to vector<1360x64xf32>
    %mul3A_47 = arith.mulf %dot_general3A_37, %mul3A_46 : vector<1360x64xf32>
    %reduce_sum3A_48 = arith.constant dense<0.000000e+00> : vector<1360xf32>
    %reduce_sum3A_49 = vector.multi_reduction <add>, %mul3A_47, %reduce_sum3A_48 [1] : vector<1360x64xf32> to vector<1360xf32>
    %broadcast_in_dim3A_50 = vector.shape_cast %reduce_sum3A_49 : vector<1360xf32> to vector<1360x1xf32>
    %broadcast_in_dim3A_51 = vector.shape_cast %broadcast_in_dim3A : vector<1360x1xf32> to vector<1360x1xf32>
    %broadcast_in_dim3A_52 = vector.broadcast %broadcast_in_dim3A_51 : vector<1360x1xf32> to vector<1360x16xf32>
    %broadcast_in_dim3A_53 = vector.shape_cast %broadcast_in_dim3A_50 : vector<1360x1xf32> to vector<1360x1xf32>
    %broadcast_in_dim3A_54 = vector.broadcast %broadcast_in_dim3A_53 : vector<1360x1xf32> to vector<1360x16xf32>
    %broadcast_in_dim3A_55 = arith.constant 0.000000e+00 : f32
    %broadcast_in_dim3A_56 = vector.broadcast %broadcast_in_dim3A_55 : f32 to vector<1360x32xf32>
    %concatenate3A_57 = tpu.concatenate %dot_general3A_37, %broadcast_in_dim3A_52, %broadcast_in_dim3A_54, %broadcast_in_dim3A_56 in 1 : vector<1360x64xf32>, vector<1360x16xf32>, vector<1360x16xf32>, vector<1360x32xf32> -> vector<1360x128xf32>
    %swap3A = arith.constant 0 : index
    %swap3A_58 = arith.constant 0 : index
    %swap3A_59 = vector.load %arg6[%swap3A, %swap3A_58] : memref<1360x128xf32, #tpu.memory_space<vmem>>, vector<1360x128xf32>
    tpu.vector_store %arg6[%swap3A, %swap3A_58], %concatenate3A_57 {strides = array<i32>} : memref<1360x128xf32, #tpu.memory_space<vmem>>, vector<1360x128xf32>,
    return
  }
  func.func @transform_0(%arg0: i32) -> (i32, i32, i32) {
    %c0_i32 = arith.constant 0 : i32
    %c0_i32_0 = arith.constant 0 : i32
    %c0_i32_1 = arith.constant 0 : i32
    return %c0_i32, %arg0, %c0_i32_0 : i32, i32, i32
  }
  func.func @transform_1(%arg0: i32) -> (i32, i32) {
    %c0_i32 = arith.constant 0 : i32
    %c0_i32_0 = arith.constant 0 : i32
    %c0_i32_1 = arith.constant 0 : i32
    return %c0_i32, %c0_i32_0 : i32, i32
  }
  func.func @transform_2(%arg0: i32) -> (i32, i32) {
    %c0_i32 = arith.constant 0 : i32
    %c0_i32_0 = arith.constant 0 : i32
    %c0_i32_1 = arith.constant 0 : i32
    return %c0_i32, %c0_i32_0 : i32, i32
  }
  func.func @transform_3(%arg0: i32) -> (i32, i32) {
    %c0_i32 = arith.constant 0 : i32
    %c0_i32_0 = arith.constant 0 : i32
    %c0_i32_1 = arith.constant 0 : i32
    return %c0_i32, %c0_i32_0 : i32, i32
  }
  func.func @transform_4(%arg0: i32) -> (i32, i32) {
    %c0_i32 = arith.constant 0 : i32
    %c0_i32_0 = arith.constant 0 : i32
    %c0_i32_1 = arith.constant 0 : i32
    return %c0_i32, %c0_i32_0 : i32, i32
  }
  func.func @transform_5(%arg0: i32) -> (i32, i32) {
    %c0_i32 = arith.constant 0 : i32
    %c0_i32_0 = arith.constant 0 : i32
    return %arg0, %c0_i32 : i32, i32
  }
}

module attributes {stable_mosaic.version = 14 : i64} {
  func.func @_pool_body(%arg0: i32, %arg1: memref<2x1360x128xf32, #tpu.memory_space<vmem>>, %arg2: memref<1x1x1360xi32, #tpu.memory_space<vmem>>, %arg3: memref<1x64xf32, #tpu.memory_space<vmem>>, %arg4: memref<64x1xf32, #tpu.memory_space<vmem>>, %arg5: memref<1x1xf32, #tpu.memory_space<vmem>>, %arg6: memref<128x1xf32, #tpu.memory_space<vmem>>, %arg7: memref<128x65xf32, #tpu.memory_space<vmem>>) attributes {dimension_semantics = [#tpu.dimension_semantics<arbitrary>], iteration_bounds = array<i64: 8>, scalar_prefetch = 0 : i64, scratch_operands = 1 : i64, tpu.core_type = #tpu.core_type<tc>, window_params = [{transform_indices = @transform_0, window_bounds = array<i64: 2, 1360, 128>}, {transform_indices = @transform_1, window_bounds = array<i64: 1, 1, 1360>}, {pipeline_mode = #tpu.pipeline_mode<synchronous>, transform_indices = @transform_2, window_bounds = array<i64: 1, 64>}, {pipeline_mode = #tpu.pipeline_mode<synchronous>, transform_indices = @transform_3, window_bounds = array<i64: 64, 1>}, {pipeline_mode = #tpu.pipeline_mode<synchronous>, transform_indices = @transform_4, window_bounds = array<i64: 1, 1>}, {pipeline_mode = #tpu.pipeline_mode<synchronous>, transform_indices = @transform_5, window_bounds = array<i64: 128, 1>}]} {
    %eq3A = arith.constant 0 : i32
    %eq3A_0 = arith.cmpi eq, %arg0, %eq3A : i32
    %convert_element_type3A = arith.extui %eq3A_0 : i1 to i32
    %cond3A = arith.constant 0 : i32
    %cond3A_1 = arith.cmpi ne, %convert_element_type3A, %cond3A : i32
    scf.if %cond3A_1 {
      %broadcast_in_dim3A_59 = arith.constant 0.000000e+00 : f32
      %broadcast_in_dim3A_60 = vector.broadcast %broadcast_in_dim3A_59 : f32 to vector<128x65xf32>
      %swap3A_61 = arith.constant 0 : index
      %swap3A_62 = arith.constant 0 : index
      %swap3A_63 = vector.load %arg7[%swap3A_61, %swap3A_62] : memref<128x65xf32, #tpu.memory_space<vmem>>, vector<128x65xf32>
      tpu.vector_store %arg7[%swap3A_61, %swap3A_62], %broadcast_in_dim3A_60 {strides = array<i32>} : memref<128x65xf32, #tpu.memory_space<vmem>>, vector<128x65xf32>,
    } else {
    }
    %get3A = arith.constant 0 : index
    %get3A_2 = arith.constant 0 : index
    %get3A_3 = arith.constant 0 : index
    %get3A_4 = vector.load %arg1[%get3A, %get3A_2, %get3A_3] : memref<2x1360x128xf32, #tpu.memory_space<vmem>>, vector<1x1360x64xf32>
    %get3A_5 = vector.shape_cast %get3A_4 : vector<1x1360x64xf32> to vector<1360x64xf32>
    %get3A_6 = arith.constant 1 : index
    %get3A_7 = arith.constant 0 : index
    %get3A_8 = arith.constant 0 : index
    %get3A_9 = vector.load %arg1[%get3A_6, %get3A_7, %get3A_8] : memref<2x1360x128xf32, #tpu.memory_space<vmem>>, vector<1x1360x64xf32>
    %get3A_10 = vector.shape_cast %get3A_9 : vector<1x1360x64xf32> to vector<1360x64xf32>
    %add3A = arith.addf %get3A_5, %get3A_10 : vector<1360x64xf32>
    %get3A_11 = arith.constant 0 : index
    %get3A_12 = arith.constant 0 : index
    %get3A_13 = arith.constant 64 : index
    %get3A_14 = vector.load %arg1[%get3A_11, %get3A_12, %get3A_13] : memref<2x1360x128xf32, #tpu.memory_space<vmem>>, vector<1x1360x1xf32>
    %get3A_15 = vector.shape_cast %get3A_14 : vector<1x1360x1xf32> to vector<1360x1xf32>
    %get3A_16 = arith.constant 1 : index
    %get3A_17 = arith.constant 0 : index
    %get3A_18 = arith.constant 64 : index
    %get3A_19 = vector.load %arg1[%get3A_16, %get3A_17, %get3A_18] : memref<2x1360x128xf32, #tpu.memory_space<vmem>>, vector<1x1360x1xf32>
    %get3A_20 = vector.shape_cast %get3A_19 : vector<1x1360x1xf32> to vector<1360x1xf32>
    %add3A_21 = arith.addf %get3A_15, %get3A_20 : vector<1360x1xf32>
    %add3A_22 = arith.constant 1.000000e-16 : f32
    %add3A_23 = vector.broadcast %add3A_22 : f32 to vector<1360x1xf32>
    %add3A_24 = arith.addf %add3A_21, %add3A_23 : vector<1360x1xf32>
    %div3A = vector.broadcast %add3A_24 : vector<1360x1xf32> to vector<1360x64xf32>
    %div3A_25 = arith.divf %add3A, %div3A : vector<1360x64xf32>
    %get3A_26 = arith.constant 0 : index
    %get3A_27 = arith.constant 0 : index
    %get3A_28 = vector.load %arg3[%get3A_26, %get3A_27] : memref<1x64xf32, #tpu.memory_space<vmem>>, vector<1x64xf32>
    %add3A_29 = vector.broadcast %get3A_28 : vector<1x64xf32> to vector<1360x64xf32>
    %add3A_30 = arith.addf %div3A_25, %add3A_29 : vector<1360x64xf32>
    %gt3A = arith.constant 0.000000e+00 : f32
    %gt3A_31 = vector.broadcast %gt3A : f32 to vector<1360x64xf32>
    %gt3A_32 = arith.cmpf ogt, %add3A_30, %gt3A_31 : vector<1360x64xf32>
    %min3A = arith.constant 0.000000e+00 : f32
    %min3A_33 = vector.broadcast %min3A : f32 to vector<1360x64xf32>
    %min3A_34 = arith.minimumf %add3A_30, %min3A_33 : vector<1360x64xf32>
    %exp3A = math.exp %min3A_34 : vector<1360x64xf32>
    %sub3A = arith.constant 1.000000e+00 : f32
    %sub3A_35 = vector.broadcast %sub3A : f32 to vector<1360x64xf32>
    %sub3A_36 = arith.subf %exp3A, %sub3A_35 : vector<1360x64xf32>
    %select_n3A = arith.select %gt3A_32, %add3A_30, %sub3A_36 : vector<1360x64xi1>, vector<1360x64xf32>
    %broadcast_in_dim3A = arith.constant 1.000000e+00 : f32
    %broadcast_in_dim3A_37 = vector.broadcast %broadcast_in_dim3A : f32 to vector<1360x1xf32>
    %concatenate3A = tpu.concatenate %select_n3A, %broadcast_in_dim3A_37 in 1 : vector<1360x64xf32>, vector<1360x1xf32> -> vector<1360x65xf32>
    %get3A_38 = arith.constant 0 : index
    %get3A_39 = arith.constant 0 : index
    %get3A_40 = arith.constant 0 : index
    %get3A_41 = vector.load %arg2[%get3A_38, %get3A_39, %get3A_40] : memref<1x1x1360xi32, #tpu.memory_space<vmem>>, vector<1x1x1360xi32>
    %get3A_42 = vector.shape_cast %get3A_41 : vector<1x1x1360xi32> to vector<1x1360xi32>
    %iota3A = tpu.iota {dimensions = array<i32: 0>} : vector<128x1360xi32>
    %eq3A_43 = vector.broadcast %get3A_42 : vector<1x1360xi32> to vector<128x1360xi32>
    %eq3A_44 = arith.cmpi eq, %eq3A_43, %iota3A : vector<128x1360xi32>
    %convert_element_type3A_45 = arith.extui %eq3A_44 : vector<128x1360xi1> to vector<128x1360xi32>
    %convert_element_type3A_46 = arith.sitofp %convert_element_type3A_45 : vector<128x1360xi32> to vector<128x1360xf32>
    %get3A_47 = arith.constant 0 : index
    %get3A_48 = arith.constant 0 : index
    %get3A_49 = vector.load %arg7[%get3A_47, %get3A_48] : memref<128x65xf32, #tpu.memory_space<vmem>>, vector<128x65xf32>
    %dot_general3A = arith.constant dense<0.000000e+00> : vector<128x65xf32>
    %dot_general3A_50 = tpu.matmul %convert_element_type3A_46, %concatenate3A, %dot_general3A {dimension_numbers = #tpu.dot_dimension_numbers<[1], [0], [0], [1], [0, 0, 1, 1], [], []>, transpose_lhs_hint = false} : vector<128x1360xf32>, vector<1360x65xf32>, vector<128x65xf32> -> vector<128x65xf32>
    %add3A_51 = arith.addf %get3A_49, %dot_general3A_50 : vector<128x65xf32>
    %swap3A = arith.constant 0 : index
    %swap3A_52 = arith.constant 0 : index
    %swap3A_53 = vector.load %arg7[%swap3A, %swap3A_52] : memref<128x65xf32, #tpu.memory_space<vmem>>, vector<128x65xf32>
    tpu.vector_store %arg7[%swap3A, %swap3A_52], %add3A_51 {strides = array<i32>} : memref<128x65xf32, #tpu.memory_space<vmem>>, vector<128x65xf32>,
    %eq3A_54 = arith.constant 7 : i32
    %eq3A_55 = arith.cmpi eq, %arg0, %eq3A_54 : i32
    %convert_element_type3A_56 = arith.extui %eq3A_55 : i1 to i32
    %cond3A_57 = arith.constant 0 : i32
    %cond3A_58 = arith.cmpi ne, %convert_element_type3A_56, %cond3A_57 : i32
    scf.if %cond3A_58 {
      %get3A_59 = arith.constant 0 : index
      %get3A_60 = arith.constant 0 : index
      %get3A_61 = vector.load %arg7[%get3A_59, %get3A_60] : memref<128x65xf32, #tpu.memory_space<vmem>>, vector<128x64xf32>
      %get3A_62 = arith.constant 0 : index
      %get3A_63 = arith.constant 64 : index
      %get3A_64 = vector.load %arg7[%get3A_62, %get3A_63] : memref<128x65xf32, #tpu.memory_space<vmem>>, vector<128x1xf32>
      %max3A = arith.constant 1.000000e+00 : f32
      %max3A_65 = vector.broadcast %max3A : f32 to vector<128x1xf32>
      %max3A_66 = arith.maximumf %get3A_64, %max3A_65 : vector<128x1xf32>
      %div3A_67 = vector.broadcast %max3A_66 : vector<128x1xf32> to vector<128x64xf32>
      %div3A_68 = arith.divf %get3A_61, %div3A_67 : vector<128x64xf32>
      %get3A_69 = arith.constant 0 : index
      %get3A_70 = arith.constant 0 : index
      %get3A_71 = vector.load %arg4[%get3A_69, %get3A_70] : memref<64x1xf32, #tpu.memory_space<vmem>>, vector<64x1xf32>
      %dot_general3A_72 = arith.constant dense<0.000000e+00> : vector<128x1xf32>
      %dot_general3A_73 = tpu.matmul %div3A_68, %get3A_71, %dot_general3A_72 {dimension_numbers = #tpu.dot_dimension_numbers<[1], [0], [0], [1], [0, 0, 1, 1], [], []>, transpose_lhs_hint = false} : vector<128x64xf32>, vector<64x1xf32>, vector<128x1xf32> -> vector<128x1xf32>
      %get3A_74 = arith.constant 0 : index
      %get3A_75 = arith.constant 0 : index
      %get3A_76 = vector.load %arg5[%get3A_74, %get3A_75] : memref<1x1xf32, #tpu.memory_space<vmem>>, vector<1x1xf32>
      %add3A_77 = vector.broadcast %get3A_76 : vector<1x1xf32> to vector<128x1xf32>
      %add3A_78 = arith.addf %dot_general3A_73, %add3A_77 : vector<128x1xf32>
      %swap3A_79 = arith.constant 0 : index
      %swap3A_80 = arith.constant 0 : index
      %swap3A_81 = vector.load %arg6[%swap3A_79, %swap3A_80] : memref<128x1xf32, #tpu.memory_space<vmem>>, vector<128x1xf32>
      tpu.vector_store %arg6[%swap3A_79, %swap3A_80], %add3A_78 {strides = array<i32>} : memref<128x1xf32, #tpu.memory_space<vmem>>, vector<128x1xf32>,
    } else {
    }
    return
  }
  func.func @transform_0(%arg0: i32) -> (i32, i32, i32) {
    %c0_i32 = arith.constant 0 : i32
    %c0_i32_0 = arith.constant 0 : i32
    %c0_i32_1 = arith.constant 0 : i32
    return %c0_i32, %arg0, %c0_i32_0 : i32, i32, i32
  }
  func.func @transform_1(%arg0: i32) -> (i32, i32, i32) {
    %c0_i32 = arith.constant 0 : i32
    %c0_i32_0 = arith.constant 0 : i32
    %c0_i32_1 = arith.constant 0 : i32
    return %arg0, %c0_i32, %c0_i32_0 : i32, i32, i32
  }
  func.func @transform_2(%arg0: i32) -> (i32, i32) {
    %c0_i32 = arith.constant 0 : i32
    %c0_i32_0 = arith.constant 0 : i32
    %c0_i32_1 = arith.constant 0 : i32
    return %c0_i32, %c0_i32_0 : i32, i32
  }
  func.func @transform_3(%arg0: i32) -> (i32, i32) {
    %c0_i32 = arith.constant 0 : i32
    %c0_i32_0 = arith.constant 0 : i32
    %c0_i32_1 = arith.constant 0 : i32
    return %c0_i32, %c0_i32_0 : i32, i32
  }
  func.func @transform_4(%arg0: i32) -> (i32, i32) {
    %c0_i32 = arith.constant 0 : i32
    %c0_i32_0 = arith.constant 0 : i32
    %c0_i32_1 = arith.constant 0 : i32
    return %c0_i32, %c0_i32_0 : i32, i32
  }
  func.func @transform_5(%arg0: i32) -> (i32, i32) {
    %c0_i32 = arith.constant 0 : i32
    %c0_i32_0 = arith.constant 0 : i32
    %c0_i32_1 = arith.constant 0 : i32
    return %c0_i32, %c0_i32_0 : i32, i32
  }
}

</mosaic_0001>

<sc_bundles>
// kernel: kernel.10.cloned.1.call-start
scs
__scs_entry_jumppad:
0x0: {  	(pc) =	sbr.rel $0x88, $3  }
0x1: {  	(tag) =	ssettag $0x0;
	lr =	simm.s32 $0x1  }
0x2: {  	[smem:$0x3F94] =	sst lr;
	_ =	strace $0xD0000000  }
0x3: {  	_ = 	snop  }
0x4: {  	_ = 	snop  }
0x5: {  	_ = 	snop  }
0x6: {  	_ = 	snop  }
0x7: {  	_ = 	snop  }
__scs_overlays_trampoline_lowered:
0x8: {  	[smem:$0x3FA3] =	sst s0  }
0x9: {  	[smem:$0x3FA4] =	sst s1  }
0xa: {  	[smem:$0x3FA5] =	sst s2  }
0xb: {  	[smem:$0x3FA6] =	sst s3  }
0xc: {  	[smem:$0x3FA7] =	sst s4  }
0xd: {  	[smem:$0x3FA8] =	sst s5  }
0xe: {  	[smem:$0x3FA9] =	sst s6  }
0xf: {  	[smem:$0x3FAA] =	sst s7  }
0x10: {  	[smem:$0x3FAB] =	sst s8  }
0x11: {  	[smem:$0x3FAC] =	sst s9;
	s0 =	simm.s32 @!p0 $0x0  }
0x12: {  	s1 =	sld [smem:$0x3F92];
	s0 =	simm.s32 @p0 $0x1  }
0x13: {  	[smem:$0x3FAD] =	sst s0;
	s0 =	simm.s32 @!p1 $0x0  }
0x14: {  	s2 =	sld [smem:$0x3F91];
	s0 =	simm.s32 @p1 $0x1  }
0x15: {  	[smem:$0x3FAE] =	sst s0;
	s0 =	simm.s32 @!p2 $0x0  }
0x16: {  	s3 =	sld [smem:$0x3FDB];
	s0 =	simm.s32 @p2 $0x1  }
0x17: {  	s4 =	simm.s32 $0x1BF5;
	[smem:$0x3FB0] =	sst s0  }
0x18: {  	s0 =	sld [smem:$0x3F93];
	_ =	swait.ge [sflag:s4], $0x0  }
0x19: {  	s7 =	sld [smem:$0x3F94]  }
0x1a: {  	s8 =	sadd.s32 $0xFFFFE003, lr  }
0x1b: {  	s9 =	sadd.s32 $0xFFFFFEF7, lr;
	s5 =	simm.s32 $0xFFFFFFFF;
	p2 =	slt.u32 s8, $0xFFFFF086  }
0x1c: {  	p1 =	slt.u32 s9, $0xF7A;
	s5 =	simm.s32 @!p2 $0x0  }
0x1d: {  	s5 =	simm.s32 @p1 $0x1;
	p0 =	seq.s32 s7, s2  }
0x1e: {  	s7 =	smul.u32 @!p0 $0xF7A, s2;
	p2 =	seq.s32 @!p0 s5, $0x0  }
0x1f: {  	s9 =	smul.u32 $0xF7A, s1;
	s8 =	simm.s32 @!p0 $0x1BF5;
	p2 =	por !p2, p0  }
0x20: {  	[sflag:s8] =	ssyncset.s32 @!p0 $0xFFFFF086;
	s6 =	sadd.s32 @!p0 s3, s7;
	s7 =	simm.s32 @!p0 $0x108  }
0x21: {  	s3 =	sadd.s32 s3, s9;
	s6 =	sadd.s32 @!p0 $0x88, s6;
	s7 =	simm.s32 @p2 $0x1082  }
0x22: {  	[simem:s7], [sflag:s8] =	dma.local @!p0 [hbm:s6], $0xF7A  }
0x23: {  	s9 =	sor.u32 $0xD0000000, s2;
	s6 =	simm.s32 $0x108;
	_ =	swait.ge @!p0 [sflag:s8], $0x0  }
0x24: {  	s3 =	sadd.s32 $0x88, s3;
	s6 =	simm.s32 @!p1 $0x1082;
	[sflag:s4] =	ssyncset.s32 $0xFFFFF086  }
0x25: {  	[simem:s6], [sflag:s4] =	dma.local [hbm:s3], $0xF7A  }
0x26: {  	[smem:$0x3F94] =	sst s1;
	(tag) =	ssettag s2;
	_ =	strace s9  }
0x27: {  	s1 =	sld [smem:$0x3FA4]  }
0x28: {  	s2 =	sld [smem:$0x3FA5]  }
0x29: {  	s4 =	sld [smem:$0x3FA7]  }
0x2a: {  	p0 =	seq.s32 s5, $0x0;
	s5 =	sld [smem:$0x3FA8]  }
0x2b: {  	s6 =	sld [smem:$0x3FA9]  }
0x2c: {  	s7 =	sld [smem:$0x3FAA]  }
0x2d: {  	s3 =	simm.s32 $0x108;
	s8 =	sld [smem:$0x3FAB]  }
0x2e: {  	s3 =	simm.s32 @!p0 $0x1082;
	s9 =	sld [smem:$0x3FAC]  }
0x2f: {  	lr =	sadd.s32 s0, s3;
	s0 =	sld [smem:$0x3FA3]  }
0x30: {  	s3 =	sld [smem:$0x3FA6]  }
0x31: {  	[smem:$0x3FAF] =	sst s10  }
0x32: {  	s10 =	sld [smem:$0x3FAD];
	_ =	sdelay $0x3  }
0x33: {  	p0 =	seq.s32 s10, $0x1;
	s10 =	sld [smem:$0x3FAF];
	_ =	sdelay $0x3  }
0x34: {  	[smem:$0x3FAF] =	sst s10  }
0x35: {  	s10 =	sld [smem:$0x3FAE];
	_ =	sdelay $0x3  }
0x36: {  	p1 =	seq.s32 s10, $0x1;
	s10 =	sld [smem:$0x3FAF];
	_ =	sdelay $0x3  }
0x37: {  	[smem:$0x3FAF] =	sst s10  }
0x38: {  	s10 =	sld [smem:$0x3FB0]  }
0x39: {  	_ = 	snop;
	(pc) =	sbr.ind lr, $3  }
0x3a: {  	_ = 	snop  }
0x3b: {  	_ = 	snop  }
0x3c: {  	p2 =	seq.s32 s10, $0x1;
	s10 =	sld [smem:$0x3FAF]  }
0x3d: {  	_ =	shalt  }
0x3e: {  	_ =	shalt  }
0x3f: {  	_ =	shalt  }
0x40: {  	_ =	shalt  }
0x41: {  	_ =	shalt  }
0x42: {  	_ =	shalt  }
0x43: {  	_ =	shalt  }
0x44: {  	_ =	shalt  }
0x45: {  	_ =	shalt  }
0x46: {  	_ =	shalt  }
0x47: {  	_ =	shalt  }
0x48: {  	_ =	shalt  }
0x49: {  	_ =	shalt  }
0x4a: {  	_ =	shalt  }
0x4b: {  	_ =	shalt  }
0x4c: {  	_ =	shalt  }
0x4d: {  	_ =	shalt  }
0x4e: {  	_ =	shalt  }
0x4f: {  	_ =	shalt  }
0x50: {  	_ =	shalt  }
0x51: {  	_ =	shalt  }
0x52: {  	_ =	shalt  }
0x53: {  	_ =	shalt  }
0x54: {  	_ =	shalt  }
0x55: {  	_ =	shalt  }
0x56: {  	_ =	shalt  }
0x57: {  	_ =	shalt  }
0x58: {  	_ =	shalt  }
0x59: {  	_ =	shalt  }
0x5a: {  	_ =	shalt  }
0x5b: {  	_ =	shalt  }
0x5c: {  	_ =	shalt  }
0x5d: {  	_ =	shalt  }
0x5e: {  	_ =	shalt  }
0x5f: {  	_ =	shalt  }
0x60: {  	_ =	shalt  }
0x61: {  	_ =	shalt  }
0x62: {  	_ =	shalt  }
0x63: {  	_ =	shalt  }
0x64: {  	_ =	shalt  }
0x65: {  	_ =	shalt  }
0x66: {  	_ =	shalt  }
0x67: {  	_ =	shalt  }
0x68: {  	_ =	shalt  }
0x69: {  	_ =	shalt  }
0x6a: {  	_ =	shalt  }
0x6b: {  	_ =	shalt  }
0x6c: {  	_ =	shalt  }
0x6d: {  	_ =	shalt  }
0x6e: {  	_ =	shalt  }
0x6f: {  	_ =	shalt  }
0x70: {  	_ =	shalt  }
0x71: {  	_ =	shalt  }
0x72: {  	_ =	shalt  }
0x73: {  	_ =	shalt  }
0x74: {  	_ =	shalt  }
0x75: {  	_ =	shalt  }
0x76: {  	_ =	shalt  }
0x77: {  	_ =	shalt  }
0x78: {  	_ =	shalt  }
0x79: {  	_ =	shalt  }
0x7a: {  	_ =	shalt  }
0x7b: {  	_ =	shalt  }
0x7c: {  	_ =	shalt  }
0x7d: {  	_ =	shalt  }
0x7e: {  	_ =	shalt  }
0x7f: {  	_ =	shalt  }
0x80: {  	_ =	shalt  }
0x81: {  	_ =	shalt  }
0x82: {  	_ =	shalt  }
0x83: {  	_ =	shalt  }
0x84: {  	_ =	shalt  }
0x85: {  	_ =	shalt  }
0x86: {  	_ =	shalt  }
0x87: {  	_ =	shalt  }
.Lfunc_end0:
.L_simem_size_0:
called_computation.1_lowered:
.L_overlay_start_0:
0x88: {  	s2 =	sld [smem:$0x3FD9]  }
0x89: {  	s3 =	sld [smem:$0x3FFE];
	_ =	sdelay $0x1  }
0x8a: {  	s1 =	srdreg.scid  }
0x8b: {  	s0 =	sand.u32 $0x1, s1  }
0x8c: {  	s16 =	sshll.u32 s0, $0xA;
	s2 =	sadd.s32 s3, s2  }
0x8d: {  	s2 =	sadd.s32 s2, s16  }
0x8e: {  	[smem:$0x3FBB] =	sst s2  }
0x8f: {  	_ = 	snop  }
0x90: {  	(tm) =	ssettm $0x1  }
0x91: {  	s17 =	sld [smem:$0x3FFB];
	_ =	sdelay $0x3  }
0x92: {  	_ =	strace s17  }
0x93: {  	s2 =	sld [smem:$0x3FFC];
	_ =	sdelay $0x3  }
0x94: {  	_ =	strace s2  }
0x95: {  	s2 =	sld [smem:$0x3FFD];
	_ =	sdelay $0x3  }
0x96: {  	_ =	strace s2  }
0x97: {  	_ =	strace $0x8FFFFFFF  }
0x98: {  	s18 =	sld [smem:$0x3FDB];
	_ =	sdelay $0x1  }
0x99: {  	s19 =	simm.s32 $_scs_section_size  }
0x9a: {  	s4 =	simm.s32 $_size__tile_overlayer_lowered;
	s5 =	simm.s32 $_tile_overlayer_lowered  }
0x9b: {  	s22 =	simm.s32 $0x1BFF;
	s21 =	sshll.u32 s5, $0x1;
	s2 =	sadd.s32 s19, s18  }
0x9c: {  	s6 =	simm.s32 $0x0;
	s20 =	sshll.u32 s4, $0x1;
	s4 =	sadd.s32 s21, s2  }
0x9d: {  	[timem:s6], [sflag:s22] =	dma.local [hbm:s4], s20  }
0x9e: {  	_ =	swait.ge [sflag:s22], s20  }
0x9f: {  	s3 =	ssub.s32 $0x0, s20;
	[sflag:s22] =	ssyncset.done $0x0  }
0xa0: {  	[sflag:s22] =	ssyncadd.s32 s3;
	_ =	sdelay $0x1  }
0xa1: {  	s23 =	simm.s32 $0x1B8B  }
0xa2: {  	_ =	swait.ge [sflag:s23], $0x1  }
0xa3: {  	[sflag:s23] =	ssyncset.done $0x0  }
0xa4: {  	s25 =	simm.s32 $0x1B8E;
	s24 =	sld [smem:$0x3FFE];
	[sflag:s23] =	ssyncadd.s32 $0xFFFFFFFF  }
0xa5: {  	s26 =	simm.s32 $execute0_lowered;
	[smem:$0x3FD2] =	sst s25  }
0xa6: {  	s4 =	sshll.u32 s26, $0x1;
	_ =	strace $0x80000049;
	[dreg:$0x1] =	wrdreg $0xFFFFFFFF  }
0xa7: {  	s28 =	simm.s32 $_size_execute0_lowered;
	s2 =	sadd.s32 s2, s4;
	[dreg:$0x0] =	wrdreg $0x0  }
0xa8: {  	s4 =	sshll.u32 s28, $0x1;
	[dreg:$0x2] =	wrdreg s2  }
0xa9: {  	[dreg:$0x3] =	wrdreg s4  }
0xaa: {  	[dreg:$0x4] =	wrdreg $0xC0  }
0xab: {  	_ =	task [dreg:s6], $0x5FFFF  }
0xac: {  	[dreg:$0x1] =	wrdreg $0xFFFFFFFF  }
0xad: {  	[dreg:$0x0] =	wrdreg $0x60  }
0xae: {  	[dreg:$0x2] =	wrdreg s24  }
0xaf: {  	[dreg:$0x3] =	wrdreg $0xAB800  }
0xb0: {  	[dreg:$0x4] =	wrdreg $0x9  }
0xb1: {  	_ =	task.clear_ibuf [dreg:s6], $0x5FFFF;
	_ =	strace $0x90000049  }
0xb2: {  	s29 =	simm.s32 $0x9;
	_ =	strace $0x8000004B  }
0xb3: {  	_ =	swait.ge [sflag:s29], $0x1  }
0xb4: {  	[sflag:s29] =	ssyncadd.s32 $0xFFFFFFFF  }
0xb5: {  	_ =	strace $0x9000004B  }
0xb6: {  	_ =	sfence  }
0xb7: {  	s30 =	sld [smem:$0x0];
	_ =	sdelay $0x2  }
0xb8: {  	s31 =	sshll.u32 s1, $0xD;
	s1 =	sshrl.u32 s1, $0x2  }
0xb9: {  	s3 =	sand.u32 $0x4000, s31;
	s1 =	sadd.s32 s1, s30  }
0xba: {  	s0 =	sor.u32 s3, s0;
	s1 =	sshll.u32 s1, $0x11  }
0xbb: {  	s0 =	sor.u32 s1, s0  }
0xbc: {  	s0 =	sadd.s32 $0x8F2B, s0  }
0xbd: {  	[sflag:s0] =	ssyncadd.remote.s32 $0x1  }
0xbe: {  	_ =	sfence.sel $0xFFFF  }
0xbf: {  	[dreg:$0x0] =	wrdreg $0xFFFFFFFF;
	(pc) =	sbr.abs _section_cstart, $3  }
0xc0: {  	[dreg:$0x1] =	wrdreg $0xFFFFFFFF  }
0xc1: {  	_ =	task.clear_ibuf [dreg:s6], $0x2FFFF;
	_ =	strace $0x9FFFFFFF  }
0xc2: {  	(tm) =	ssettm $0x7FFFFFFF  }
0xc3: {  	_ =	shalt  }
tec
execute0_lowered:
.L_overlay_start_1:
0x0: {  	(tag) =	ssettag $0x1  }
0x1: {  	s0 =	rddreg [dreg:$0x0]  }
0x2: {  	s1 =	rddreg [dreg:$0x1]  }
0x3: {  	s2 =	srdreg.scid;
	s3 =	simm.s32 $0x0;
	s11 =	stileid.u32  }
0x4: {  	s17 =	simm.s32 $0x7380;
	s18 =	simm.s32 $0x3;
	s19 =	simm.s32 $0x180  }
0x5: {  	s20 =	simm.s32 $0x70;
	s21 =	simm.s32 $0x380;
	s22 =	simm.s32 $0x3B80  }
0x6: {  	s23 =	simm.s32 $0x1;
	s28 =	simm.s32 $0xE0;
	s29 =	simm.s32 $0x260  }
0x7: {  	s30 =	simm.s32 $0x0;
	s2 =	sand.u32 $0x1, s2;
	s8 =	smul.u32 $0x15400, s11  }
0x8: {  	[smem:$0x7FF] =	sst s3;
	s4 =	sadd.s32 $0x3AA00, s0;
	s9 =	smul.u32 $0x55000, s11  }
0x9: {  	s5 =	sadd.s32 $0x1EA00, s0;
	s6 =	sadd.s32 $0x2A00, s0;
	s7 =	smul.u32 $0x154000, s2  }
0xa: {  	_ =	strace $0x8000004A;
	s24 =	ssub.s32 $0x2, s2;
	s2 =	sshll.u32 s2, $0x4  }
0xb: {  	s9 =	sshrl.u32 s9, $0x2;
	s10 =	sshrl.u32 s24, $0x1;
	s7 =	sadd.s32 s8, s7  }
0xc: {  	s2 =	sor.u32 s11, s2;
	s8 =	ssub.s32 s24, s10;
	s7 =	sshrl.u32 s7, $0x3  }
0xd: {  	s14 =	smul.u32 $0x6F90, s2;
	s0 =	sadd.s32 s7, s0;
	s7 =	sadd.s32 s9, s1  }
0xe: {  	s24 =	simm.s32 $0x2;
	s16 =	smax.u32 s8, $0x1;
	s9 =	sadd.s32 $0x3800, s7  }
0xf: {  	s25 =	sadd.s32 $0x7000, s7;
	s26 =	sadd.s32 $0xA800, s7;
	[dreg:$0x3] =	wrdreg s9  }
0x10: {  	s31 =	sadd.s32 $0xE000, s7;
	s12 =	sadd.s32 $0x11800, s7;
	[dreg:$0x4] =	wrdreg s25  }
0x11: {  	s13 =	sadd.s32 $0x15000, s7;
	s15 =	sadd.s32 $0x65200, s0;
	[dreg:$0x5] =	wrdreg s26  }
0x12: {  	v0 =	vimm.f32 $0.0e+00;
	[dreg:$0x6] =	wrdreg s31;
	s25 =	simm.s32 $0x300;
	s26 =	simm.s32 $0x1F0  }
.LBB2_1:
0x13: {  	s0 =	simm.s32 $0x0;
	s2 =	simm.s32 $0x200  }
.LBB2_2:
0x14: {  	p0 =	sne.s32 s2, $0xDE00;
	[tilespmem:s0+$0x73F0] =	vst v0  }
0x15: {  	[tilespmem:s0+$0x7380] =	vst v0  }
0x16: {  	[tilespmem:s0+$0x7390] =	vst v0  }
.Ltmp0:
0x17: {  	[tilespmem:s0+$0x73A0] =	vst v0;
	(pc) =	sbr.rel @p0 .LBB2_2-.Ltmp0, $4  }
0x18: {  	[tilespmem:s0+$0x73B0] =	vst v0  }
0x19: {  	[tilespmem:s0+$0x73C0] =	vst v0  }
0x1a: {  	[tilespmem:s0+$0x73D0] =	vst v0  }
0x1b: {  	[tilespmem:s0+$0x73E0] =	vst v0;
	s0 =	sshra.s32 s2, $0x2;
	s2 =	sadd.s32 $0x200, s2  }
0x1c: {  	[tilespmem:s0+$0x73F0] =	vst v0  }
0x1d: {  	[tilespmem:s0+$0x7380] =	vst v0  }
0x1e: {  	[tilespmem:s0+$0x7390] =	vst v0  }
0x1f: {  	[tilespmem:s0+$0x73A0] =	vst v0  }
0x20: {  	[tilespmem:s0+$0x73B0] =	vst v0  }
0x21: {  	[tilespmem:s0+$0x73C0] =	vst v0  }
0x22: {  	[tilespmem:s0+$0x73D0] =	vst v0  }
0x23: {  	[tilespmem:s0+$0x73E0] =	vst v0  }
0x24: {  	[spmem:s7] =	stream.linear.scatter [tilespmem:s17], [sflag:$0x3], $0x3800, $0x38;
	[tilespmem:$0x1FF80] =	vst v63  }
0x25: {  	_ =	swait.ge [sflag:s18], $0x3800  }
0x26: {  	[sflag:s18] =	ssyncset.done $0x0  }
0x27: {  	s8 =	rddreg [dreg:$0x3];
	[sflag:s18] =	ssyncadd.s32 $0xFFFFC800  }
0x28: {  	[spmem:s8] =	stream.linear.scatter [tilespmem:s17], [sflag:$0x3], $0x3800, $0x38;
	[tilespmem:$0x1FF80] =	vst v63  }
0x29: {  	_ =	swait.ge [sflag:s18], $0x3800  }
0x2a: {  	[sflag:s18] =	ssyncset.done $0x0  }
0x2b: {  	s9 =	rddreg [dreg:$0x4];
	[sflag:s18] =	ssyncadd.s32 $0xFFFFC800  }
0x2c: {  	[spmem:s9] =	stream.linear.scatter [tilespmem:s17], [sflag:$0x3], $0x3800, $0x38;
	[tilespmem:$0x1FF80] =	vst v63  }
0x2d: {  	_ =	swait.ge [sflag:s18], $0x3800  }
0x2e: {  	[sflag:s18] =	ssyncset.done $0x0  }
0x2f: {  	s10 =	rddreg [dreg:$0x5];
	[sflag:s18] =	ssyncadd.s32 $0xFFFFC800  }
0x30: {  	[spmem:s10] =	stream.linear.scatter [tilespmem:s17], [sflag:$0x3], $0x3800, $0x38;
	[tilespmem:$0x1FF80] =	vst v63  }
0x31: {  	_ =	swait.ge [sflag:s18], $0x3800  }
0x32: {  	[sflag:s18] =	ssyncset.done $0x0  }
0x33: {  	s11 =	rddreg [dreg:$0x6];
	[sflag:s18] =	ssyncadd.s32 $0xFFFFC800  }
0x34: {  	[spmem:s11] =	stream.linear.scatter [tilespmem:s17], [sflag:$0x3], $0x3800, $0x38;
	[tilespmem:$0x1FF80] =	vst v63  }
0x35: {  	_ =	swait.ge [sflag:s18], $0x3800  }
0x36: {  	[sflag:s18] =	ssyncset.done $0x0  }
0x37: {  	[sflag:s18] =	ssyncadd.s32 $0xFFFFC800  }
0x38: {  	[spmem:s12] =	stream.linear.scatter [tilespmem:s17], [sflag:$0x3], $0x3800, $0x38;
	[tilespmem:$0x1FF80] =	vst v63  }
0x39: {  	_ =	swait.ge [sflag:s18], $0x3800  }
0x3a: {  	[sflag:s18] =	ssyncset.done $0x0  }
0x3b: {  	[sflag:s18] =	ssyncadd.s32 $0xFFFFC800  }
0x3c: {  	[spmem:s13] =	stream.linear.scatter [tilespmem:s17], [sflag:$0x3], $0x400, $0x38;
	[tilespmem:$0x1FF80] =	vst v63  }
0x3d: {  	_ =	swait.ge [sflag:s18], $0x400  }
0x3e: {  	[sflag:s18] =	ssyncset.done $0x0  }
0x3f: {  	[sflag:s18] =	ssyncadd.s32 $0xFFFFFC00  }
0x40: {  	s31 =	simm.s32 $0x0;
	[bflag:$0x0] =	sbarrier.arrive $0xFFFF  }
.LBB2_4:
0x41: {  	s0 =	smul.u32 $0x150, s31;
	_ =	sdelay $0x1  }
0x42: {  	s0 =	sadd.s32 s14, s0  }
0x43: {  	s0 =	sshrl.u32 s0, $0x3  }
0x44: {  	s2 =	sadd.s32 s5, s0  }
0x45: {  	[tilespmem:s30], [sflag:$0x3] =	stream.linear.gather [hbm4b:s2+s30], $0x150, $0x38;
	[tilespmem:$0x1FF80] =	vst v63  }
0x46: {  	_ =	swait.ge [sflag:s18], $0x150  }
0x47: {  	[sflag:s18] =	ssyncset.done $0x0  }
0x48: {  	s0 =	sadd.s32 s6, s0;
	[sflag:s18] =	ssyncadd.s32 $0xFFFFFEB0  }
0x49: {  	[tilespmem:s19], [sflag:$0x3] =	stream.linear.gather [hbm4b:s0+s30], $0x150, $0x38;
	[tilespmem:$0x1FF80] =	vst v63  }
0x4a: {  	_ =	swait.ge [sflag:s18], $0x150  }
0x4b: {  	[sflag:s18] =	ssyncset.done $0x0  }
0x4c: {  	[sflag:s18] =	ssyncadd.s32 $0xFFFFFEB0  }
0x4d: {  	v1 =	vld [tilespmem:$0x180]  }
0x4e: {  	v2 =	vld [tilespmem:$0x190]  }
0x4f: {  	v3 =	vld [tilespmem:$0x1A0]  }
0x50: {  	v4 =	vld [tilespmem:$0x1B0]  }
0x51: {  	v5 =	vld [tilespmem:$0x1C0]  }
0x52: {  	[tilespmem:$0x300] =	vst v1;
	v1 =	vld [tilespmem:$0x1D0]  }
0x53: {  	[tilespmem:$0x310] =	vst v2;
	v2 =	vld [tilespmem:$0x1E0]  }
0x54: {  	[tilespmem:$0x320] =	vst v3  }
0x55: {  	[tilespmem:$0x330] =	vst v4  }
0x56: {  	[tilespmem:$0x340] =	vst v5  }
0x57: {  	[tilespmem:$0x350] =	vst v1  }
0x58: {  	[tilespmem:$0x360] =	vst v2  }
0x59: {  	[tilespmem:s21], [sflag:$0x1] =	stream.indirect.gather [hbm4b:s4+s20], $0x80, s30, s20, $0xb8;
	[tilespmem:$0x1FF80] =	vst v63  }
0x5a: {  	_ = 	snop  }
0x5b: {  	[tilespmem:s22], [sflag:$0x2] =	stream.indirect.gather [hbm4b:s4+s20], $0x80, s19, s20, $0xb8;
	[tilespmem:$0x1FF80] =	vst v63  }
0x5c: {  	_ =	swait.ge [sflag:s23], $0x3800  }
0x5d: {  	[sflag:s23] =	ssyncset.done $0x0  }
0x5e: {  	[sflag:s23] =	ssyncadd.s32 $0xFFFFC800  }
0x5f: {  	_ =	swait.ge [sflag:s24], $0x3800  }
0x60: {  	[sflag:s24] =	ssyncset.done $0x0  }
0x61: {  	s9 =	simm.s32 $0x0;
	[sflag:s24] =	ssyncadd.s32 $0xFFFFC800  }
0x62: {  	v1 =	vld [tilespmem:s9+$0x3C0]  }
0x63: {  	v2 =	vld [tilespmem:s9+$0x3BD0];
	_ =	sdelay $0x2  }
0x64: {  	v10 =	vld [tilespmem:s9+$0x380]  }
0x65: {  	s8 =	simm.s32 $0x80;
	v12 =	vld [tilespmem:s9+$0x390]  }
0x66: {  	v4 =	vld [tilespmem:s8+$0x3BD0];
	v1 =	vadd.f32 v2, v1  }
0x67: {  	v2 =	vld [tilespmem:s8+$0x3C0]  }
0x68: {  	v11 =	vld [tilespmem:s9+$0x3A0];
	v3 =	vmul.f32 $2.000000030e-01, v1  }
0x69: {  	s0 =	simm.s32 $0x100;
	v9 =	vld [tilespmem:s8+$0x380]  }
0x6a: {  	v5 =	vld [tilespmem:s0+$0x3C0];
	v1 =	vmax.f32 v1, v3  }
0x6b: {  	v6 =	vld [tilespmem:s0+$0x3BD0];
	v1 =	vmul.f32 $1.442695020e+00, v1  }
0x6c: {  	v7 =	vld [tilespmem:s8+$0x390];
	v8 =	vadd.f32 v4, v2  }
0x6d: {  	s2 =	simm.s32 $0x180;
	v13 =	vld [tilespmem:s9+$0x3B0];
	(erf) = vpow2.f32 v1  }
0x6e: {  	v14 =	vld [tilespmem:s2+$0x3C0];
	v15 =	vmul.f32 $2.000000030e-01, v8  }
0x6f: {  	v3 =	vld [tilespmem:s8+$0x3A0]  }
0x70: {  	v16 =	vadd.f32 v6, v5;
	v2 =	vld [tilespmem:s0+$0x390];
	v5 =	vmax.f32 v8, v15  }
0x71: {  	v4 =	vld [tilespmem:s0+$0x3A0];
	v6 =	vmul.f32 $1.442695020e+00, v5  }
0x72: {  	v1 =	vld [tilespmem:s0+$0x380]  }
0x73: {  	v15 =	vld [tilespmem:s2+$0x3BD0];
	(erf) = vpow2.f32 v6  }
0x74: {  	v17 =	vmul.f32 $2.000000030e-01, v16;
	v5 =	vld [tilespmem:s2+$0x380]  }
0x75: {  	v8 =	vld [tilespmem:s2+$0x390]  }
0x76: {  	s10 =	simm.s32 $0x800;
	v17 =	vmax.f32 v16, v17;
	v6 =	vld [tilespmem:s2+$0x3A0];
	v16 =	vpop (erf)  }
.LBB2_5:
0x77: {  	v17 =	vmul.f32 $1.442695020e+00, v17;
	v18 =	vmul.f32 v13, v16;
	v13 =	vld [tilespmem:s8+$0x3B0];
	[tilespmem:s9+$0x73C0] =	vst v16;
	s11 =	smov.u32 s2;
	s2 =	sshra.s32 s10, $0x2;
	p0 =	sne.s32 s10, $0xDE00  }
.Ltmp1:
0x78: {  	s10 =	sadd.s32 $0x200, s10;
	v20 =	vmul.f32 v16, v10;
	v21 =	vmul.f32 v16, v12;
	v10 =	vmovc v9;
	v19 =	vadd.f32 v15, v14;
	v14 =	vld [tilespmem:s2+$0x3C0];
	(pc) =	sbr.rel @p0 .LBB2_5-.Ltmp1, $4  }
0x79: {  	v22 =	vmul.f32 v16, v11;
	v9 =	vmovc v1;
	v12 =	vmovc v7;
	v15 =	vld [tilespmem:s2+$0x3BD0];
	(erf) = vpow2.f32 v17;
	[tilespmem:s9+$0x73B0] =	vst v18;
	v1 =	vmov v5  }
0x7a: {  	v7 =	vmovc v2;
	v11 =	vmovc v3;
	v3 =	vmov v4;
	v5 =	vld [tilespmem:s2+$0x380];
	v18 =	vmul.f32 $2.000000030e-01, v19;
	[tilespmem:s9+$0x7380] =	vst v20;
	v2 =	vmov v8  }
0x7b: {  	v8 =	vld [tilespmem:s2+$0x390];
	[tilespmem:s9+$0x7390] =	vst v21;
	v4 =	vmov v6  }
0x7c: {  	v6 =	vld [tilespmem:s2+$0x3A0];
	v17 =	vmax.f32 v19, v18;
	v16 =	vpop (erf);
	[tilespmem:s9+$0x73A0] =	vst v22;
	s9 =	smov.u32 s8;
	s8 =	smov.u32 s0;
	s0 =	smov.u32 s11  }
0x7d: {  	_ = 	snop  }
0x7e: {  	v17 =	vmul.f32 $1.442695020e+00, v17;
	v13 =	vmul.f32 v13, v16;
	v14 =	vadd.f32 v15, v14  }
0x7f: {  	v18 =	vld [tilespmem:s8+$0x3B0];
	v10 =	vmul.f32 v16, v10;
	v12 =	vmul.f32 v16, v12  }
0x80: {  	(erf) = vpow2.f32 v17;
	[tilespmem:s9+$0x73B0] =	vst v13;
	v13 =	vmul.f32 $2.000000030e-01, v14  }
0x81: {  	[tilespmem:s9+$0x73C0] =	vst v16  }
0x82: {  	v11 =	vmul.f32 v16, v11;
	[tilespmem:s9+$0x7380] =	vst v10;
	v10 =	vmax.f32 v14, v13  }
0x83: {  	[tilespmem:s9+$0x7390] =	vst v12;
	v12 =	vpop (erf);
	v10 =	vmul.f32 $1.442695020e+00, v10  }
0x84: {  	[tilespmem:s9+$0x73A0] =	vst v11;
	v13 =	vmul.f32 v18, v12;
	v9 =	vmul.f32 v12, v9  }
0x85: {  	v11 =	vld [tilespmem:s0+$0x3B0];
	[tilespmem:s8+$0x73C0] =	vst v12;
	v7 =	vmul.f32 v12, v7;
	(erf) = vpow2.f32 v10  }
0x86: {  	[tilespmem:s8+$0x73B0] =	vst v13  }
0x87: {  	v3 =	vmul.f32 v12, v3;
	[tilespmem:s8+$0x7380] =	vst v9  }
0x88: {  	[tilespmem:s8+$0x7390] =	vst v7  }
0x89: {  	[tilespmem:s8+$0x73A0] =	vst v3;
	v7 =	vpop (erf)  }
0x8a: {  	v3 =	vld [tilespmem:s2+$0x3B0];
	v9 =	vmul.f32 v11, v7;
	v1 =	vmul.f32 v7, v1  }
0x8b: {  	[tilespmem:s0+$0x73C0] =	vst v7  }
0x8c: {  	v2 =	vmul.f32 v7, v2;
	[tilespmem:s0+$0x73B0] =	vst v9  }
0x8d: {  	v4 =	vmul.f32 v7, v4;
	[tilespmem:s0+$0x7380] =	vst v1  }
0x8e: {  	[tilespmem:s0+$0x7390] =	vst v2;
	v1 =	vpop (erf)  }
0x8f: {  	[tilespmem:s0+$0x73A0] =	vst v4;
	v2 =	vmul.f32 v3, v1  }
0x90: {  	[tilespmem:s2+$0x73C0] =	vst v1;
	v3 =	vmul.f32 v1, v5  }
0x91: {  	v4 =	vmul.f32 v1, v8;
	[tilespmem:s2+$0x73B0] =	vst v2  }
0x92: {  	v1 =	vmul.f32 v1, v6;
	[tilespmem:s2+$0x7380] =	vst v3  }
0x93: {  	[tilespmem:s2+$0x7390] =	vst v4  }
0x94: {  	[tilespmem:s2+$0x73A0] =	vst v1  }
0x95: {  	[spmem:s1] =	stream.indirect.scatter.add.f32 [tilespmem:s17], [sflag:$0x3], $0x80, s25, s20, $0xb8;
	[tilespmem:$0x1FF80] =	vst v63  }
0x96: {  	_ =	swait.ge [sflag:s18], $0x3800  }
0x97: {  	[sflag:s18] =	ssyncset.done $0x0  }
0x98: {  	[sflag:s18] =	ssyncadd.s32 $0xFFFFC800  }
0x99: {  	v1 =	vld [tilespmem:$0x1F0]  }
0x9a: {  	v2 =	vld [tilespmem:$0x200]  }
0x9b: {  	v3 =	vld [tilespmem:$0x210]  }
0x9c: {  	v4 =	vld [tilespmem:$0x220]  }
0x9d: {  	v5 =	vld [tilespmem:$0x230]  }
0x9e: {  	[tilespmem:$0x300] =	vst v1;
	v1 =	vld [tilespmem:$0x240]  }
0x9f: {  	[tilespmem:$0x310] =	vst v2;
	v2 =	vld [tilespmem:$0x250]  }
0xa0: {  	[tilespmem:$0x320] =	vst v3  }
0xa1: {  	[tilespmem:$0x330] =	vst v4  }
0xa2: {  	[tilespmem:$0x340] =	vst v5  }
0xa3: {  	[tilespmem:$0x350] =	vst v1  }
0xa4: {  	[tilespmem:$0x360] =	vst v2  }
0xa5: {  	[tilespmem:s21], [sflag:$0x1] =	stream.indirect.gather [hbm4b:s4+s20], $0x80, s20, s20, $0xb8;
	[tilespmem:$0x1FF80] =	vst v63  }
0xa6: {  	_ = 	snop  }
0xa7: {  	[tilespmem:s22], [sflag:$0x2] =	stream.indirect.gather [hbm4b:s4+s20], $0x80, s26, s20, $0xb8;
	[tilespmem:$0x1FF80] =	vst v63  }
0xa8: {  	_ =	swait.ge [sflag:s23], $0x3800  }
0xa9: {  	[sflag:s23] =	ssyncset.done $0x0  }
0xaa: {  	[sflag:s23] =	ssyncadd.s32 $0xFFFFC800  }
0xab: {  	_ =	swait.ge [sflag:s24], $0x3800  }
0xac: {  	[sflag:s24] =	ssyncset.done $0x0  }
0xad: {  	s9 =	simm.s32 $0x0;
	[sflag:s24] =	ssyncadd.s32 $0xFFFFC800  }
0xae: {  	v1 =	vld [tilespmem:s9+$0x3C0]  }
0xaf: {  	v2 =	vld [tilespmem:s9+$0x3BD0];
	_ =	sdelay $0x2  }
0xb0: {  	v10 =	vld [tilespmem:s9+$0x380]  }
0xb1: {  	s8 =	simm.s32 $0x80;
	v12 =	vld [tilespmem:s9+$0x390]  }
0xb2: {  	v4 =	vld [tilespmem:s8+$0x3BD0];
	v1 =	vadd.f32 v2, v1  }
0xb3: {  	v2 =	vld [tilespmem:s8+$0x3C0]  }
0xb4: {  	v11 =	vld [tilespmem:s9+$0x3A0];
	v3 =	vmul.f32 $2.000000030e-01, v1  }
0xb5: {  	s0 =	simm.s32 $0x100;
	v9 =	vld [tilespmem:s8+$0x380]  }
0xb6: {  	v5 =	vld [tilespmem:s0+$0x3C0];
	v1 =	vmax.f32 v1, v3  }
0xb7: {  	v6 =	vld [tilespmem:s0+$0x3BD0];
	v1 =	vmul.f32 $1.442695020e+00, v1  }
0xb8: {  	v7 =	vld [tilespmem:s8+$0x390];
	v8 =	vadd.f32 v4, v2  }
0xb9: {  	s2 =	simm.s32 $0x180;
	v13 =	vld [tilespmem:s9+$0x3B0];
	(erf) = vpow2.f32 v1  }
0xba: {  	v14 =	vld [tilespmem:s2+$0x3C0];
	v15 =	vmul.f32 $2.000000030e-01, v8  }
0xbb: {  	v3 =	vld [tilespmem:s8+$0x3A0]  }
0xbc: {  	v16 =	vadd.f32 v6, v5;
	v2 =	vld [tilespmem:s0+$0x390];
	v5 =	vmax.f32 v8, v15  }
0xbd: {  	v4 =	vld [tilespmem:s0+$0x3A0];
	v6 =	vmul.f32 $1.442695020e+00, v5  }
0xbe: {  	v1 =	vld [tilespmem:s0+$0x380]  }
0xbf: {  	v15 =	vld [tilespmem:s2+$0x3BD0];
	(erf) = vpow2.f32 v6  }
0xc0: {  	v17 =	vmul.f32 $2.000000030e-01, v16;
	v5 =	vld [tilespmem:s2+$0x380]  }
0xc1: {  	v8 =	vld [tilespmem:s2+$0x390]  }
0xc2: {  	s10 =	simm.s32 $0x800;
	v17 =	vmax.f32 v16, v17;
	v6 =	vld [tilespmem:s2+$0x3A0];
	v16 =	vpop (erf)  }
.LBB2_7:
0xc3: {  	v17 =	vmul.f32 $1.442695020e+00, v17;
	v18 =	vmul.f32 v13, v16;
	v13 =	vld [tilespmem:s8+$0x3B0];
	[tilespmem:s9+$0x73C0] =	vst v16;
	s11 =	smov.u32 s2;
	s2 =	sshra.s32 s10, $0x2;
	p0 =	sne.s32 s10, $0xDE00  }
.Ltmp2:
0xc4: {  	s10 =	sadd.s32 $0x200, s10;
	v20 =	vmul.f32 v16, v10;
	v21 =	vmul.f32 v16, v12;
	v10 =	vmovc v9;
	v19 =	vadd.f32 v15, v14;
	v14 =	vld [tilespmem:s2+$0x3C0];
	(pc) =	sbr.rel @p0 .LBB2_7-.Ltmp2, $4  }
0xc5: {  	v22 =	vmul.f32 v16, v11;
	v9 =	vmovc v1;
	v12 =	vmovc v7;
	v15 =	vld [tilespmem:s2+$0x3BD0];
	(erf) = vpow2.f32 v17;
	[tilespmem:s9+$0x73B0] =	vst v18;
	v1 =	vmov v5  }
0xc6: {  	v7 =	vmovc v2;
	v11 =	vmovc v3;
	v3 =	vmov v4;
	v5 =	vld [tilespmem:s2+$0x380];
	v18 =	vmul.f32 $2.000000030e-01, v19;
	[tilespmem:s9+$0x7380] =	vst v20;
	v2 =	vmov v8  }
0xc7: {  	v8 =	vld [tilespmem:s2+$0x390];
	[tilespmem:s9+$0x7390] =	vst v21;
	v4 =	vmov v6  }
0xc8: {  	v6 =	vld [tilespmem:s2+$0x3A0];
	v17 =	vmax.f32 v19, v18;
	v16 =	vpop (erf);
	[tilespmem:s9+$0x73A0] =	vst v22;
	s9 =	smov.u32 s8;
	s8 =	smov.u32 s0;
	s0 =	smov.u32 s11  }
0xc9: {  	_ = 	snop  }
0xca: {  	v17 =	vmul.f32 $1.442695020e+00, v17;
	v13 =	vmul.f32 v13, v16;
	v14 =	vadd.f32 v15, v14  }
0xcb: {  	v18 =	vld [tilespmem:s8+$0x3B0];
	v10 =	vmul.f32 v16, v10;
	v12 =	vmul.f32 v16, v12  }
0xcc: {  	(erf) = vpow2.f32 v17;
	[tilespmem:s9+$0x73B0] =	vst v13;
	v13 =	vmul.f32 $2.000000030e-01, v14  }
0xcd: {  	[tilespmem:s9+$0x73C0] =	vst v16  }
0xce: {  	v11 =	vmul.f32 v16, v11;
	[tilespmem:s9+$0x7380] =	vst v10;
	v10 =	vmax.f32 v14, v13  }
0xcf: {  	[tilespmem:s9+$0x7390] =	vst v12;
	v12 =	vpop (erf);
	v10 =	vmul.f32 $1.442695020e+00, v10  }
0xd0: {  	[tilespmem:s9+$0x73A0] =	vst v11;
	v13 =	vmul.f32 v18, v12;
	v9 =	vmul.f32 v12, v9  }
0xd1: {  	v11 =	vld [tilespmem:s0+$0x3B0];
	[tilespmem:s8+$0x73C0] =	vst v12;
	v7 =	vmul.f32 v12, v7;
	(erf) = vpow2.f32 v10  }
0xd2: {  	[tilespmem:s8+$0x73B0] =	vst v13  }
0xd3: {  	v3 =	vmul.f32 v12, v3;
	[tilespmem:s8+$0x7380] =	vst v9  }
0xd4: {  	[tilespmem:s8+$0x7390] =	vst v7  }
0xd5: {  	[tilespmem:s8+$0x73A0] =	vst v3;
	v7 =	vpop (erf)  }
0xd6: {  	v3 =	vld [tilespmem:s2+$0x3B0];
	v9 =	vmul.f32 v11, v7;
	v1 =	vmul.f32 v7, v1  }
0xd7: {  	[tilespmem:s0+$0x73C0] =	vst v7  }
0xd8: {  	v2 =	vmul.f32 v7, v2;
	[tilespmem:s0+$0x73B0] =	vst v9  }
0xd9: {  	v4 =	vmul.f32 v7, v4;
	[tilespmem:s0+$0x7380] =	vst v1  }
0xda: {  	[tilespmem:s0+$0x7390] =	vst v2;
	v1 =	vpop (erf)  }
0xdb: {  	[tilespmem:s0+$0x73A0] =	vst v4;
	v2 =	vmul.f32 v3, v1  }
0xdc: {  	[tilespmem:s2+$0x73C0] =	vst v1;
	v3 =	vmul.f32 v1, v5  }
0xdd: {  	v4 =	vmul.f32 v1, v8;
	[tilespmem:s2+$0x73B0] =	vst v2  }
0xde: {  	v1 =	vmul.f32 v1, v6;
	[tilespmem:s2+$0x7380] =	vst v3  }
0xdf: {  	[tilespmem:s2+$0x7390] =	vst v4  }
0xe0: {  	[tilespmem:s2+$0x73A0] =	vst v1  }
0xe1: {  	[spmem:s1] =	stream.indirect.scatter.add.f32 [tilespmem:s17], [sflag:$0x3], $0x80, s25, s20, $0xb8;
	[tilespmem:$0x1FF80] =	vst v63  }
0xe2: {  	_ =	swait.ge [sflag:s18], $0x3800  }
0xe3: {  	[sflag:s18] =	ssyncset.done $0x0  }
0xe4: {  	[sflag:s18] =	ssyncadd.s32 $0xFFFFC800  }
0xe5: {  	v1 =	vld [tilespmem:$0x260]  }
0xe6: {  	v2 =	vld [tilespmem:$0x270]  }
0xe7: {  	v3 =	vld [tilespmem:$0x280]  }
0xe8: {  	v4 =	vld [tilespmem:$0x290]  }
0xe9: {  	v5 =	vld [tilespmem:$0x2A0]  }
0xea: {  	[tilespmem:$0x300] =	vst v1;
	v1 =	vld [tilespmem:$0x2B0]  }
0xeb: {  	[tilespmem:$0x310] =	vst v2;
	v2 =	vld [tilespmem:$0x2C0]  }
0xec: {  	[tilespmem:$0x320] =	vst v3  }
0xed: {  	[tilespmem:$0x330] =	vst v4  }
0xee: {  	[tilespmem:$0x340] =	vst v5  }
0xef: {  	[tilespmem:$0x350] =	vst v1  }
0xf0: {  	[tilespmem:$0x360] =	vst v2  }
0xf1: {  	[tilespmem:s21], [sflag:$0x1] =	stream.indirect.gather [hbm4b:s4+s20], $0x80, s28, s20, $0xb8;
	[tilespmem:$0x1FF80] =	vst v63  }
0xf2: {  	_ = 	snop  }
0xf3: {  	[tilespmem:s22], [sflag:$0x2] =	stream.indirect.gather [hbm4b:s4+s20], $0x80, s29, s20, $0xb8;
	[tilespmem:$0x1FF80] =	vst v63  }
0xf4: {  	_ =	swait.ge [sflag:s23], $0x3800  }
0xf5: {  	[sflag:s23] =	ssyncset.done $0x0  }
0xf6: {  	[sflag:s23] =	ssyncadd.s32 $0xFFFFC800  }
0xf7: {  	_ =	swait.ge [sflag:s24], $0x3800  }
0xf8: {  	[sflag:s24] =	ssyncset.done $0x0  }
0xf9: {  	s9 =	simm.s32 $0x0;
	[sflag:s24] =	ssyncadd.s32 $0xFFFFC800  }
0xfa: {  	v1 =	vld [tilespmem:s9+$0x3C0]  }
0xfb: {  	v2 =	vld [tilespmem:s9+$0x3BD0];
	_ =	sdelay $0x2  }
0xfc: {  	v10 =	vld [tilespmem:s9+$0x380]  }
0xfd: {  	s8 =	simm.s32 $0x80;
	v12 =	vld [tilespmem:s9+$0x390]  }
0xfe: {  	v4 =	vld [tilespmem:s8+$0x3BD0];
	v1 =	vadd.f32 v2, v1  }
0xff: {  	v2 =	vld [tilespmem:s8+$0x3C0]  }
0x100: {  	v11 =	vld [tilespmem:s9+$0x3A0];
	v3 =	vmul.f32 $2.000000030e-01, v1  }
0x101: {  	s0 =	simm.s32 $0x100;
	v9 =	vld [tilespmem:s8+$0x380]  }
0x102: {  	v5 =	vld [tilespmem:s0+$0x3C0];
	v1 =	vmax.f32 v1, v3  }
0x103: {  	v6 =	vld [tilespmem:s0+$0x3BD0];
	v1 =	vmul.f32 $1.442695020e+00, v1  }
0x104: {  	v7 =	vld [tilespmem:s8+$0x390];
	v8 =	vadd.f32 v4, v2  }
0x105: {  	s2 =	simm.s32 $0x180;
	v13 =	vld [tilespmem:s9+$0x3B0];
	(erf) = vpow2.f32 v1  }
0x106: {  	v14 =	vld [tilespmem:s2+$0x3C0];
	v15 =	vmul.f32 $2.000000030e-01, v8  }
0x107: {  	v3 =	vld [tilespmem:s8+$0x3A0]  }
0x108: {  	v16 =	vadd.f32 v6, v5;
	v2 =	vld [tilespmem:s0+$0x390];
	v5 =	vmax.f32 v8, v15  }
0x109: {  	v4 =	vld [tilespmem:s0+$0x3A0];
	v6 =	vmul.f32 $1.442695020e+00, v5  }
0x10a: {  	v1 =	vld [tilespmem:s0+$0x380]  }
0x10b: {  	v15 =	vld [tilespmem:s2+$0x3BD0];
	(erf) = vpow2.f32 v6  }
0x10c: {  	v17 =	vmul.f32 $2.000000030e-01, v16;
	v5 =	vld [tilespmem:s2+$0x380]  }
0x10d: {  	v8 =	vld [tilespmem:s2+$0x390]  }
0x10e: {  	s10 =	simm.s32 $0x800;
	v17 =	vmax.f32 v16, v17;
	v6 =	vld [tilespmem:s2+$0x3A0];
	v16 =	vpop (erf)  }
.LBB2_9:
0x10f: {  	v17 =	vmul.f32 $1.442695020e+00, v17;
	v18 =	vmul.f32 v13, v16;
	v13 =	vld [tilespmem:s8+$0x3B0];
	[tilespmem:s9+$0x73C0] =	vst v16;
	s11 =	smov.u32 s2;
	s2 =	sshra.s32 s10, $0x2;
	p0 =	sne.s32 s10, $0xDE00  }
.Ltmp3:
0x110: {  	s10 =	sadd.s32 $0x200, s10;
	v20 =	vmul.f32 v16, v10;
	v21 =	vmul.f32 v16, v12;
	v10 =	vmovc v9;
	v19 =	vadd.f32 v15, v14;
	v14 =	vld [tilespmem:s2+$0x3C0];
	(pc) =	sbr.rel @p0 .LBB2_9-.Ltmp3, $4  }
0x111: {  	v22 =	vmul.f32 v16, v11;
	v9 =	vmovc v1;
	v12 =	vmovc v7;
	v15 =	vld [tilespmem:s2+$0x3BD0];
	(erf) = vpow2.f32 v17;
	[tilespmem:s9+$0x73B0] =	vst v18;
	v1 =	vmov v5  }
0x112: {  	v7 =	vmovc v2;
	v11 =	vmovc v3;
	v3 =	vmov v4;
	v5 =	vld [tilespmem:s2+$0x380];
	v18 =	vmul.f32 $2.000000030e-01, v19;
	[tilespmem:s9+$0x7380] =	vst v20;
	v2 =	vmov v8  }
0x113: {  	v8 =	vld [tilespmem:s2+$0x390];
	[tilespmem:s9+$0x7390] =	vst v21;
	v4 =	vmov v6  }
0x114: {  	v6 =	vld [tilespmem:s2+$0x3A0];
	v17 =	vmax.f32 v19, v18;
	v16 =	vpop (erf);
	[tilespmem:s9+$0x73A0] =	vst v22;
	s9 =	smov.u32 s8;
	s8 =	smov.u32 s0;
	s0 =	smov.u32 s11  }
0x115: {  	_ = 	snop  }
0x116: {  	v17 =	vmul.f32 $1.442695020e+00, v17;
	v14 =	vadd.f32 v15, v14  }
0x117: {  	v18 =	vld [tilespmem:s8+$0x3B0];
	v13 =	vmul.f32 v13, v16;
	v10 =	vmul.f32 v16, v10  }
0x118: {  	[tilespmem:s9+$0x73C0] =	vst v16;
	(erf) = vpow2.f32 v17;
	v57 =	vmul.f32 $2.000000030e-01, v14  }
0x119: {  	v12 =	vmul.f32 v16, v12;
	[tilespmem:s9+$0x73B0] =	vst v13  }
0x11a: {  	v11 =	vmul.f32 v16, v11;
	[tilespmem:s9+$0x7380] =	vst v10;
	v58 =	vmax.f32 v14, v57  }
0x11b: {  	[tilespmem:s9+$0x7390] =	vst v12;
	v59 =	vpop (erf);
	v10 =	vmul.f32 $1.442695020e+00, v58  }
0x11c: {  	[tilespmem:s9+$0x73A0] =	vst v11;
	v60 =	vmul.f32 v18, v59  }
0x11d: {  	v11 =	vld [tilespmem:s0+$0x3B0];
	[tilespmem:s8+$0x73C0] =	vst v59;
	v9 =	vmul.f32 v59, v9;
	(erf) = vpow2.f32 v10  }
0x11e: {  	v7 =	vmul.f32 v59, v7;
	[tilespmem:s8+$0x73B0] =	vst v60  }
0x11f: {  	v3 =	vmul.f32 v59, v3;
	[tilespmem:s8+$0x7380] =	vst v9  }
0x120: {  	[tilespmem:s8+$0x7390] =	vst v7  }
0x121: {  	[tilespmem:s8+$0x73A0] =	vst v3;
	v61 =	vpop (erf)  }
0x122: {  	v3 =	vld [tilespmem:s2+$0x3B0];
	v62 =	vmul.f32 v11, v61;
	v1 =	vmul.f32 v61, v1  }
0x123: {  	[tilespmem:s0+$0x73C0] =	vst v61  }
0x124: {  	v2 =	vmul.f32 v61, v2;
	[tilespmem:s0+$0x73B0] =	vst v62  }
0x125: {  	v4 =	vmul.f32 v61, v4;
	[tilespmem:s0+$0x7380] =	vst v1  }
0x126: {  	[tilespmem:s0+$0x7390] =	vst v2;
	v1 =	vpop (erf)  }
0x127: {  	[tilespmem:s0+$0x73A0] =	vst v4;
	v2 =	vmul.f32 v3, v1  }
0x128: {  	[tilespmem:s2+$0x73C0] =	vst v1;
	v3 =	vmul.f32 v1, v5  }
0x129: {  	v63 =	vmul.f32 v1, v8;
	[tilespmem:s2+$0x73B0] =	vst v2  }
0x12a: {  	s31 =	sadd.s32 $0x1, s31;
	v1 =	vmul.f32 v1, v6;
	[tilespmem:s2+$0x7380] =	vst v3  }
0x12b: {  	p0 =	sne.s32 s31, $0x55;
	[tilespmem:s2+$0x7390] =	vst v63  }
.Ltmp4:
0x12c: {  	[tilespmem:s2+$0x73A0] =	vst v1;
	(pc) =	sbr.rel @p0 .LBB2_4-.Ltmp4, $4  }
0x12d: {  	[spmem:s1] =	stream.indirect.scatter.add.f32 [tilespmem:s17], [sflag:$0x3], $0x80, s25, s20, $0xb8;
	[tilespmem:$0x1FF80] =	vst v63  }
0x12e: {  	_ =	swait.ge [sflag:s18], $0x3800  }
0x12f: {  	[sflag:s18] =	ssyncset.done $0x0  }
0x130: {  	[sflag:s18] =	ssyncadd.s32 $0xFFFFC800  }
0x131: {  	s0 =	stileid.u32;
	s3 =	sadd.s32 $0x1, s3  }
0x132: {  	[bflag:$0x0] =	sbarrier.arrive $0xFFFF;
	s0 =	sshll.u32 s0, $0x6;
	p0 =	sne.s32 s3, s16  }
.Ltmp5:
0x133: {  	s2 =	sshrl.u32 s7, $0x3;
	s0 =	sor.u32 $0x1C03, s0;
	(pc) =	sbr.rel @p0 .LBB2_1-.Ltmp5, $4  }
0x134: {  	[hbm:s15], [sflag:s0] =	dma.local [spmem:s2], $0x2A80  }
0x135: {  	_ =	swait.ge [sflag:s18], $0x2A80  }
0x136: {  	[sflag:s18] =	ssyncset.done $0x0  }
0x137: {  	[sflag:s18] =	ssyncadd.s32 $0xFFFFD580  }
0x138: {  	_ =	sfence.sel $0x180000  }
0x139: {  	[bflag:$0x0] =	sbarrier.arrive $0xFFFF  }
0x13a: {  	_ =	strace $0x9000004A  }
0x13b: {  	s0 =	stileid.u32;
	[bflag:$0x2] =	sbarrier.arrive $0xFFFF  }
0x13c: {  	p0 =	sne.s32 s0, $0x0;
	s0 =	rddreg [dreg:$0x2]  }
0x13d: {  	s0 =	sadd.s32 @!p0 $0x100000, s0  }
0x13e: {  	[sflag:s0] =	ssyncadd.tile.s32 @!p0 $0x1;
	_ =	shalt  }
.Lfunc_end2:
_tile_overlayer_lowered:
.L_overlay_start_2:
0x13f: {  	(tag) =	ssettag $0x2  }
0x140: {  	s0 =	rddreg [dreg:$0x0];
	s2 =	stileid.u32  }
0x141: {  	s1 =	rddreg [dreg:$0x1];
	p0 =	sne.s32 s2, $0x0  }
0x142: {  	s3 =	rddreg [dreg:$0x2];
	[bflag:$0x3] =	sbarrier.arrive $0xFFFF;
	s2 =	simm.s32 @!p0 $0x1C03  }
0x143: {  	[timem:s3], [sflag:s2] =	dma.local @!p0 [hbm:s0], s1  }
0x144: {  	s0 =	simm.s32 @!p0 $0x3  }
0x145: {  	_ =	swait.ge @!p0 [sflag:s0], s1  }
0x146: {  	s1 =	ssub.s32 @!p0 $0x0, s1;
	[sflag:s0] =	ssyncset.done @!p0 $0x0  }
0x147: {  	[sflag:s0] =	ssyncadd.s32 @!p0 s1  }
0x148: {  	[bflag:$0x3] =	sbarrier.arrive $0xFFFF  }
0x149: {  	_ =	shalt  }

// kernel: kernel.7.cloned.1.call-start
scs
__scs_entry_jumppad:
0x0: {  	(pc) =	sbr.rel $0x88, $3  }
0x1: {  	(tag) =	ssettag $0x0;
	lr =	simm.s32 $0x1  }
0x2: {  	[smem:$0x3F94] =	sst lr;
	_ =	strace $0xD0000000  }
0x3: {  	_ = 	snop  }
0x4: {  	_ = 	snop  }
0x5: {  	_ = 	snop  }
0x6: {  	_ = 	snop  }
0x7: {  	_ = 	snop  }
__scs_overlays_trampoline_lowered:
0x8: {  	[smem:$0x3FA3] =	sst s0  }
0x9: {  	[smem:$0x3FA4] =	sst s1  }
0xa: {  	[smem:$0x3FA5] =	sst s2  }
0xb: {  	[smem:$0x3FA6] =	sst s3  }
0xc: {  	[smem:$0x3FA7] =	sst s4  }
0xd: {  	[smem:$0x3FA8] =	sst s5  }
0xe: {  	[smem:$0x3FA9] =	sst s6  }
0xf: {  	[smem:$0x3FAA] =	sst s7  }
0x10: {  	[smem:$0x3FAB] =	sst s8  }
0x11: {  	[smem:$0x3FAC] =	sst s9;
	s0 =	simm.s32 @!p0 $0x0  }
0x12: {  	s1 =	sld [smem:$0x3F92];
	s0 =	simm.s32 @p0 $0x1  }
0x13: {  	[smem:$0x3FAD] =	sst s0;
	s0 =	simm.s32 @!p1 $0x0  }
0x14: {  	s2 =	sld [smem:$0x3F91];
	s0 =	simm.s32 @p1 $0x1  }
0x15: {  	[smem:$0x3FAE] =	sst s0;
	s0 =	simm.s32 @!p2 $0x0  }
0x16: {  	s3 =	sld [smem:$0x3FDB];
	s0 =	simm.s32 @p2 $0x1  }
0x17: {  	s4 =	simm.s32 $0x1BF5;
	[smem:$0x3FB0] =	sst s0  }
0x18: {  	s0 =	sld [smem:$0x3F93];
	_ =	swait.ge [sflag:s4], $0x0  }
0x19: {  	s7 =	sld [smem:$0x3F94]  }
0x1a: {  	s8 =	sadd.s32 $0xFFFFE003, lr  }
0x1b: {  	s9 =	sadd.s32 $0xFFFFFEF7, lr;
	s5 =	simm.s32 $0xFFFFFFFF;
	p2 =	slt.u32 s8, $0xFFFFF086  }
0x1c: {  	p1 =	slt.u32 s9, $0xF7A;
	s5 =	simm.s32 @!p2 $0x0  }
0x1d: {  	s5 =	simm.s32 @p1 $0x1;
	p0 =	seq.s32 s7, s2  }
0x1e: {  	s7 =	smul.u32 @!p0 $0xF7A, s2;
	p2 =	seq.s32 @!p0 s5, $0x0  }
0x1f: {  	s9 =	smul.u32 $0xF7A, s1;
	s8 =	simm.s32 @!p0 $0x1BF5;
	p2 =	por !p2, p0  }
0x20: {  	[sflag:s8] =	ssyncset.s32 @!p0 $0xFFFFF086;
	s6 =	sadd.s32 @!p0 s3, s7;
	s7 =	simm.s32 @!p0 $0x108  }
0x21: {  	s3 =	sadd.s32 s3, s9;
	s6 =	sadd.s32 @!p0 $0x88, s6;
	s7 =	simm.s32 @p2 $0x1082  }
0x22: {  	[simem:s7], [sflag:s8] =	dma.local @!p0 [hbm:s6], $0xF7A  }
0x23: {  	s9 =	sor.u32 $0xD0000000, s2;
	s6 =	simm.s32 $0x108;
	_ =	swait.ge @!p0 [sflag:s8], $0x0  }
0x24: {  	s3 =	sadd.s32 $0x88, s3;
	s6 =	simm.s32 @!p1 $0x1082;
	[sflag:s4] =	ssyncset.s32 $0xFFFFF086  }
0x25: {  	[simem:s6], [sflag:s4] =	dma.local [hbm:s3], $0xF7A  }
0x26: {  	[smem:$0x3F94] =	sst s1;
	(tag) =	ssettag s2;
	_ =	strace s9  }
0x27: {  	s1 =	sld [smem:$0x3FA4]  }
0x28: {  	s2 =	sld [smem:$0x3FA5]  }
0x29: {  	s4 =	sld [smem:$0x3FA7]  }
0x2a: {  	p0 =	seq.s32 s5, $0x0;
	s5 =	sld [smem:$0x3FA8]  }
0x2b: {  	s6 =	sld [smem:$0x3FA9]  }
0x2c: {  	s7 =	sld [smem:$0x3FAA]  }
0x2d: {  	s3 =	simm.s32 $0x108;
	s8 =	sld [smem:$0x3FAB]  }
0x2e: {  	s3 =	simm.s32 @!p0 $0x1082;
	s9 =	sld [smem:$0x3FAC]  }
0x2f: {  	lr =	sadd.s32 s0, s3;
	s0 =	sld [smem:$0x3FA3]  }
0x30: {  	s3 =	sld [smem:$0x3FA6]  }
0x31: {  	[smem:$0x3FAF] =	sst s10  }
0x32: {  	s10 =	sld [smem:$0x3FAD];
	_ =	sdelay $0x3  }
0x33: {  	p0 =	seq.s32 s10, $0x1;
	s10 =	sld [smem:$0x3FAF];
	_ =	sdelay $0x3  }
0x34: {  	[smem:$0x3FAF] =	sst s10  }
0x35: {  	s10 =	sld [smem:$0x3FAE];
	_ =	sdelay $0x3  }
0x36: {  	p1 =	seq.s32 s10, $0x1;
	s10 =	sld [smem:$0x3FAF];
	_ =	sdelay $0x3  }
0x37: {  	[smem:$0x3FAF] =	sst s10  }
0x38: {  	s10 =	sld [smem:$0x3FB0]  }
0x39: {  	_ = 	snop;
	(pc) =	sbr.ind lr, $3  }
0x3a: {  	_ = 	snop  }
0x3b: {  	_ = 	snop  }
0x3c: {  	p2 =	seq.s32 s10, $0x1;
	s10 =	sld [smem:$0x3FAF]  }
0x3d: {  	_ =	shalt  }
0x3e: {  	_ =	shalt  }
0x3f: {  	_ =	shalt  }
0x40: {  	_ =	shalt  }
0x41: {  	_ =	shalt  }
0x42: {  	_ =	shalt  }
0x43: {  	_ =	shalt  }
0x44: {  	_ =	shalt  }
0x45: {  	_ =	shalt  }
0x46: {  	_ =	shalt  }
0x47: {  	_ =	shalt  }
0x48: {  	_ =	shalt  }
0x49: {  	_ =	shalt  }
0x4a: {  	_ =	shalt  }
0x4b: {  	_ =	shalt  }
0x4c: {  	_ =	shalt  }
0x4d: {  	_ =	shalt  }
0x4e: {  	_ =	shalt  }
0x4f: {  	_ =	shalt  }
0x50: {  	_ =	shalt  }
0x51: {  	_ =	shalt  }
0x52: {  	_ =	shalt  }
0x53: {  	_ =	shalt  }
0x54: {  	_ =	shalt  }
0x55: {  	_ =	shalt  }
0x56: {  	_ =	shalt  }
0x57: {  	_ =	shalt  }
0x58: {  	_ =	shalt  }
0x59: {  	_ =	shalt  }
0x5a: {  	_ =	shalt  }
0x5b: {  	_ =	shalt  }
0x5c: {  	_ =	shalt  }
0x5d: {  	_ =	shalt  }
0x5e: {  	_ =	shalt  }
0x5f: {  	_ =	shalt  }
0x60: {  	_ =	shalt  }
0x61: {  	_ =	shalt  }
0x62: {  	_ =	shalt  }
0x63: {  	_ =	shalt  }
0x64: {  	_ =	shalt  }
0x65: {  	_ =	shalt  }
0x66: {  	_ =	shalt  }
0x67: {  	_ =	shalt  }
0x68: {  	_ =	shalt  }
0x69: {  	_ =	shalt  }
0x6a: {  	_ =	shalt  }
0x6b: {  	_ =	shalt  }
0x6c: {  	_ =	shalt  }
0x6d: {  	_ =	shalt  }
0x6e: {  	_ =	shalt  }
0x6f: {  	_ =	shalt  }
0x70: {  	_ =	shalt  }
0x71: {  	_ =	shalt  }
0x72: {  	_ =	shalt  }
0x73: {  	_ =	shalt  }
0x74: {  	_ =	shalt  }
0x75: {  	_ =	shalt  }
0x76: {  	_ =	shalt  }
0x77: {  	_ =	shalt  }
0x78: {  	_ =	shalt  }
0x79: {  	_ =	shalt  }
0x7a: {  	_ =	shalt  }
0x7b: {  	_ =	shalt  }
0x7c: {  	_ =	shalt  }
0x7d: {  	_ =	shalt  }
0x7e: {  	_ =	shalt  }
0x7f: {  	_ =	shalt  }
0x80: {  	_ =	shalt  }
0x81: {  	_ =	shalt  }
0x82: {  	_ =	shalt  }
0x83: {  	_ =	shalt  }
0x84: {  	_ =	shalt  }
0x85: {  	_ =	shalt  }
0x86: {  	_ =	shalt  }
0x87: {  	_ =	shalt  }
.Lfunc_end0:
.L_simem_size_0:
called_computation_lowered:
.L_overlay_start_0:
0x88: {  	s2 =	sld [smem:$0x3FD9]  }
0x89: {  	s3 =	sld [smem:$0x3FFE];
	_ =	sdelay $0x1  }
0x8a: {  	s1 =	srdreg.scid  }
0x8b: {  	s0 =	sand.u32 $0x1, s1  }
0x8c: {  	s16 =	sshll.u32 s0, $0xA;
	s2 =	sadd.s32 s3, s2  }
0x8d: {  	s2 =	sadd.s32 s2, s16  }
0x8e: {  	[smem:$0x3FBB] =	sst s2  }
0x8f: {  	_ = 	snop  }
0x90: {  	(tm) =	ssettm $0x1  }
0x91: {  	s17 =	sld [smem:$0x3FFB];
	_ =	sdelay $0x3  }
0x92: {  	_ =	strace s17  }
0x93: {  	s2 =	sld [smem:$0x3FFC];
	_ =	sdelay $0x3  }
0x94: {  	_ =	strace s2  }
0x95: {  	s2 =	sld [smem:$0x3FFD];
	_ =	sdelay $0x3  }
0x96: {  	_ =	strace s2  }
0x97: {  	_ =	strace $0x8FFFFFFF  }
0x98: {  	s18 =	sld [smem:$0x3FDB];
	_ =	sdelay $0x1  }
0x99: {  	s19 =	simm.s32 $_scs_section_size  }
0x9a: {  	s4 =	simm.s32 $_size__tile_overlayer_lowered;
	s5 =	simm.s32 $_tile_overlayer_lowered  }
0x9b: {  	s22 =	simm.s32 $0x1BFF;
	s21 =	sshll.u32 s5, $0x1;
	s2 =	sadd.s32 s19, s18  }
0x9c: {  	s6 =	simm.s32 $0x0;
	s20 =	sshll.u32 s4, $0x1;
	s4 =	sadd.s32 s21, s2  }
0x9d: {  	[timem:s6], [sflag:s22] =	dma.local [hbm:s4], s20  }
0x9e: {  	_ =	swait.ge [sflag:s22], s20  }
0x9f: {  	s3 =	ssub.s32 $0x0, s20;
	[sflag:s22] =	ssyncset.done $0x0  }
0xa0: {  	[sflag:s22] =	ssyncadd.s32 s3;
	_ =	sdelay $0x1  }
0xa1: {  	s23 =	simm.s32 $0x1B8B  }
0xa2: {  	_ =	swait.ge [sflag:s23], $0x1  }
0xa3: {  	[sflag:s23] =	ssyncset.done $0x0  }
0xa4: {  	s25 =	simm.s32 $0x1B8E;
	s24 =	sld [smem:$0x3FFE];
	[sflag:s23] =	ssyncadd.s32 $0xFFFFFFFF  }
0xa5: {  	s26 =	simm.s32 $execute0_lowered;
	[smem:$0x3FD2] =	sst s25  }
0xa6: {  	s4 =	sshll.u32 s26, $0x1;
	_ =	strace $0x80000046;
	[dreg:$0x1] =	wrdreg $0xFFFFFFFF  }
0xa7: {  	s28 =	simm.s32 $_size_execute0_lowered;
	s2 =	sadd.s32 s2, s4;
	[dreg:$0x0] =	wrdreg $0x0  }
0xa8: {  	s4 =	sshll.u32 s28, $0x1;
	[dreg:$0x2] =	wrdreg s2  }
0xa9: {  	[dreg:$0x3] =	wrdreg s4  }
0xaa: {  	[dreg:$0x4] =	wrdreg $0xC0  }
0xab: {  	_ =	task [dreg:s6], $0x5FFFF  }
0xac: {  	[dreg:$0x1] =	wrdreg $0xFFFFFFFF  }
0xad: {  	[dreg:$0x0] =	wrdreg $0x60  }
0xae: {  	[dreg:$0x2] =	wrdreg s24  }
0xaf: {  	[dreg:$0x3] =	wrdreg $0xAB800  }
0xb0: {  	[dreg:$0x4] =	wrdreg $0x9  }
0xb1: {  	_ =	task.clear_ibuf [dreg:s6], $0x5FFFF;
	_ =	strace $0x90000046  }
0xb2: {  	s29 =	simm.s32 $0x9;
	_ =	strace $0x80000048  }
0xb3: {  	_ =	swait.ge [sflag:s29], $0x1  }
0xb4: {  	[sflag:s29] =	ssyncadd.s32 $0xFFFFFFFF  }
0xb5: {  	_ =	strace $0x90000048  }
0xb6: {  	_ =	sfence  }
0xb7: {  	s30 =	sld [smem:$0x0];
	_ =	sdelay $0x2  }
0xb8: {  	s31 =	sshll.u32 s1, $0xD;
	s1 =	sshrl.u32 s1, $0x2  }
0xb9: {  	s3 =	sand.u32 $0x4000, s31;
	s1 =	sadd.s32 s1, s30  }
0xba: {  	s0 =	sor.u32 s3, s0;
	s1 =	sshll.u32 s1, $0x11  }
0xbb: {  	s0 =	sor.u32 s1, s0  }
0xbc: {  	s0 =	sadd.s32 $0x8F2B, s0  }
0xbd: {  	[sflag:s0] =	ssyncadd.remote.s32 $0x1  }
0xbe: {  	_ =	sfence.sel $0xFFFF  }
0xbf: {  	[dreg:$0x0] =	wrdreg $0xFFFFFFFF;
	(pc) =	sbr.abs _section_cstart, $3  }
0xc0: {  	[dreg:$0x1] =	wrdreg $0xFFFFFFFF  }
0xc1: {  	_ =	task.clear_ibuf [dreg:s6], $0x2FFFF;
	_ =	strace $0x9FFFFFFF  }
0xc2: {  	(tm) =	ssettm $0x7FFFFFFF  }
0xc3: {  	_ =	shalt  }
tec
execute0_lowered:
.L_overlay_start_1:
0x0: {  	(tag) =	ssettag $0x1  }
0x1: {  	s0 =	rddreg [dreg:$0x0]  }
0x2: {  	s1 =	rddreg [dreg:$0x1];
	s2 =	srdreg.scid;
	s3 =	simm.s32 $0x0  }
0x3: {  	s14 =	stileid.u32;
	s17 =	simm.s32 $0x7380;
	s18 =	simm.s32 $0x3  }
0x4: {  	s19 =	simm.s32 $0x180;
	s20 =	simm.s32 $0x70;
	s21 =	simm.s32 $0x380  }
0x5: {  	s22 =	simm.s32 $0x3B80;
	s23 =	simm.s32 $0x1;
	s24 =	simm.s32 $0x2  }
0x6: {  	s28 =	simm.s32 $0xE0;
	s29 =	simm.s32 $0x260;
	s30 =	simm.s32 $0x0  }
0x7: {  	s2 =	sand.u32 $0x1, s2;
	[smem:$0x7FF] =	sst s3;
	s8 =	smul.u32 $0x15400, s14  }
0x8: {  	s4 =	sadd.s32 $0x3AA00, s0;
	s9 =	smul.u32 $0x55000, s14;
	s5 =	sadd.s32 $0x1EA00, s0  }
0x9: {  	s6 =	sadd.s32 $0x2A00, s0;
	s7 =	smul.u32 $0x154000, s2;
	_ =	strace $0x80000047  }
0xa: {  	s25 =	ssub.s32 $0x2, s2;
	s2 =	sshll.u32 s2, $0x4;
	s9 =	sshrl.u32 s9, $0x2  }
0xb: {  	s10 =	sshrl.u32 s25, $0x1;
	s2 =	sor.u32 s14, s2;
	s7 =	sadd.s32 s8, s7  }
0xc: {  	s8 =	ssub.s32 s25, s10;
	s14 =	smul.u32 $0x6F90, s2;
	s7 =	sshrl.u32 s7, $0x3  }
0xd: {  	s25 =	simm.s32 $0x300;
	s0 =	sadd.s32 s7, s0;
	s7 =	sadd.s32 s9, s1  }
0xe: {  	s16 =	smax.u32 s8, $0x1;
	s9 =	sadd.s32 $0x3800, s7;
	s26 =	sadd.s32 $0x7000, s7  }
0xf: {  	s31 =	sadd.s32 $0xA800, s7;
	s11 =	sadd.s32 $0xE000, s7;
	[dreg:$0x3] =	wrdreg s9  }
0x10: {  	s12 =	sadd.s32 $0x11800, s7;
	s13 =	sadd.s32 $0x15000, s7;
	[dreg:$0x4] =	wrdreg s26  }
0x11: {  	v0 =	vimm.f32 $0.0e+00;
	s15 =	sadd.s32 $0x65200, s0;
	[dreg:$0x5] =	wrdreg s31;
	s26 =	simm.s32 $0x1F0  }
.LBB2_1:
0x12: {  	s0 =	simm.s32 $0x0;
	s2 =	simm.s32 $0x200  }
.LBB2_2:
0x13: {  	p0 =	sne.s32 s2, $0xDE00;
	[tilespmem:s0+$0x73F0] =	vst v0  }
0x14: {  	[tilespmem:s0+$0x7380] =	vst v0  }
0x15: {  	[tilespmem:s0+$0x7390] =	vst v0  }
.Ltmp0:
0x16: {  	[tilespmem:s0+$0x73A0] =	vst v0;
	(pc) =	sbr.rel @p0 .LBB2_2-.Ltmp0, $4  }
0x17: {  	[tilespmem:s0+$0x73B0] =	vst v0  }
0x18: {  	[tilespmem:s0+$0x73C0] =	vst v0  }
0x19: {  	[tilespmem:s0+$0x73D0] =	vst v0  }
0x1a: {  	[tilespmem:s0+$0x73E0] =	vst v0;
	s0 =	sshra.s32 s2, $0x2;
	s2 =	sadd.s32 $0x200, s2  }
0x1b: {  	[tilespmem:s0+$0x73F0] =	vst v0  }
0x1c: {  	[tilespmem:s0+$0x7380] =	vst v0  }
0x1d: {  	[tilespmem:s0+$0x7390] =	vst v0  }
0x1e: {  	[tilespmem:s0+$0x73A0] =	vst v0  }
0x1f: {  	[tilespmem:s0+$0x73B0] =	vst v0  }
0x20: {  	[tilespmem:s0+$0x73C0] =	vst v0  }
0x21: {  	[tilespmem:s0+$0x73D0] =	vst v0  }
0x22: {  	[tilespmem:s0+$0x73E0] =	vst v0  }
0x23: {  	[spmem:s7] =	stream.linear.scatter [tilespmem:s17], [sflag:$0x3], $0x3800, $0x38;
	[tilespmem:$0x1FF80] =	vst v63  }
0x24: {  	_ =	swait.ge [sflag:s18], $0x3800  }
0x25: {  	[sflag:s18] =	ssyncset.done $0x0  }
0x26: {  	s8 =	rddreg [dreg:$0x3];
	[sflag:s18] =	ssyncadd.s32 $0xFFFFC800  }
0x27: {  	[spmem:s8] =	stream.linear.scatter [tilespmem:s17], [sflag:$0x3], $0x3800, $0x38;
	[tilespmem:$0x1FF80] =	vst v63  }
0x28: {  	_ =	swait.ge [sflag:s18], $0x3800  }
0x29: {  	[sflag:s18] =	ssyncset.done $0x0  }
0x2a: {  	s9 =	rddreg [dreg:$0x4];
	[sflag:s18] =	ssyncadd.s32 $0xFFFFC800  }
0x2b: {  	[spmem:s9] =	stream.linear.scatter [tilespmem:s17], [sflag:$0x3], $0x3800, $0x38;
	[tilespmem:$0x1FF80] =	vst v63  }
0x2c: {  	_ =	swait.ge [sflag:s18], $0x3800  }
0x2d: {  	[sflag:s18] =	ssyncset.done $0x0  }
0x2e: {  	s10 =	rddreg [dreg:$0x5];
	[sflag:s18] =	ssyncadd.s32 $0xFFFFC800  }
0x2f: {  	[spmem:s10] =	stream.linear.scatter [tilespmem:s17], [sflag:$0x3], $0x3800, $0x38;
	[tilespmem:$0x1FF80] =	vst v63  }
0x30: {  	_ =	swait.ge [sflag:s18], $0x3800  }
0x31: {  	[sflag:s18] =	ssyncset.done $0x0  }
0x32: {  	[sflag:s18] =	ssyncadd.s32 $0xFFFFC800  }
0x33: {  	[spmem:s11] =	stream.linear.scatter [tilespmem:s17], [sflag:$0x3], $0x3800, $0x38;
	[tilespmem:$0x1FF80] =	vst v63  }
0x34: {  	_ =	swait.ge [sflag:s18], $0x3800  }
0x35: {  	[sflag:s18] =	ssyncset.done $0x0  }
0x36: {  	[sflag:s18] =	ssyncadd.s32 $0xFFFFC800  }
0x37: {  	[spmem:s12] =	stream.linear.scatter [tilespmem:s17], [sflag:$0x3], $0x3800, $0x38;
	[tilespmem:$0x1FF80] =	vst v63  }
0x38: {  	_ =	swait.ge [sflag:s18], $0x3800  }
0x39: {  	[sflag:s18] =	ssyncset.done $0x0  }
0x3a: {  	[sflag:s18] =	ssyncadd.s32 $0xFFFFC800  }
0x3b: {  	[spmem:s13] =	stream.linear.scatter [tilespmem:s17], [sflag:$0x3], $0x400, $0x38;
	[tilespmem:$0x1FF80] =	vst v63  }
0x3c: {  	_ =	swait.ge [sflag:s18], $0x400  }
0x3d: {  	[sflag:s18] =	ssyncset.done $0x0  }
0x3e: {  	[sflag:s18] =	ssyncadd.s32 $0xFFFFFC00  }
0x3f: {  	s31 =	simm.s32 $0x0;
	[bflag:$0x0] =	sbarrier.arrive $0xFFFF  }
.LBB2_4:
0x40: {  	s0 =	smul.u32 $0x150, s31;
	_ =	sdelay $0x1  }
0x41: {  	s0 =	sadd.s32 s14, s0  }
0x42: {  	s0 =	sshrl.u32 s0, $0x3  }
0x43: {  	s2 =	sadd.s32 s5, s0  }
0x44: {  	[tilespmem:s30], [sflag:$0x3] =	stream.linear.gather [hbm4b:s2+s30], $0x150, $0x38;
	[tilespmem:$0x1FF80] =	vst v63  }
0x45: {  	_ =	swait.ge [sflag:s18], $0x150  }
0x46: {  	[sflag:s18] =	ssyncset.done $0x0  }
0x47: {  	s0 =	sadd.s32 s6, s0;
	[sflag:s18] =	ssyncadd.s32 $0xFFFFFEB0  }
0x48: {  	[tilespmem:s19], [sflag:$0x3] =	stream.linear.gather [hbm4b:s0+s30], $0x150, $0x38;
	[tilespmem:$0x1FF80] =	vst v63  }
0x49: {  	_ =	swait.ge [sflag:s18], $0x150  }
0x4a: {  	[sflag:s18] =	ssyncset.done $0x0  }
0x4b: {  	[sflag:s18] =	ssyncadd.s32 $0xFFFFFEB0  }
0x4c: {  	v1 =	vld [tilespmem:$0x180]  }
0x4d: {  	v2 =	vld [tilespmem:$0x190]  }
0x4e: {  	v3 =	vld [tilespmem:$0x1A0]  }
0x4f: {  	v4 =	vld [tilespmem:$0x1B0]  }
0x50: {  	v5 =	vld [tilespmem:$0x1C0]  }
0x51: {  	[tilespmem:$0x300] =	vst v1;
	v1 =	vld [tilespmem:$0x1D0]  }
0x52: {  	[tilespmem:$0x310] =	vst v2;
	v2 =	vld [tilespmem:$0x1E0]  }
0x53: {  	[tilespmem:$0x320] =	vst v3  }
0x54: {  	[tilespmem:$0x330] =	vst v4  }
0x55: {  	[tilespmem:$0x340] =	vst v5  }
0x56: {  	[tilespmem:$0x350] =	vst v1  }
0x57: {  	[tilespmem:$0x360] =	vst v2  }
0x58: {  	[tilespmem:s21], [sflag:$0x1] =	stream.indirect.gather [hbm4b:s4+s20], $0x80, s30, s20, $0xb8;
	[tilespmem:$0x1FF80] =	vst v63  }
0x59: {  	_ = 	snop  }
0x5a: {  	[tilespmem:s22], [sflag:$0x2] =	stream.indirect.gather [hbm4b:s4+s20], $0x80, s19, s20, $0xb8;
	[tilespmem:$0x1FF80] =	vst v63  }
0x5b: {  	_ =	swait.ge [sflag:s23], $0x3800  }
0x5c: {  	[sflag:s23] =	ssyncset.done $0x0  }
0x5d: {  	[sflag:s23] =	ssyncadd.s32 $0xFFFFC800  }
0x5e: {  	_ =	swait.ge [sflag:s24], $0x3800  }
0x5f: {  	[sflag:s24] =	ssyncset.done $0x0  }
0x60: {  	s9 =	simm.s32 $0x0;
	[sflag:s24] =	ssyncadd.s32 $0xFFFFC800  }
0x61: {  	v1 =	vld [tilespmem:s9+$0x3D0]  }
0x62: {  	v2 =	vld [tilespmem:s9+$0x3BF0];
	_ =	sdelay $0x1  }
0x63: {  	v3 =	vld [tilespmem:s9+$0x3C0]  }
0x64: {  	s2 =	simm.s32 $0x80;
	v5 =	vld [tilespmem:s9+$0x3BE0]  }
0x65: {  	v6 =	vld [tilespmem:s2+$0x3D0]  }
0x66: {  	v9 =	vld [tilespmem:s2+$0x3BF0];
	v1 =	vadd.f32 v2, v1;
	_ =	sdelay $0x1  }
0x67: {  	v7 =	vld [tilespmem:s9+$0x380];
	v2 =	vmul.f32 $2.000000030e-01, v1  }
0x68: {  	v11 =	vld [tilespmem:s9+$0x390];
	v3 =	vadd.f32 v5, v3  }
0x69: {  	v10 =	vld [tilespmem:s2+$0x3C0];
	v1 =	vmax.f32 v1, v2  }
0x6a: {  	v12 =	vld [tilespmem:s2+$0x3BE0];
	v5 =	vadd.f32 v9, v6;
	v9 =	vmul.f32 $2.000000030e-01, v3;
	v2 =	vmul.f32 $1.442695020e+00, v1  }
0x6b: {  	v8 =	vld [tilespmem:s9+$0x3A0]  }
0x6c: {  	s0 =	simm.s32 $0x100;
	v4 =	vld [tilespmem:s2+$0x390];
	v3 =	vmax.f32 v3, v9;
	(erf) = vpow2.f32 v2  }
0x6d: {  	v13 =	vld [tilespmem:s0+$0x3BF0];
	v16 =	vmul.f32 $1.442695020e+00, v3  }
0x6e: {  	v15 =	vld [tilespmem:s9+$0x3B0]  }
0x6f: {  	v6 =	vld [tilespmem:s0+$0x3D0];
	v12 =	vadd.f32 v12, v10;
	v14 =	vmul.f32 $2.000000030e-01, v5;
	(erf) = vpow2.f32 v16  }
0x70: {  	v10 =	vld [tilespmem:s0+$0x3BE0]  }
0x71: {  	v9 =	vld [tilespmem:s0+$0x3C0];
	v3 =	vmax.f32 v5, v14;
	v5 =	vmul.f32 $2.000000030e-01, v12  }
0x72: {  	v1 =	vld [tilespmem:s2+$0x380];
	v14 =	vmul.f32 $1.442695020e+00, v3  }
0x73: {  	v3 =	vld [tilespmem:s0+$0x380];
	v16 =	vmax.f32 v12, v5  }
0x74: {  	v2 =	vld [tilespmem:s2+$0x3A0];
	(erf) = vpow2.f32 v14;
	v16 =	vmul.f32 $1.442695020e+00, v16  }
0x75: {  	v5 =	vld [tilespmem:s0+$0x390];
	v12 =	vadd.f32 v13, v6;
	v17 =	vpop (erf)  }
0x76: {  	s8 =	simm.s32 $0x180;
	v6 =	vld [tilespmem:s0+$0x3A0];
	(erf) = vpow2.f32 v16;
	v14 =	vmul.f32 v15, v17;
	[tilespmem:s9+$0x73D0] =	vst v17  }
0x77: {  	s10 =	simm.s32 $0x800;
	v13 =	vmul.f32 v17, v11;
	v15 =	vmul.f32 $2.000000030e-01, v12;
	v11 =	vld [tilespmem:s8+$0x3D0]  }
.LBB2_5:
0x78: {  	p0 =	sne.s32 s10, $0xDE00;
	v16 =	vld [tilespmem:s8+$0x3BF0];
	v17 =	vadd.f32 v10, v9;
	[tilespmem:s9+$0x73B0] =	vst v14;
	v10 =	vpop (erf)  }
0x79: {  	v12 =	vmax.f32 v12, v15;
	v14 =	vld [tilespmem:s2+$0x3B0];
	v15 =	vmul.f32 v10, v7;
	[tilespmem:s9+$0x7390] =	vst v13;
	v13 =	vmul.f32 v8, v10  }
0x7a: {  	v7 =	vmovc v1;
	v1 =	vmovc v3;
	v9 =	vld [tilespmem:s8+$0x3C0];
	v18 =	vmul.f32 $2.000000030e-01, v17;
	v12 =	vmul.f32 $1.442695020e+00, v12;
	[tilespmem:s9+$0x73C0] =	vst v10;
	v19 =	vmov v5  }
.Ltmp1:
0x7b: {  	v8 =	vmov v2;
	v10 =	vld [tilespmem:s8+$0x3BE0];
	[tilespmem:s9+$0x7380] =	vst v15;
	v2 =	vmov v6;
	(pc) =	sbr.rel @p0 .LBB2_5-.Ltmp1, $4  }
0x7c: {  	v3 =	vld [tilespmem:s8+$0x380];
	v6 =	vmax.f32 v17, v18;
	(erf) = vpow2.f32 v12;
	[tilespmem:s9+$0x73A0] =	vst v13;
	s9 =	smov.u32 s2;
	s2 =	smov.u32 s0;
	s0 =	smov.u32 s8  }
0x7d: {  	v12 =	vadd.f32 v16, v11;
	v5 =	vld [tilespmem:s0+$0x390];
	v16 =	vmul.f32 $1.442695020e+00, v6;
	v11 =	vpop (erf)  }
0x7e: {  	s8 =	sshra.s32 s10, $0x2;
	v6 =	vld [tilespmem:s0+$0x3A0];
	v13 =	vmul.f32 v11, v4;
	v14 =	vmul.f32 v14, v11;
	[tilespmem:s9+$0x73D0] =	vst v11;
	v4 =	vmov v19  }
0x7f: {  	s10 =	sadd.s32 $0x200, s10;
	v11 =	vld [tilespmem:s8+$0x3D0];
	v15 =	vmul.f32 $2.000000030e-01, v12;
	(erf) = vpow2.f32 v16  }
0x80: {  	v16 =	vld [tilespmem:s8+$0x3BF0];
	[tilespmem:s9+$0x73B0] =	vst v14  }
0x81: {  	v14 =	vld [tilespmem:s2+$0x3B0];
	[tilespmem:s9+$0x7390] =	vst v13;
	v13 =	vpop (erf)  }
0x82: {  	v9 =	vadd.f32 v10, v9;
	v17 =	vld [tilespmem:s8+$0x3C0];
	[tilespmem:s9+$0x73C0] =	vst v13  }
0x83: {  	v12 =	vmax.f32 v12, v15;
	v7 =	vmul.f32 v13, v7;
	v15 =	vld [tilespmem:s8+$0x3BE0]  }
0x84: {  	v10 =	vmul.f32 $1.442695020e+00, v12;
	v12 =	vmul.f32 $2.000000030e-01, v9  }
0x85: {  	v8 =	vmul.f32 v8, v13  }
0x86: {  	[tilespmem:s9+$0x7380] =	vst v7;
	(erf) = vpow2.f32 v10;
	v9 =	vmax.f32 v9, v12  }
0x87: {  	v7 =	vld [tilespmem:s8+$0x380];
	[tilespmem:s9+$0x73A0] =	vst v8;
	v8 =	vadd.f32 v16, v11;
	v11 =	vpop (erf);
	v9 =	vmul.f32 $1.442695020e+00, v9  }
0x88: {  	v10 =	vld [tilespmem:s8+$0x390];
	v13 =	vmul.f32 v14, v11;
	v15 =	vadd.f32 v15, v17  }
0x89: {  	v12 =	vld [tilespmem:s8+$0x3A0];
	[tilespmem:s2+$0x73D0] =	vst v11;
	v14 =	vmul.f32 $2.000000030e-01, v8;
	(erf) = vpow2.f32 v9  }
0x8a: {  	v4 =	vmul.f32 v11, v4;
	[tilespmem:s2+$0x73B0] =	vst v13;
	v13 =	vmul.f32 $2.000000030e-01, v15  }
0x8b: {  	v8 =	vmax.f32 v8, v14;
	v9 =	vld [tilespmem:s0+$0x3B0]  }
0x8c: {  	v11 =	vpop (erf);
	[tilespmem:s2+$0x7390] =	vst v4;
	v8 =	vmul.f32 $1.442695020e+00, v8;
	v4 =	vmax.f32 v15, v13  }
0x8d: {  	v1 =	vmul.f32 v11, v1  }
0x8e: {  	v2 =	vmul.f32 v2, v11;
	[tilespmem:s2+$0x73C0] =	vst v11;
	(erf) = vpow2.f32 v8  }
0x8f: {  	[tilespmem:s2+$0x7380] =	vst v1;
	v1 =	vmul.f32 $1.442695020e+00, v4;
	v4 =	vpop (erf)  }
0x90: {  	[tilespmem:s2+$0x73A0] =	vst v2;
	v2 =	vmul.f32 v9, v4  }
0x91: {  	[tilespmem:s0+$0x73D0] =	vst v4  }
0x92: {  	(erf) = vpow2.f32 v1;
	v1 =	vmul.f32 v4, v5;
	v4 =	vpop (erf);
	[tilespmem:s0+$0x73B0] =	vst v2  }
0x93: {  	v3 =	vmul.f32 v4, v3;
	v2 =	vld [tilespmem:s8+$0x3B0];
	_ =	sdelay $0x2  }
0x94: {  	[tilespmem:s0+$0x7390] =	vst v1;
	v1 =	vmul.f32 v6, v4  }
0x95: {  	[tilespmem:s0+$0x7380] =	vst v3;
	v3 =	vpop (erf)  }
0x96: {  	[tilespmem:s0+$0x73A0] =	vst v1;
	v1 =	vmul.f32 v2, v3;
	_ =	sdelay $0x1  }
0x97: {  	[tilespmem:s0+$0x73C0] =	vst v4  }
0x98: {  	[tilespmem:s8+$0x73D0] =	vst v3;
	v2 =	vmul.f32 v3, v10  }
0x99: {  	[tilespmem:s8+$0x73B0] =	vst v1;
	v1 =	vpop (erf)  }
0x9a: {  	[tilespmem:s8+$0x7390] =	vst v2;
	v3 =	vmul.f32 v1, v7  }
0x9b: {  	v2 =	vmul.f32 v12, v1;
	[tilespmem:s8+$0x73C0] =	vst v1  }
0x9c: {  	[tilespmem:s8+$0x7380] =	vst v3  }
0x9d: {  	[tilespmem:s8+$0x73A0] =	vst v2  }
0x9e: {  	[spmem:s1] =	stream.indirect.scatter.add.f32 [tilespmem:s17], [sflag:$0x3], $0x80, s25, s20, $0xb8;
	[tilespmem:$0x1FF80] =	vst v63  }
0x9f: {  	_ =	swait.ge [sflag:s18], $0x3800  }
0xa0: {  	[sflag:s18] =	ssyncset.done $0x0  }
0xa1: {  	[sflag:s18] =	ssyncadd.s32 $0xFFFFC800  }
0xa2: {  	v1 =	vld [tilespmem:$0x1F0]  }
0xa3: {  	v2 =	vld [tilespmem:$0x200]  }
0xa4: {  	v3 =	vld [tilespmem:$0x210]  }
0xa5: {  	v4 =	vld [tilespmem:$0x220]  }
0xa6: {  	v5 =	vld [tilespmem:$0x230]  }
0xa7: {  	[tilespmem:$0x300] =	vst v1;
	v1 =	vld [tilespmem:$0x240]  }
0xa8: {  	[tilespmem:$0x310] =	vst v2;
	v2 =	vld [tilespmem:$0x250]  }
0xa9: {  	[tilespmem:$0x320] =	vst v3  }
0xaa: {  	[tilespmem:$0x330] =	vst v4  }
0xab: {  	[tilespmem:$0x340] =	vst v5  }
0xac: {  	[tilespmem:$0x350] =	vst v1  }
0xad: {  	[tilespmem:$0x360] =	vst v2  }
0xae: {  	[tilespmem:s21], [sflag:$0x1] =	stream.indirect.gather [hbm4b:s4+s20], $0x80, s20, s20, $0xb8;
	[tilespmem:$0x1FF80] =	vst v63  }
0xaf: {  	_ = 	snop  }
0xb0: {  	[tilespmem:s22], [sflag:$0x2] =	stream.indirect.gather [hbm4b:s4+s20], $0x80, s26, s20, $0xb8;
	[tilespmem:$0x1FF80] =	vst v63  }
0xb1: {  	_ =	swait.ge [sflag:s23], $0x3800  }
0xb2: {  	[sflag:s23] =	ssyncset.done $0x0  }
0xb3: {  	[sflag:s23] =	ssyncadd.s32 $0xFFFFC800  }
0xb4: {  	_ =	swait.ge [sflag:s24], $0x3800  }
0xb5: {  	[sflag:s24] =	ssyncset.done $0x0  }
0xb6: {  	s9 =	simm.s32 $0x0;
	[sflag:s24] =	ssyncadd.s32 $0xFFFFC800  }
0xb7: {  	v1 =	vld [tilespmem:s9+$0x3D0]  }
0xb8: {  	v2 =	vld [tilespmem:s9+$0x3BF0];
	_ =	sdelay $0x1  }
0xb9: {  	v3 =	vld [tilespmem:s9+$0x3C0]  }
0xba: {  	s2 =	simm.s32 $0x80;
	v5 =	vld [tilespmem:s9+$0x3BE0]  }
0xbb: {  	v6 =	vld [tilespmem:s2+$0x3D0]  }
0xbc: {  	v9 =	vld [tilespmem:s2+$0x3BF0];
	v1 =	vadd.f32 v2, v1;
	_ =	sdelay $0x1  }
0xbd: {  	v7 =	vld [tilespmem:s9+$0x380];
	v2 =	vmul.f32 $2.000000030e-01, v1  }
0xbe: {  	v11 =	vld [tilespmem:s9+$0x390];
	v3 =	vadd.f32 v5, v3  }
0xbf: {  	v10 =	vld [tilespmem:s2+$0x3C0];
	v1 =	vmax.f32 v1, v2  }
0xc0: {  	v12 =	vld [tilespmem:s2+$0x3BE0];
	v5 =	vadd.f32 v9, v6;
	v9 =	vmul.f32 $2.000000030e-01, v3;
	v2 =	vmul.f32 $1.442695020e+00, v1  }
0xc1: {  	v8 =	vld [tilespmem:s9+$0x3A0]  }
0xc2: {  	s0 =	simm.s32 $0x100;
	v4 =	vld [tilespmem:s2+$0x390];
	v3 =	vmax.f32 v3, v9;
	(erf) = vpow2.f32 v2  }
0xc3: {  	v13 =	vld [tilespmem:s0+$0x3BF0];
	v16 =	vmul.f32 $1.442695020e+00, v3  }
0xc4: {  	v15 =	vld [tilespmem:s9+$0x3B0]  }
0xc5: {  	v6 =	vld [tilespmem:s0+$0x3D0];
	v12 =	vadd.f32 v12, v10;
	v14 =	vmul.f32 $2.000000030e-01, v5;
	(erf) = vpow2.f32 v16  }
0xc6: {  	v10 =	vld [tilespmem:s0+$0x3BE0]  }
0xc7: {  	v9 =	vld [tilespmem:s0+$0x3C0];
	v3 =	vmax.f32 v5, v14;
	v5 =	vmul.f32 $2.000000030e-01, v12  }
0xc8: {  	v1 =	vld [tilespmem:s2+$0x380];
	v14 =	vmul.f32 $1.442695020e+00, v3  }
0xc9: {  	v3 =	vld [tilespmem:s0+$0x380];
	v16 =	vmax.f32 v12, v5  }
0xca: {  	v2 =	vld [tilespmem:s2+$0x3A0];
	(erf) = vpow2.f32 v14;
	v16 =	vmul.f32 $1.442695020e+00, v16  }
0xcb: {  	v5 =	vld [tilespmem:s0+$0x390];
	v12 =	vadd.f32 v13, v6;
	v17 =	vpop (erf)  }
0xcc: {  	s8 =	simm.s32 $0x180;
	v6 =	vld [tilespmem:s0+$0x3A0];
	(erf) = vpow2.f32 v16;
	v14 =	vmul.f32 v15, v17;
	[tilespmem:s9+$0x73D0] =	vst v17  }
0xcd: {  	s10 =	simm.s32 $0x800;
	v13 =	vmul.f32 v17, v11;
	v15 =	vmul.f32 $2.000000030e-01, v12;
	v11 =	vld [tilespmem:s8+$0x3D0]  }
.LBB2_7:
0xce: {  	p0 =	sne.s32 s10, $0xDE00;
	v16 =	vld [tilespmem:s8+$0x3BF0];
	v17 =	vadd.f32 v10, v9;
	[tilespmem:s9+$0x73B0] =	vst v14;
	v10 =	vpop (erf)  }
0xcf: {  	v12 =	vmax.f32 v12, v15;
	v14 =	vld [tilespmem:s2+$0x3B0];
	v15 =	vmul.f32 v10, v7;
	[tilespmem:s9+$0x7390] =	vst v13;
	v13 =	vmul.f32 v8, v10  }
0xd0: {  	v7 =	vmovc v1;
	v1 =	vmovc v3;
	v9 =	vld [tilespmem:s8+$0x3C0];
	v18 =	vmul.f32 $2.000000030e-01, v17;
	v12 =	vmul.f32 $1.442695020e+00, v12;
	[tilespmem:s9+$0x73C0] =	vst v10;
	v19 =	vmov v5  }
.Ltmp2:
0xd1: {  	v8 =	vmov v2;
	v10 =	vld [tilespmem:s8+$0x3BE0];
	[tilespmem:s9+$0x7380] =	vst v15;
	v2 =	vmov v6;
	(pc) =	sbr.rel @p0 .LBB2_7-.Ltmp2, $4  }
0xd2: {  	v3 =	vld [tilespmem:s8+$0x380];
	v6 =	vmax.f32 v17, v18;
	(erf) = vpow2.f32 v12;
	[tilespmem:s9+$0x73A0] =	vst v13;
	s9 =	smov.u32 s2;
	s2 =	smov.u32 s0;
	s0 =	smov.u32 s8  }
0xd3: {  	v12 =	vadd.f32 v16, v11;
	v5 =	vld [tilespmem:s0+$0x390];
	v16 =	vmul.f32 $1.442695020e+00, v6;
	v11 =	vpop (erf)  }
0xd4: {  	s8 =	sshra.s32 s10, $0x2;
	v6 =	vld [tilespmem:s0+$0x3A0];
	v13 =	vmul.f32 v11, v4;
	v14 =	vmul.f32 v14, v11;
	[tilespmem:s9+$0x73D0] =	vst v11;
	v4 =	vmov v19  }
0xd5: {  	s10 =	sadd.s32 $0x200, s10;
	v11 =	vld [tilespmem:s8+$0x3D0];
	v15 =	vmul.f32 $2.000000030e-01, v12;
	(erf) = vpow2.f32 v16  }
0xd6: {  	v16 =	vld [tilespmem:s8+$0x3BF0];
	[tilespmem:s9+$0x73B0] =	vst v14  }
0xd7: {  	v14 =	vld [tilespmem:s2+$0x3B0];
	[tilespmem:s9+$0x7390] =	vst v13;
	v13 =	vpop (erf)  }
0xd8: {  	v9 =	vadd.f32 v10, v9;
	v17 =	vld [tilespmem:s8+$0x3C0];
	[tilespmem:s9+$0x73C0] =	vst v13  }
0xd9: {  	v12 =	vmax.f32 v12, v15;
	v7 =	vmul.f32 v13, v7;
	v15 =	vld [tilespmem:s8+$0x3BE0]  }
0xda: {  	v10 =	vmul.f32 $1.442695020e+00, v12;
	v12 =	vmul.f32 $2.000000030e-01, v9  }
0xdb: {  	v8 =	vmul.f32 v8, v13  }
0xdc: {  	[tilespmem:s9+$0x7380] =	vst v7;
	(erf) = vpow2.f32 v10;
	v9 =	vmax.f32 v9, v12  }
0xdd: {  	v7 =	vld [tilespmem:s8+$0x380];
	[tilespmem:s9+$0x73A0] =	vst v8;
	v8 =	vadd.f32 v16, v11;
	v11 =	vpop (erf);
	v9 =	vmul.f32 $1.442695020e+00, v9  }
0xde: {  	v10 =	vld [tilespmem:s8+$0x390];
	v13 =	vmul.f32 v14, v11;
	v15 =	vadd.f32 v15, v17  }
0xdf: {  	v12 =	vld [tilespmem:s8+$0x3A0];
	[tilespmem:s2+$0x73D0] =	vst v11;
	v14 =	vmul.f32 $2.000000030e-01, v8;
	(erf) = vpow2.f32 v9  }
0xe0: {  	v4 =	vmul.f32 v11, v4;
	[tilespmem:s2+$0x73B0] =	vst v13;
	v13 =	vmul.f32 $2.000000030e-01, v15  }
0xe1: {  	v8 =	vmax.f32 v8, v14;
	v9 =	vld [tilespmem:s0+$0x3B0]  }
0xe2: {  	v11 =	vpop (erf);
	[tilespmem:s2+$0x7390] =	vst v4;
	v8 =	vmul.f32 $1.442695020e+00, v8;
	v4 =	vmax.f32 v15, v13  }
0xe3: {  	v1 =	vmul.f32 v11, v1  }
0xe4: {  	v2 =	vmul.f32 v2, v11;
	[tilespmem:s2+$0x73C0] =	vst v11;
	(erf) = vpow2.f32 v8  }
0xe5: {  	[tilespmem:s2+$0x7380] =	vst v1;
	v1 =	vmul.f32 $1.442695020e+00, v4;
	v4 =	vpop (erf)  }
0xe6: {  	[tilespmem:s2+$0x73A0] =	vst v2;
	v2 =	vmul.f32 v9, v4  }
0xe7: {  	[tilespmem:s0+$0x73D0] =	vst v4  }
0xe8: {  	(erf) = vpow2.f32 v1;
	v1 =	vmul.f32 v4, v5;
	v4 =	vpop (erf);
	[tilespmem:s0+$0x73B0] =	vst v2  }
0xe9: {  	v3 =	vmul.f32 v4, v3;
	v2 =	vld [tilespmem:s8+$0x3B0];
	_ =	sdelay $0x2  }
0xea: {  	[tilespmem:s0+$0x7390] =	vst v1;
	v1 =	vmul.f32 v6, v4  }
0xeb: {  	[tilespmem:s0+$0x7380] =	vst v3;
	v3 =	vpop (erf)  }
0xec: {  	[tilespmem:s0+$0x73A0] =	vst v1;
	v1 =	vmul.f32 v2, v3;
	_ =	sdelay $0x1  }
0xed: {  	[tilespmem:s0+$0x73C0] =	vst v4  }
0xee: {  	[tilespmem:s8+$0x73D0] =	vst v3;
	v2 =	vmul.f32 v3, v10  }
0xef: {  	[tilespmem:s8+$0x73B0] =	vst v1;
	v1 =	vpop (erf)  }
0xf0: {  	[tilespmem:s8+$0x7390] =	vst v2;
	v3 =	vmul.f32 v1, v7  }
0xf1: {  	v2 =	vmul.f32 v12, v1;
	[tilespmem:s8+$0x73C0] =	vst v1  }
0xf2: {  	[tilespmem:s8+$0x7380] =	vst v3  }
0xf3: {  	[tilespmem:s8+$0x73A0] =	vst v2  }
0xf4: {  	[spmem:s1] =	stream.indirect.scatter.add.f32 [tilespmem:s17], [sflag:$0x3], $0x80, s25, s20, $0xb8;
	[tilespmem:$0x1FF80] =	vst v63  }
0xf5: {  	_ =	swait.ge [sflag:s18], $0x3800  }
0xf6: {  	[sflag:s18] =	ssyncset.done $0x0  }
0xf7: {  	[sflag:s18] =	ssyncadd.s32 $0xFFFFC800  }
0xf8: {  	v1 =	vld [tilespmem:$0x260]  }
0xf9: {  	v2 =	vld [tilespmem:$0x270]  }
0xfa: {  	v3 =	vld [tilespmem:$0x280]  }
0xfb: {  	v4 =	vld [tilespmem:$0x290]  }
0xfc: {  	v5 =	vld [tilespmem:$0x2A0]  }
0xfd: {  	[tilespmem:$0x300] =	vst v1;
	v1 =	vld [tilespmem:$0x2B0]  }
0xfe: {  	[tilespmem:$0x310] =	vst v2;
	v2 =	vld [tilespmem:$0x2C0]  }
0xff: {  	[tilespmem:$0x320] =	vst v3  }
0x100: {  	[tilespmem:$0x330] =	vst v4  }
0x101: {  	[tilespmem:$0x340] =	vst v5  }
0x102: {  	[tilespmem:$0x350] =	vst v1  }
0x103: {  	[tilespmem:$0x360] =	vst v2  }
0x104: {  	[tilespmem:s21], [sflag:$0x1] =	stream.indirect.gather [hbm4b:s4+s20], $0x80, s28, s20, $0xb8;
	[tilespmem:$0x1FF80] =	vst v63  }
0x105: {  	_ = 	snop  }
0x106: {  	[tilespmem:s22], [sflag:$0x2] =	stream.indirect.gather [hbm4b:s4+s20], $0x80, s29, s20, $0xb8;
	[tilespmem:$0x1FF80] =	vst v63  }
0x107: {  	_ =	swait.ge [sflag:s23], $0x3800  }
0x108: {  	[sflag:s23] =	ssyncset.done $0x0  }
0x109: {  	[sflag:s23] =	ssyncadd.s32 $0xFFFFC800  }
0x10a: {  	_ =	swait.ge [sflag:s24], $0x3800  }
0x10b: {  	[sflag:s24] =	ssyncset.done $0x0  }
0x10c: {  	s9 =	simm.s32 $0x0;
	[sflag:s24] =	ssyncadd.s32 $0xFFFFC800  }
0x10d: {  	v1 =	vld [tilespmem:s9+$0x3D0]  }
0x10e: {  	v2 =	vld [tilespmem:s9+$0x3BF0];
	_ =	sdelay $0x1  }
0x10f: {  	v3 =	vld [tilespmem:s9+$0x3C0]  }
0x110: {  	s2 =	simm.s32 $0x80;
	v5 =	vld [tilespmem:s9+$0x3BE0]  }
0x111: {  	v6 =	vld [tilespmem:s2+$0x3D0]  }
0x112: {  	v9 =	vld [tilespmem:s2+$0x3BF0];
	v1 =	vadd.f32 v2, v1;
	_ =	sdelay $0x1  }
0x113: {  	v7 =	vld [tilespmem:s9+$0x380];
	v2 =	vmul.f32 $2.000000030e-01, v1  }
0x114: {  	v11 =	vld [tilespmem:s9+$0x390];
	v3 =	vadd.f32 v5, v3  }
0x115: {  	v10 =	vld [tilespmem:s2+$0x3C0];
	v1 =	vmax.f32 v1, v2  }
0x116: {  	v12 =	vld [tilespmem:s2+$0x3BE0];
	v5 =	vadd.f32 v9, v6;
	v9 =	vmul.f32 $2.000000030e-01, v3;
	v2 =	vmul.f32 $1.442695020e+00, v1  }
0x117: {  	v8 =	vld [tilespmem:s9+$0x3A0]  }
0x118: {  	s0 =	simm.s32 $0x100;
	v4 =	vld [tilespmem:s2+$0x390];
	v3 =	vmax.f32 v3, v9;
	(erf) = vpow2.f32 v2  }
0x119: {  	v13 =	vld [tilespmem:s0+$0x3BF0];
	v16 =	vmul.f32 $1.442695020e+00, v3  }
0x11a: {  	v15 =	vld [tilespmem:s9+$0x3B0]  }
0x11b: {  	v6 =	vld [tilespmem:s0+$0x3D0];
	v12 =	vadd.f32 v12, v10;
	v14 =	vmul.f32 $2.000000030e-01, v5;
	(erf) = vpow2.f32 v16  }
0x11c: {  	v10 =	vld [tilespmem:s0+$0x3BE0]  }
0x11d: {  	v9 =	vld [tilespmem:s0+$0x3C0];
	v3 =	vmax.f32 v5, v14;
	v5 =	vmul.f32 $2.000000030e-01, v12  }
0x11e: {  	v1 =	vld [tilespmem:s2+$0x380];
	v14 =	vmul.f32 $1.442695020e+00, v3  }
0x11f: {  	v3 =	vld [tilespmem:s0+$0x380];
	v16 =	vmax.f32 v12, v5  }
0x120: {  	v2 =	vld [tilespmem:s2+$0x3A0];
	(erf) = vpow2.f32 v14;
	v16 =	vmul.f32 $1.442695020e+00, v16  }
0x121: {  	v5 =	vld [tilespmem:s0+$0x390];
	v12 =	vadd.f32 v13, v6;
	v17 =	vpop (erf)  }
0x122: {  	s8 =	simm.s32 $0x180;
	v6 =	vld [tilespmem:s0+$0x3A0];
	(erf) = vpow2.f32 v16;
	v14 =	vmul.f32 v15, v17;
	[tilespmem:s9+$0x73D0] =	vst v17  }
0x123: {  	s10 =	simm.s32 $0x800;
	v13 =	vmul.f32 v17, v11;
	v15 =	vmul.f32 $2.000000030e-01, v12;
	v11 =	vld [tilespmem:s8+$0x3D0]  }
.LBB2_9:
0x124: {  	p0 =	sne.s32 s10, $0xDE00;
	v16 =	vld [tilespmem:s8+$0x3BF0];
	v17 =	vadd.f32 v10, v9;
	[tilespmem:s9+$0x73B0] =	vst v14;
	v10 =	vpop (erf)  }
0x125: {  	v12 =	vmax.f32 v12, v15;
	v14 =	vld [tilespmem:s2+$0x3B0];
	v15 =	vmul.f32 v10, v7;
	[tilespmem:s9+$0x7390] =	vst v13;
	v13 =	vmul.f32 v8, v10  }
0x126: {  	v7 =	vmovc v1;
	v1 =	vmovc v3;
	v9 =	vld [tilespmem:s8+$0x3C0];
	v18 =	vmul.f32 $2.000000030e-01, v17;
	v12 =	vmul.f32 $1.442695020e+00, v12;
	[tilespmem:s9+$0x73C0] =	vst v10;
	v19 =	vmov v5  }
.Ltmp3:
0x127: {  	v8 =	vmov v2;
	v10 =	vld [tilespmem:s8+$0x3BE0];
	[tilespmem:s9+$0x7380] =	vst v15;
	v2 =	vmov v6;
	(pc) =	sbr.rel @p0 .LBB2_9-.Ltmp3, $4  }
0x128: {  	v3 =	vld [tilespmem:s8+$0x380];
	v6 =	vmax.f32 v17, v18;
	(erf) = vpow2.f32 v12;
	[tilespmem:s9+$0x73A0] =	vst v13;
	s9 =	smov.u32 s2;
	s2 =	smov.u32 s0;
	s0 =	smov.u32 s8  }
0x129: {  	v12 =	vadd.f32 v16, v11;
	v5 =	vld [tilespmem:s0+$0x390];
	v16 =	vmul.f32 $1.442695020e+00, v6;
	v11 =	vpop (erf)  }
0x12a: {  	s8 =	sshra.s32 s10, $0x2;
	v6 =	vld [tilespmem:s0+$0x3A0];
	v13 =	vmul.f32 v11, v4;
	v14 =	vmul.f32 v14, v11;
	[tilespmem:s9+$0x73D0] =	vst v11;
	v4 =	vmov v19  }
0x12b: {  	s10 =	sadd.s32 $0x200, s10;
	v11 =	vld [tilespmem:s8+$0x3D0];
	v15 =	vmul.f32 $2.000000030e-01, v12;
	(erf) = vpow2.f32 v16  }
0x12c: {  	v16 =	vld [tilespmem:s8+$0x3BF0];
	[tilespmem:s9+$0x73B0] =	vst v14;
	v48 =	vpop (erf);
	v9 =	vadd.f32 v10, v9  }
0x12d: {  	v14 =	vld [tilespmem:s2+$0x3B0];
	v7 =	vmul.f32 v48, v7;
	v12 =	vmax.f32 v12, v15  }
0x12e: {  	[tilespmem:s9+$0x7390] =	vst v13;
	v50 =	vmul.f32 $1.442695020e+00, v12;
	v51 =	vmul.f32 $2.000000030e-01, v9  }
0x12f: {  	v8 =	vmul.f32 v8, v48;
	v17 =	vld [tilespmem:s8+$0x3C0];
	[tilespmem:s9+$0x73C0] =	vst v48  }
0x130: {  	v49 =	vld [tilespmem:s8+$0x3BE0];
	[tilespmem:s9+$0x7380] =	vst v7;
	(erf) = vpow2.f32 v50;
	v9 =	vmax.f32 v9, v51  }
0x131: {  	v7 =	vld [tilespmem:s8+$0x380];
	[tilespmem:s9+$0x73A0] =	vst v8;
	v52 =	vadd.f32 v16, v11;
	v54 =	vpop (erf);
	v9 =	vmul.f32 $1.442695020e+00, v9  }
0x132: {  	v53 =	vld [tilespmem:s8+$0x390];
	v56 =	vmul.f32 v14, v54  }
0x133: {  	v55 =	vld [tilespmem:s8+$0x3A0];
	[tilespmem:s2+$0x73D0] =	vst v54;
	v57 =	vmul.f32 $2.000000030e-01, v52;
	(erf) = vpow2.f32 v9  }
0x134: {  	[tilespmem:s2+$0x73B0] =	vst v56  }
0x135: {  	v4 =	vmul.f32 v54, v4;
	v8 =	vmax.f32 v52, v57;
	v58 =	vld [tilespmem:s0+$0x3B0]  }
0x136: {  	v15 =	vadd.f32 v49, v17;
	v59 =	vpop (erf);
	v8 =	vmul.f32 $1.442695020e+00, v8  }
0x137: {  	v1 =	vmul.f32 v59, v1;
	[tilespmem:s2+$0x7390] =	vst v4;
	v2 =	vmul.f32 v2, v59  }
0x138: {  	[tilespmem:s2+$0x73C0] =	vst v59;
	v60 =	vmul.f32 $2.000000030e-01, v15;
	(erf) = vpow2.f32 v8  }
0x139: {  	[tilespmem:s2+$0x7380] =	vst v1;
	v62 =	vpop (erf)  }
0x13a: {  	[tilespmem:s2+$0x73A0] =	vst v2;
	v61 =	vmax.f32 v15, v60;
	v2 =	vmul.f32 v58, v62  }
0x13b: {  	v1 =	vmul.f32 $1.442695020e+00, v61;
	[tilespmem:s0+$0x73D0] =	vst v62  }
0x13c: {  	[tilespmem:s0+$0x73B0] =	vst v2;
	v63 =	vpop (erf)  }
0x13d: {  	(erf) = vpow2.f32 v1;
	v2 =	vld [tilespmem:s8+$0x3B0];
	v3 =	vmul.f32 v63, v3  }
0x13e: {  	v1 =	vmul.f32 v62, v5;
	_ =	sdelay $0x1  }
0x13f: {  	[tilespmem:s0+$0x7390] =	vst v1;
	v1 =	vmul.f32 v6, v63  }
0x140: {  	[tilespmem:s0+$0x7380] =	vst v3;
	v3 =	vpop (erf)  }
0x141: {  	[tilespmem:s0+$0x73A0] =	vst v1;
	v1 =	vmul.f32 v2, v3;
	_ =	sdelay $0x1  }
0x142: {  	[tilespmem:s0+$0x73C0] =	vst v63  }
0x143: {  	v2 =	vmul.f32 v3, v53;
	[tilespmem:s8+$0x73D0] =	vst v3  }
0x144: {  	[tilespmem:s8+$0x73B0] =	vst v1;
	v1 =	vpop (erf)  }
0x145: {  	[tilespmem:s8+$0x7390] =	vst v2;
	v3 =	vmul.f32 v1, v7  }
0x146: {  	s31 =	sadd.s32 $0x1, s31;
	v2 =	vmul.f32 v55, v1;
	[tilespmem:s8+$0x73C0] =	vst v1  }
0x147: {  	p0 =	sne.s32 s31, $0x55;
	[tilespmem:s8+$0x7380] =	vst v3  }
.Ltmp4:
0x148: {  	[tilespmem:s8+$0x73A0] =	vst v2;
	(pc) =	sbr.rel @p0 .LBB2_4-.Ltmp4, $4  }
0x149: {  	[spmem:s1] =	stream.indirect.scatter.add.f32 [tilespmem:s17], [sflag:$0x3], $0x80, s25, s20, $0xb8;
	[tilespmem:$0x1FF80] =	vst v63  }
0x14a: {  	_ =	swait.ge [sflag:s18], $0x3800  }
0x14b: {  	[sflag:s18] =	ssyncset.done $0x0  }
0x14c: {  	[sflag:s18] =	ssyncadd.s32 $0xFFFFC800  }
0x14d: {  	s0 =	stileid.u32;
	s3 =	sadd.s32 $0x1, s3  }
0x14e: {  	[bflag:$0x0] =	sbarrier.arrive $0xFFFF;
	s0 =	sshll.u32 s0, $0x6;
	p0 =	sne.s32 s3, s16  }
.Ltmp5:
0x14f: {  	s2 =	sshrl.u32 s7, $0x3;
	s0 =	sor.u32 $0x1C03, s0;
	(pc) =	sbr.rel @p0 .LBB2_1-.Ltmp5, $4  }
0x150: {  	[hbm:s15], [sflag:s0] =	dma.local [spmem:s2], $0x2A80  }
0x151: {  	_ =	swait.ge [sflag:s18], $0x2A80  }
0x152: {  	[sflag:s18] =	ssyncset.done $0x0  }
0x153: {  	[sflag:s18] =	ssyncadd.s32 $0xFFFFD580  }
0x154: {  	_ =	sfence.sel $0x180000  }
0x155: {  	[bflag:$0x0] =	sbarrier.arrive $0xFFFF  }
0x156: {  	_ =	strace $0x90000047  }
0x157: {  	s0 =	stileid.u32;
	[bflag:$0x2] =	sbarrier.arrive $0xFFFF  }
0x158: {  	p0 =	sne.s32 s0, $0x0;
	s0 =	rddreg [dreg:$0x2]  }
0x159: {  	s0 =	sadd.s32 @!p0 $0x100000, s0  }
0x15a: {  	[sflag:s0] =	ssyncadd.tile.s32 @!p0 $0x1;
	_ =	shalt  }
.Lfunc_end2:
_tile_overlayer_lowered:
.L_overlay_start_2:
0x15b: {  	(tag) =	ssettag $0x2  }
0x15c: {  	s0 =	rddreg [dreg:$0x0];
	s2 =	stileid.u32  }
0x15d: {  	s1 =	rddreg [dreg:$0x1];
	p0 =	sne.s32 s2, $0x0  }
0x15e: {  	s3 =	rddreg [dreg:$0x2];
	[bflag:$0x3] =	sbarrier.arrive $0xFFFF;
	s2 =	simm.s32 @!p0 $0x1C03  }
0x15f: {  	[timem:s3], [sflag:s2] =	dma.local @!p0 [hbm:s0], s1  }
0x160: {  	s0 =	simm.s32 @!p0 $0x3  }
0x161: {  	_ =	swait.ge @!p0 [sflag:s0], s1  }
0x162: {  	s1 =	ssub.s32 @!p0 $0x0, s1;
	[sflag:s0] =	ssyncset.done @!p0 $0x0  }
0x163: {  	[sflag:s0] =	ssyncadd.s32 @!p0 s1  }
0x164: {  	[bflag:$0x3] =	sbarrier.arrive $0xFFFF  }
0x165: {  	_ =	shalt  }

</sc_bundles>
